<compile_context>
chip_gen: v7x
topology: tpu7x:2x2x1
jax: 0.10.2.dev20260603
libtpu: 0.0.44.dev20260713+nightly
codegen_flags: <defaults>
</compile_context>

<pallas_src>
import functools

import jax
import jax.numpy as jnp
from jax import lax
from jax.experimental import pallas as pl
from jax.experimental.pallas import tpu as pltpu
from jax.experimental.pallas import tpu_sc as plsc

_LANES = 16


def _tc_relayout(tab_t, V, D):
    C = 1024
    G = (V + C - 1) // C

    def body(x_ref, y_ref):
        x = x_ref[...]
        parts = [jnp.transpose(x[:, 128 * j:128 * (j + 1)]) for j in range(8)]
        y_ref[...] = jnp.concatenate(parts, axis=1)

    out = pl.pallas_call(
        body,
        grid=(G,),
        in_specs=[pl.BlockSpec((D, C), lambda j: (0, j))],
        out_specs=pl.BlockSpec((128, 128), lambda j: (j, 0)),
        out_shape=jax.ShapeDtypeStruct((G * 128, 128), jnp.float32),
    )(tab_t)
    return out.reshape(G * C, D)


def _remap(v):
    return ((v & -1024) + ((v & 127) << 3) + ((v >> 7) & 7)).astype(jnp.int32)


def _sc_stage(inputs_f, predict_f, normal_f, ih_rm, hu_rm, B, K, D, NC, NS):
    NW = NC * NS
    BW = B // NW
    CHUNK = 128
    CPW = (BW * K) // CHUNK
    mesh = plsc.VectorSubcoreMesh(core_axis_name="c", subcore_axis_name="s")

    @functools.partial(
        pl.kernel,
        mesh=mesh,
        out_type=(
            jax.ShapeDtypeStruct((B,), jnp.float32),
            jax.ShapeDtypeStruct((B,), jnp.float32),
        ),
        scratch_types=[
            pltpu.VMEM((BW,), jnp.int32),
            pltpu.VMEM((BW,), jnp.int32),
            pltpu.VMEM((BW * K,), jnp.int32),
            pltpu.VMEM((BW, D), jnp.float32),
            pltpu.VMEM((BW, D), jnp.float32),
            pltpu.VMEM((BW * K, D), jnp.float32),
            pltpu.VMEM((BW,), jnp.float32),
            pltpu.VMEM((BW,), jnp.float32),
            pltpu.SemaphoreType.DMA,
        ],
        compiler_params=pltpu.CompilerParams(
            needs_layout_passes=False, use_tc_tiling_on_sc=False),
    )
    def sc_kernel(inputs_hbm, predict_hbm, normal_hbm, ih_hbm, hu_hbm,
                  denom_hbm, scores_hbm,
                  iidx_v, pidx_v, nidx_v, irows_v, prows_v, nrows_v,
                  denom_v, scores_v, sem):
        wid = lax.axis_index("s") * NC + lax.axis_index("c")
        base = wid * BW
        pltpu.sync_copy(inputs_hbm.at[pl.ds(base, BW)], iidx_v)
        pltpu.sync_copy(predict_hbm.at[pl.ds(base, BW)], pidx_v)
        pltpu.sync_copy(normal_hbm.at[pl.ds(wid * BW * K, BW * K)], nidx_v)

        def remap_ref(ref, n):
            def step(i, carry):
                v = ref[pl.ds(i * _LANES, _LANES)]
                ref[pl.ds(i * _LANES, _LANES)] = _remap(v)
                return carry
            lax.fori_loop(0, n // _LANES, step, 0)

        remap_ref(iidx_v, BW)
        remap_ref(pidx_v, BW)
        remap_ref(nidx_v, BW * K)

        copies = [
            pltpu.async_copy(ih_hbm.at[iidx_v], irows_v, sem),
            pltpu.async_copy(hu_hbm.at[pidx_v], prows_v, sem),
        ]
        for j in range(CPW):
            copies.append(pltpu.async_copy(
                hu_hbm.at[nidx_v.at[pl.ds(j * CHUNK, CHUNK)]],
                nrows_v.at[pl.ds(j * CHUNK, CHUNK)], sem))
        for cp in copies:
            cp.wait()

        iota = lax.iota(jnp.int32, _LANES)
        cols = [jnp.full((_LANES,), d, jnp.int32) for d in range(D)]

        def blk(i, carry):
            b0 = i * _LANES
            bvec = b0 + iota
            icols = [plsc.load_gather(irows_v, [bvec, cols[d]])
                     for d in range(D)]
            dsum = jnp.zeros((_LANES,), jnp.float32)
            for k in range(K):
                rvec = bvec * K + k
                acc = jnp.zeros((_LANES,), jnp.float32)
                for d in range(D):
                    nv = plsc.load_gather(nrows_v, [rvec, cols[d]])
                    acc = acc + nv * icols[d]
                dsum = dsum + jnp.exp(acc)
            sc = jnp.zeros((_LANES,), jnp.float32)
            for d in range(D):
                pv = plsc.load_gather(prows_v, [bvec, cols[d]])
                sc = sc + pv * icols[d]
            denom_v[pl.ds(b0, _LANES)] = dsum
            scores_v[pl.ds(b0, _LANES)] = sc
            return carry

        lax.fori_loop(0, BW // _LANES, blk, 0)
        pltpu.sync_copy(denom_v, denom_hbm.at[pl.ds(base, BW)])
        pltpu.sync_copy(scores_v, scores_hbm.at[pl.ds(base, BW)])

    return sc_kernel(inputs_f, predict_f, normal_f, ih_rm, hu_rm)


def _tc_finish(denom, scores, B):
    def body(denom_ref, scores_ref, out_ref):
        dl = jnp.log(denom_ref[...])
        val = (jnp.sum(dl) - jnp.sum(scores_ref[...])) / B
        out_ref[...] = jnp.full((1, 1), val, jnp.float32)

    return pl.pallas_call(
        body,
        out_shape=jax.ShapeDtypeStruct((1, 1), jnp.float32),
    )(denom, scores)


def kernel(inputs, predict, normal, I_H, H_U):
    B = inputs.shape[0]
    K = normal.shape[1]
    D = I_H.shape[1]
    V = I_H.shape[0]
    info = plsc.get_sparse_core_info()
    NC, NS = info.num_cores, info.num_subcores
    inputs_f = inputs.reshape(-1).astype(jnp.int32)
    predict_f = predict.reshape(-1).astype(jnp.int32)
    normal_f = normal.reshape(-1).astype(jnp.int32)
    ih_rm = _tc_relayout(I_H.T, V, D)
    hu_rm = _tc_relayout(H_U.T, V, D)
    denom, scores = _sc_stage(inputs_f, predict_f, normal_f, ih_rm, hu_rm,
                              B, K, D, NC, NS)
    nll = _tc_finish(denom.reshape(B // 128, 128), scores.reshape(B // 128, 128), B)
    return nll.reshape((1,))

# --- scband reference (transcript-rebuilt; emitter-appended) ---
"""Pipeline reference for scband-skip-gram-31705448579083 (READ-ONLY COPY).

The authoritative reference and input builder live on the scoring server;
editing this copy changes nothing except your own understanding.
"""

import jax, jax.numpy as jnp
import numpy as np

VOCAB = 1000000
DIM = 16
B = 4096
K = 20

def setup_inputs(seed: int = 0) -> dict:
    key = jax.random.key(seed)
    k1, k2, k3, k4, k5 = jax.random.split(key, 5)
    inputs = jax.random.randint(k1, (B, 1), 0, VOCAB, dtype=jnp.int64) if jax.config.jax_enable_x64 else jax.random.randint(k1, (B, 1), 0, VOCAB, dtype=jnp.int32)
    predict = jax.random.randint(k2, (B, 1), 0, VOCAB, dtype=inputs.dtype)
    normal = jax.random.randint(k3, (B, K), 0, VOCAB, dtype=inputs.dtype)
    # learned embedding tables (keras Embedding default uniform init; scaled small to keep exp() stable)
    I_H = jax.random.uniform(k4, (VOCAB, DIM), dtype=jnp.float32, minval=-0.05, maxval=0.05)
    H_U = jax.random.uniform(k5, (VOCAB, DIM), dtype=jnp.float32, minval=-0.05, maxval=0.05)
    return {"inputs": inputs, "predict": predict, "normal": normal, "I_H": I_H, "H_U": H_U}

def reference(inputs, predict, normal, I_H, H_U):
    # inputs_embed = self.I_H(inputs) -> gather
    inputs_embed = jnp.take(I_H, inputs, axis=0)      # [B, 1, D]
    predict_embed = jnp.take(H_U, predict, axis=0)    # [B, 1, D]
    normal_embed = jnp.take(H_U, normal, axis=0)      # [B, K, D]
    # scores = matmul(predict_embed, transpose(inputs_embed, [0,2,1])) squeezed on axis 2
    scores = jnp.squeeze(jnp.matmul(predict_embed, jnp.transpose(inputs_embed, (0, 2, 1))), 2)        # [B, 1]
    norm_scores = jnp.squeeze(jnp.matmul(normal_embed, jnp.transpose(inputs_embed, (0, 2, 1))), 2)    # [B, K]
    # nll = expand_dims(-reduce_mean(log(exp(scores) / reduce_sum(exp(norm_scores), 1))), 0)
    denom = jnp.sum(jnp.exp(norm_scores), axis=1)     # [B]
    ratio = jnp.exp(scores) / denom                   # broadcasts [B,1]/[B] -> [B,B], faithful to TF semantics
    nll = jnp.expand_dims(-jnp.mean(jnp.log(ratio)), axis=0)  # [1]
    return nll

if __name__ == "__main__":
    import jax
    _d = setup_inputs()
    print(jax.jit(kernel)(*tuple(_d.values())))

</pallas_src>

<mosaic_0001>
#map = affine_map<(d0, d1) -> (0)>
#map1 = affine_map<(d0, d1) -> (0, 0)>
module attributes {stable_mosaic.version = 14 : i64} {
  func.func @sc_kernel(%arg0: i32, %arg1: i32, %arg2: memref<4096xi32, #tpu.memory_space<hbm>>, %arg3: memref<4096xi32, #tpu.memory_space<hbm>>, %arg4: memref<81920xi32, #tpu.memory_space<hbm>>, %arg5: memref<1000448x16xf32, #tpu.memory_space<hbm>>, %arg6: memref<1000448x16xf32, #tpu.memory_space<hbm>>, %arg7: memref<4096xf32, #tpu.memory_space<hbm>>, %arg8: memref<4096xf32, #tpu.memory_space<hbm>>, %arg9: memref<128xi32, #tpu.memory_space<vmem>>, %arg10: memref<128xi32, #tpu.memory_space<vmem>>, %arg11: memref<2560xi32, #tpu.memory_space<vmem>>, %arg12: memref<128x16xf32, #tpu.memory_space<vmem>>, %arg13: memref<128x16xf32, #tpu.memory_space<vmem>>, %arg14: memref<2560x16xf32, #tpu.memory_space<vmem>>, %arg15: memref<128xf32, #tpu.memory_space<vmem>>, %arg16: memref<128xf32, #tpu.memory_space<vmem>>, %arg17: memref<!tpu.dma_semaphore, #tpu.memory_space<semaphore_mem>>) attributes {dimension_semantics = [#tpu.dimension_semantics<core_parallel>, #tpu.dimension_semantics<subcore_parallel>], iteration_bounds = array<i64: 2, 16>, scalar_prefetch = 0 : i64, scratch_operands = 9 : i64, tpu.core_type = #tpu.core_type<sc_vector_subcore>, window_params = [{transform_indices = #map}, {transform_indices = #map}, {transform_indices = #map}, {transform_indices = #map1}, {transform_indices = #map1}, {transform_indices = #map}, {transform_indices = #map}]} {
    %mul3A = arith.constant 2 : i32
    %mul3A_0 = arith.muli %arg1, %mul3A : i32
    %add3A = arith.addi %mul3A_0, %arg0 : i32
    %mul3A_1 = arith.constant 128 : i32
    %mul3A_2 = arith.muli %add3A, %mul3A_1 : i32
    "tpu.region"() ({
      %run_scoped3A = tpu.sem_alloc : memref<!tpu.dma_semaphore, #tpu.memory_space<semaphore_mem>>
      %dma_start3A_391 = tpu.memref_slice %arg2[%mul3A_2] : memref<4096xi32, #tpu.memory_space<hbm>> -> memref<128xi32, #tpu.memory_space<hbm>>
      %dma_start3A_392 = tpu.memref_slice %arg2[%mul3A_2] : memref<4096xi32, #tpu.memory_space<hbm>> -> memref<128xi32, #tpu.memory_space<hbm>>
      tpu.enqueue_dma source(%dma_start3A_392 : memref<128xi32, #tpu.memory_space<hbm>>) target(%arg9 : memref<128xi32, #tpu.memory_space<vmem>>) target_semaphore(%run_scoped3A : memref<!tpu.dma_semaphore, #tpu.memory_space<semaphore_mem>>)
      %dma_wait3A_393 = tpu.memref_slice %arg2[%mul3A_2] : memref<4096xi32, #tpu.memory_space<hbm>> -> memref<128xi32, #tpu.memory_space<hbm>>
      %dma_wait3A_394 = tpu.memref_slice %arg2[%mul3A_2] : memref<4096xi32, #tpu.memory_space<hbm>> -> memref<128xi32, #tpu.memory_space<hbm>>
      tpu.wait_dma2 semaphore(%run_scoped3A : memref<!tpu.dma_semaphore, #tpu.memory_space<semaphore_mem>>) src(%dma_wait3A_394 : memref<128xi32, #tpu.memory_space<hbm>>) dst(%arg9 : memref<128xi32, #tpu.memory_space<vmem>>)
      tpu.yield
    }) : () -> ()
    "tpu.region"() ({
      %run_scoped3A = tpu.sem_alloc : memref<!tpu.dma_semaphore, #tpu.memory_space<semaphore_mem>>
      %dma_start3A_391 = tpu.memref_slice %arg3[%mul3A_2] : memref<4096xi32, #tpu.memory_space<hbm>> -> memref<128xi32, #tpu.memory_space<hbm>>
      %dma_start3A_392 = tpu.memref_slice %arg3[%mul3A_2] : memref<4096xi32, #tpu.memory_space<hbm>> -> memref<128xi32, #tpu.memory_space<hbm>>
      tpu.enqueue_dma source(%dma_start3A_392 : memref<128xi32, #tpu.memory_space<hbm>>) target(%arg10 : memref<128xi32, #tpu.memory_space<vmem>>) target_semaphore(%run_scoped3A : memref<!tpu.dma_semaphore, #tpu.memory_space<semaphore_mem>>)
      %dma_wait3A_393 = tpu.memref_slice %arg3[%mul3A_2] : memref<4096xi32, #tpu.memory_space<hbm>> -> memref<128xi32, #tpu.memory_space<hbm>>
      %dma_wait3A_394 = tpu.memref_slice %arg3[%mul3A_2] : memref<4096xi32, #tpu.memory_space<hbm>> -> memref<128xi32, #tpu.memory_space<hbm>>
      tpu.wait_dma2 semaphore(%run_scoped3A : memref<!tpu.dma_semaphore, #tpu.memory_space<semaphore_mem>>) src(%dma_wait3A_394 : memref<128xi32, #tpu.memory_space<hbm>>) dst(%arg10 : memref<128xi32, #tpu.memory_space<vmem>>)
      tpu.yield
    }) : () -> ()
    %mul3A_3 = arith.constant 128 : i32
    %mul3A_4 = arith.muli %add3A, %mul3A_3 : i32
    %mul3A_5 = arith.constant 20 : i32
    %mul3A_6 = arith.muli %mul3A_4, %mul3A_5 : i32
    "tpu.region"() ({
      %run_scoped3A = tpu.sem_alloc : memref<!tpu.dma_semaphore, #tpu.memory_space<semaphore_mem>>
      %dma_start3A_391 = tpu.memref_slice %arg4[%mul3A_6] : memref<81920xi32, #tpu.memory_space<hbm>> -> memref<2560xi32, #tpu.memory_space<hbm>>
      %dma_start3A_392 = tpu.memref_slice %arg4[%mul3A_6] : memref<81920xi32, #tpu.memory_space<hbm>> -> memref<2560xi32, #tpu.memory_space<hbm>>
      tpu.enqueue_dma source(%dma_start3A_392 : memref<2560xi32, #tpu.memory_space<hbm>>) target(%arg11 : memref<2560xi32, #tpu.memory_space<vmem>>) target_semaphore(%run_scoped3A : memref<!tpu.dma_semaphore, #tpu.memory_space<semaphore_mem>>)
      %dma_wait3A_393 = tpu.memref_slice %arg4[%mul3A_6] : memref<81920xi32, #tpu.memory_space<hbm>> -> memref<2560xi32, #tpu.memory_space<hbm>>
      %dma_wait3A_394 = tpu.memref_slice %arg4[%mul3A_6] : memref<81920xi32, #tpu.memory_space<hbm>> -> memref<2560xi32, #tpu.memory_space<hbm>>
      tpu.wait_dma2 semaphore(%run_scoped3A : memref<!tpu.dma_semaphore, #tpu.memory_space<semaphore_mem>>) src(%dma_wait3A_394 : memref<2560xi32, #tpu.memory_space<hbm>>) dst(%arg11 : memref<2560xi32, #tpu.memory_space<vmem>>)
      tpu.yield
    }) : () -> ()
    %scan3A = arith.constant 0 : i32
    %scan3A_7 = arith.constant 0 : i32
    %scan3A_8 = arith.constant 8 : i32
    %scan3A_9 = arith.addi %scan3A_7, %scan3A_8 : i32
    %scan3A_10 = arith.constant 1 : i32
    scf.for %scan3A_391 = %scan3A_7 to %scan3A_9 step %scan3A_10  : i32 {
      %mul3A_392 = arith.constant 16 : i32
      %mul3A_393 = arith.muli %scan3A_391, %mul3A_392 : i32
      %get3A = arith.index_cast %mul3A_393 : i32 to index
      %get3A_394 = tpu.vector_load %arg9[%get3A] {strides = array<i32>} : memref<128xi32, #tpu.memory_space<vmem>>, vector<16xi32>,
      %and3A = arith.constant -1024 : i32
      %and3A_395 = vector.broadcast %and3A : i32 to vector<16xi32>
      %and3A_396 = arith.andi %get3A_394, %and3A_395 : vector<16xi32>
      %and3A_397 = arith.constant 127 : i32
      %and3A_398 = vector.broadcast %and3A_397 : i32 to vector<16xi32>
      %and3A_399 = arith.andi %get3A_394, %and3A_398 : vector<16xi32>
      %shift_left3A = arith.constant 3 : i32
      %shift_left3A_400 = vector.broadcast %shift_left3A : i32 to vector<16xi32>
      %shift_left3A_401 = arith.shli %and3A_399, %shift_left3A_400 : vector<16xi32>
      %add3A_402 = arith.addi %and3A_396, %shift_left3A_401 : vector<16xi32>
      %shift_right_arithmetic3A = arith.constant 7 : i32
      %shift_right_arithmetic3A_403 = vector.broadcast %shift_right_arithmetic3A : i32 to vector<16xi32>
      %shift_right_arithmetic3A_404 = arith.shrsi %get3A_394, %shift_right_arithmetic3A_403 : vector<16xi32>
      %and3A_405 = arith.constant 7 : i32
      %and3A_406 = vector.broadcast %and3A_405 : i32 to vector<16xi32>
      %and3A_407 = arith.andi %shift_right_arithmetic3A_404, %and3A_406 : vector<16xi32>
      %add3A_408 = arith.addi %add3A_402, %and3A_407 : vector<16xi32>
      %mul3A_409 = arith.constant 16 : i32
      %mul3A_410 = arith.muli %scan3A_391, %mul3A_409 : i32
      %swap3A = arith.index_cast %mul3A_410 : i32 to index
      %swap3A_411 = tpu.vector_load %arg9[%swap3A] {strides = array<i32>} : memref<128xi32, #tpu.memory_space<vmem>>, vector<16xi32>,
      tpu.vector_store %arg9[%swap3A], %add3A_408 {strides = array<i32>} : memref<128xi32, #tpu.memory_space<vmem>>, vector<16xi32>,
    }
    %scan3A_11 = arith.constant 8 : i32
    %scan3A_12 = arith.constant 0 : i32
    %scan3A_13 = arith.constant 0 : i32
    %scan3A_14 = arith.constant 8 : i32
    %scan3A_15 = arith.addi %scan3A_13, %scan3A_14 : i32
    %scan3A_16 = arith.constant 1 : i32
    scf.for %scan3A_391 = %scan3A_13 to %scan3A_15 step %scan3A_16  : i32 {
      %mul3A_392 = arith.constant 16 : i32
      %mul3A_393 = arith.muli %scan3A_391, %mul3A_392 : i32
      %get3A = arith.index_cast %mul3A_393 : i32 to index
      %get3A_394 = tpu.vector_load %arg10[%get3A] {strides = array<i32>} : memref<128xi32, #tpu.memory_space<vmem>>, vector<16xi32>,
      %and3A = arith.constant -1024 : i32
      %and3A_395 = vector.broadcast %and3A : i32 to vector<16xi32>
      %and3A_396 = arith.andi %get3A_394, %and3A_395 : vector<16xi32>
      %and3A_397 = arith.constant 127 : i32
      %and3A_398 = vector.broadcast %and3A_397 : i32 to vector<16xi32>
      %and3A_399 = arith.andi %get3A_394, %and3A_398 : vector<16xi32>
      %shift_left3A = arith.constant 3 : i32
      %shift_left3A_400 = vector.broadcast %shift_left3A : i32 to vector<16xi32>
      %shift_left3A_401 = arith.shli %and3A_399, %shift_left3A_400 : vector<16xi32>
      %add3A_402 = arith.addi %and3A_396, %shift_left3A_401 : vector<16xi32>
      %shift_right_arithmetic3A = arith.constant 7 : i32
      %shift_right_arithmetic3A_403 = vector.broadcast %shift_right_arithmetic3A : i32 to vector<16xi32>
      %shift_right_arithmetic3A_404 = arith.shrsi %get3A_394, %shift_right_arithmetic3A_403 : vector<16xi32>
      %and3A_405 = arith.constant 7 : i32
      %and3A_406 = vector.broadcast %and3A_405 : i32 to vector<16xi32>
      %and3A_407 = arith.andi %shift_right_arithmetic3A_404, %and3A_406 : vector<16xi32>
      %add3A_408 = arith.addi %add3A_402, %and3A_407 : vector<16xi32>
      %mul3A_409 = arith.constant 16 : i32
      %mul3A_410 = arith.muli %scan3A_391, %mul3A_409 : i32
      %swap3A = arith.index_cast %mul3A_410 : i32 to index
      %swap3A_411 = tpu.vector_load %arg10[%swap3A] {strides = array<i32>} : memref<128xi32, #tpu.memory_space<vmem>>, vector<16xi32>,
      tpu.vector_store %arg10[%swap3A], %add3A_408 {strides = array<i32>} : memref<128xi32, #tpu.memory_space<vmem>>, vector<16xi32>,
    }
    %scan3A_17 = arith.constant 8 : i32
    %scan3A_18 = arith.constant 0 : i32
    %scan3A_19 = arith.constant 0 : i32
    %scan3A_20 = arith.constant 160 : i32
    %scan3A_21 = arith.addi %scan3A_19, %scan3A_20 : i32
    %scan3A_22 = arith.constant 1 : i32
    scf.for %scan3A_391 = %scan3A_19 to %scan3A_21 step %scan3A_22  : i32 {
      %mul3A_392 = arith.constant 16 : i32
      %mul3A_393 = arith.muli %scan3A_391, %mul3A_392 : i32
      %get3A = arith.index_cast %mul3A_393 : i32 to index
      %get3A_394 = tpu.vector_load %arg11[%get3A] {strides = array<i32>} : memref<2560xi32, #tpu.memory_space<vmem>>, vector<16xi32>,
      %and3A = arith.constant -1024 : i32
      %and3A_395 = vector.broadcast %and3A : i32 to vector<16xi32>
      %and3A_396 = arith.andi %get3A_394, %and3A_395 : vector<16xi32>
      %and3A_397 = arith.constant 127 : i32
      %and3A_398 = vector.broadcast %and3A_397 : i32 to vector<16xi32>
      %and3A_399 = arith.andi %get3A_394, %and3A_398 : vector<16xi32>
      %shift_left3A = arith.constant 3 : i32
      %shift_left3A_400 = vector.broadcast %shift_left3A : i32 to vector<16xi32>
      %shift_left3A_401 = arith.shli %and3A_399, %shift_left3A_400 : vector<16xi32>
      %add3A_402 = arith.addi %and3A_396, %shift_left3A_401 : vector<16xi32>
      %shift_right_arithmetic3A = arith.constant 7 : i32
      %shift_right_arithmetic3A_403 = vector.broadcast %shift_right_arithmetic3A : i32 to vector<16xi32>
      %shift_right_arithmetic3A_404 = arith.shrsi %get3A_394, %shift_right_arithmetic3A_403 : vector<16xi32>
      %and3A_405 = arith.constant 7 : i32
      %and3A_406 = vector.broadcast %and3A_405 : i32 to vector<16xi32>
      %and3A_407 = arith.andi %shift_right_arithmetic3A_404, %and3A_406 : vector<16xi32>
      %add3A_408 = arith.addi %add3A_402, %and3A_407 : vector<16xi32>
      %mul3A_409 = arith.constant 16 : i32
      %mul3A_410 = arith.muli %scan3A_391, %mul3A_409 : i32
      %swap3A = arith.index_cast %mul3A_410 : i32 to index
      %swap3A_411 = tpu.vector_load %arg11[%swap3A] {strides = array<i32>} : memref<2560xi32, #tpu.memory_space<vmem>>, vector<16xi32>,
      tpu.vector_store %arg11[%swap3A], %add3A_408 {strides = array<i32>} : memref<2560xi32, #tpu.memory_space<vmem>>, vector<16xi32>,
    }
    %scan3A_23 = arith.constant 160 : i32
    %dma_start3A = arith.constant 0 : i32
    %dma_start3A_24 = arith.constant 0 : i32
    %dma_start3A_25 = tpu.memref_slice %arg5[%dma_start3A, %dma_start3A_24] : memref<1000448x16xf32, #tpu.memory_space<hbm>> -> memref<1000448x16xf32, #tpu.memory_space<hbm>>
    tpu.enqueue_indirect_dma source(%dma_start3A_25 : memref<1000448x16xf32, #tpu.memory_space<hbm>>) target(%arg12 : memref<128x16xf32, #tpu.memory_space<vmem>>) offsets(%arg9 : memref<128xi32, #tpu.memory_space<vmem>>) semaphore(%arg17 : memref<!tpu.dma_semaphore, #tpu.memory_space<semaphore_mem>>)
    %dma_start3A_26 = arith.constant 0 : i32
    %dma_start3A_27 = arith.constant 0 : i32
    %dma_start3A_28 = tpu.memref_slice %arg6[%dma_start3A_26, %dma_start3A_27] : memref<1000448x16xf32, #tpu.memory_space<hbm>> -> memref<1000448x16xf32, #tpu.memory_space<hbm>>
    tpu.enqueue_indirect_dma source(%dma_start3A_28 : memref<1000448x16xf32, #tpu.memory_space<hbm>>) target(%arg13 : memref<128x16xf32, #tpu.memory_space<vmem>>) offsets(%arg10 : memref<128xi32, #tpu.memory_space<vmem>>) semaphore(%arg17 : memref<!tpu.dma_semaphore, #tpu.memory_space<semaphore_mem>>)
    %dma_start3A_29 = arith.constant 0 : i32
    %dma_start3A_30 = arith.constant 0 : i32
    %dma_start3A_31 = tpu.memref_slice %arg14[%dma_start3A_29, %dma_start3A_30] : memref<2560x16xf32, #tpu.memory_space<vmem>> -> memref<128x16xf32, #tpu.memory_space<vmem>>
    %dma_start3A_32 = arith.constant 0 : i32
    %dma_start3A_33 = tpu.memref_slice %arg11[%dma_start3A_32] : memref<2560xi32, #tpu.memory_space<vmem>> -> memref<128xi32, #tpu.memory_space<vmem>>
    %dma_start3A_34 = arith.constant 0 : i32
    %dma_start3A_35 = arith.constant 0 : i32
    %dma_start3A_36 = tpu.memref_slice %arg6[%dma_start3A_34, %dma_start3A_35] : memref<1000448x16xf32, #tpu.memory_space<hbm>> -> memref<1000448x16xf32, #tpu.memory_space<hbm>>
    tpu.enqueue_indirect_dma source(%dma_start3A_36 : memref<1000448x16xf32, #tpu.memory_space<hbm>>) target(%dma_start3A_31 : memref<128x16xf32, #tpu.memory_space<vmem>>) offsets(%dma_start3A_33 : memref<128xi32, #tpu.memory_space<vmem>>) semaphore(%arg17 : memref<!tpu.dma_semaphore, #tpu.memory_space<semaphore_mem>>)
    %dma_start3A_37 = arith.constant 128 : i32
    %dma_start3A_38 = arith.constant 0 : i32
    %dma_start3A_39 = tpu.memref_slice %arg14[%dma_start3A_37, %dma_start3A_38] : memref<2560x16xf32, #tpu.memory_space<vmem>> -> memref<128x16xf32, #tpu.memory_space<vmem>>
    %dma_start3A_40 = arith.constant 128 : i32
    %dma_start3A_41 = tpu.memref_slice %arg11[%dma_start3A_40] : memref<2560xi32, #tpu.memory_space<vmem>> -> memref<128xi32, #tpu.memory_space<vmem>>
    %dma_start3A_42 = arith.constant 0 : i32
    %dma_start3A_43 = arith.constant 0 : i32
    %dma_start3A_44 = tpu.memref_slice %arg6[%dma_start3A_42, %dma_start3A_43] : memref<1000448x16xf32, #tpu.memory_space<hbm>> -> memref<1000448x16xf32, #tpu.memory_space<hbm>>
    tpu.enqueue_indirect_dma source(%dma_start3A_44 : memref<1000448x16xf32, #tpu.memory_space<hbm>>) target(%dma_start3A_39 : memref<128x16xf32, #tpu.memory_space<vmem>>) offsets(%dma_start3A_41 : memref<128xi32, #tpu.memory_space<vmem>>) semaphore(%arg17 : memref<!tpu.dma_semaphore, #tpu.memory_space<semaphore_mem>>)
    %dma_start3A_45 = arith.constant 256 : i32
    %dma_start3A_46 = arith.constant 0 : i32
    %dma_start3A_47 = tpu.memref_slice %arg14[%dma_start3A_45, %dma_start3A_46] : memref<2560x16xf32, #tpu.memory_space<vmem>> -> memref<128x16xf32, #tpu.memory_space<vmem>>
    %dma_start3A_48 = arith.constant 256 : i32
    %dma_start3A_49 = tpu.memref_slice %arg11[%dma_start3A_48] : memref<2560xi32, #tpu.memory_space<vmem>> -> memref<128xi32, #tpu.memory_space<vmem>>
    %dma_start3A_50 = arith.constant 0 : i32
    %dma_start3A_51 = arith.constant 0 : i32
    %dma_start3A_52 = tpu.memref_slice %arg6[%dma_start3A_50, %dma_start3A_51] : memref<1000448x16xf32, #tpu.memory_space<hbm>> -> memref<1000448x16xf32, #tpu.memory_space<hbm>>
    tpu.enqueue_indirect_dma source(%dma_start3A_52 : memref<1000448x16xf32, #tpu.memory_space<hbm>>) target(%dma_start3A_47 : memref<128x16xf32, #tpu.memory_space<vmem>>) offsets(%dma_start3A_49 : memref<128xi32, #tpu.memory_space<vmem>>) semaphore(%arg17 : memref<!tpu.dma_semaphore, #tpu.memory_space<semaphore_mem>>)
    %dma_start3A_53 = arith.constant 384 : i32
    %dma_start3A_54 = arith.constant 0 : i32
    %dma_start3A_55 = tpu.memref_slice %arg14[%dma_start3A_53, %dma_start3A_54] : memref<2560x16xf32, #tpu.memory_space<vmem>> -> memref<128x16xf32, #tpu.memory_space<vmem>>
    %dma_start3A_56 = arith.constant 384 : i32
    %dma_start3A_57 = tpu.memref_slice %arg11[%dma_start3A_56] : memref<2560xi32, #tpu.memory_space<vmem>> -> memref<128xi32, #tpu.memory_space<vmem>>
    %dma_start3A_58 = arith.constant 0 : i32
    %dma_start3A_59 = arith.constant 0 : i32
    %dma_start3A_60 = tpu.memref_slice %arg6[%dma_start3A_58, %dma_start3A_59] : memref<1000448x16xf32, #tpu.memory_space<hbm>> -> memref<1000448x16xf32, #tpu.memory_space<hbm>>
    tpu.enqueue_indirect_dma source(%dma_start3A_60 : memref<1000448x16xf32, #tpu.memory_space<hbm>>) target(%dma_start3A_55 : memref<128x16xf32, #tpu.memory_space<vmem>>) offsets(%dma_start3A_57 : memref<128xi32, #tpu.memory_space<vmem>>) semaphore(%arg17 : memref<!tpu.dma_semaphore, #tpu.memory_space<semaphore_mem>>)
    %dma_start3A_61 = arith.constant 512 : i32
    %dma_start3A_62 = arith.constant 0 : i32
    %dma_start3A_63 = tpu.memref_slice %arg14[%dma_start3A_61, %dma_start3A_62] : memref<2560x16xf32, #tpu.memory_space<vmem>> -> memref<128x16xf32, #tpu.memory_space<vmem>>
    %dma_start3A_64 = arith.constant 512 : i32
    %dma_start3A_65 = tpu.memref_slice %arg11[%dma_start3A_64] : memref<2560xi32, #tpu.memory_space<vmem>> -> memref<128xi32, #tpu.memory_space<vmem>>
    %dma_start3A_66 = arith.constant 0 : i32
    %dma_start3A_67 = arith.constant 0 : i32
    %dma_start3A_68 = tpu.memref_slice %arg6[%dma_start3A_66, %dma_start3A_67] : memref<1000448x16xf32, #tpu.memory_space<hbm>> -> memref<1000448x16xf32, #tpu.memory_space<hbm>>
    tpu.enqueue_indirect_dma source(%dma_start3A_68 : memref<1000448x16xf32, #tpu.memory_space<hbm>>) target(%dma_start3A_63 : memref<128x16xf32, #tpu.memory_space<vmem>>) offsets(%dma_start3A_65 : memref<128xi32, #tpu.memory_space<vmem>>) semaphore(%arg17 : memref<!tpu.dma_semaphore, #tpu.memory_space<semaphore_mem>>)
    %dma_start3A_69 = arith.constant 640 : i32
    %dma_start3A_70 = arith.constant 0 : i32
    %dma_start3A_71 = tpu.memref_slice %arg14[%dma_start3A_69, %dma_start3A_70] : memref<2560x16xf32, #tpu.memory_space<vmem>> -> memref<128x16xf32, #tpu.memory_space<vmem>>
    %dma_start3A_72 = arith.constant 640 : i32
    %dma_start3A_73 = tpu.memref_slice %arg11[%dma_start3A_72] : memref<2560xi32, #tpu.memory_space<vmem>> -> memref<128xi32, #tpu.memory_space<vmem>>
    %dma_start3A_74 = arith.constant 0 : i32
    %dma_start3A_75 = arith.constant 0 : i32
    %dma_start3A_76 = tpu.memref_slice %arg6[%dma_start3A_74, %dma_start3A_75] : memref<1000448x16xf32, #tpu.memory_space<hbm>> -> memref<1000448x16xf32, #tpu.memory_space<hbm>>
    tpu.enqueue_indirect_dma source(%dma_start3A_76 : memref<1000448x16xf32, #tpu.memory_space<hbm>>) target(%dma_start3A_71 : memref<128x16xf32, #tpu.memory_space<vmem>>) offsets(%dma_start3A_73 : memref<128xi32, #tpu.memory_space<vmem>>) semaphore(%arg17 : memref<!tpu.dma_semaphore, #tpu.memory_space<semaphore_mem>>)
    %dma_start3A_77 = arith.constant 768 : i32
    %dma_start3A_78 = arith.constant 0 : i32
    %dma_start3A_79 = tpu.memref_slice %arg14[%dma_start3A_77, %dma_start3A_78] : memref<2560x16xf32, #tpu.memory_space<vmem>> -> memref<128x16xf32, #tpu.memory_space<vmem>>
    %dma_start3A_80 = arith.constant 768 : i32
    %dma_start3A_81 = tpu.memref_slice %arg11[%dma_start3A_80] : memref<2560xi32, #tpu.memory_space<vmem>> -> memref<128xi32, #tpu.memory_space<vmem>>
    %dma_start3A_82 = arith.constant 0 : i32
    %dma_start3A_83 = arith.constant 0 : i32
    %dma_start3A_84 = tpu.memref_slice %arg6[%dma_start3A_82, %dma_start3A_83] : memref<1000448x16xf32, #tpu.memory_space<hbm>> -> memref<1000448x16xf32, #tpu.memory_space<hbm>>
    tpu.enqueue_indirect_dma source(%dma_start3A_84 : memref<1000448x16xf32, #tpu.memory_space<hbm>>) target(%dma_start3A_79 : memref<128x16xf32, #tpu.memory_space<vmem>>) offsets(%dma_start3A_81 : memref<128xi32, #tpu.memory_space<vmem>>) semaphore(%arg17 : memref<!tpu.dma_semaphore, #tpu.memory_space<semaphore_mem>>)
    %dma_start3A_85 = arith.constant 896 : i32
    %dma_start3A_86 = arith.constant 0 : i32
    %dma_start3A_87 = tpu.memref_slice %arg14[%dma_start3A_85, %dma_start3A_86] : memref<2560x16xf32, #tpu.memory_space<vmem>> -> memref<128x16xf32, #tpu.memory_space<vmem>>
    %dma_start3A_88 = arith.constant 896 : i32
    %dma_start3A_89 = tpu.memref_slice %arg11[%dma_start3A_88] : memref<2560xi32, #tpu.memory_space<vmem>> -> memref<128xi32, #tpu.memory_space<vmem>>
    %dma_start3A_90 = arith.constant 0 : i32
    %dma_start3A_91 = arith.constant 0 : i32
    %dma_start3A_92 = tpu.memref_slice %arg6[%dma_start3A_90, %dma_start3A_91] : memref<1000448x16xf32, #tpu.memory_space<hbm>> -> memref<1000448x16xf32, #tpu.memory_space<hbm>>
    tpu.enqueue_indirect_dma source(%dma_start3A_92 : memref<1000448x16xf32, #tpu.memory_space<hbm>>) target(%dma_start3A_87 : memref<128x16xf32, #tpu.memory_space<vmem>>) offsets(%dma_start3A_89 : memref<128xi32, #tpu.memory_space<vmem>>) semaphore(%arg17 : memref<!tpu.dma_semaphore, #tpu.memory_space<semaphore_mem>>)
    %dma_start3A_93 = arith.constant 1024 : i32
    %dma_start3A_94 = arith.constant 0 : i32
    %dma_start3A_95 = tpu.memref_slice %arg14[%dma_start3A_93, %dma_start3A_94] : memref<2560x16xf32, #tpu.memory_space<vmem>> -> memref<128x16xf32, #tpu.memory_space<vmem>>
    %dma_start3A_96 = arith.constant 1024 : i32
    %dma_start3A_97 = tpu.memref_slice %arg11[%dma_start3A_96] : memref<2560xi32, #tpu.memory_space<vmem>> -> memref<128xi32, #tpu.memory_space<vmem>>
    %dma_start3A_98 = arith.constant 0 : i32
    %dma_start3A_99 = arith.constant 0 : i32
    %dma_start3A_100 = tpu.memref_slice %arg6[%dma_start3A_98, %dma_start3A_99] : memref<1000448x16xf32, #tpu.memory_space<hbm>> -> memref<1000448x16xf32, #tpu.memory_space<hbm>>
    tpu.enqueue_indirect_dma source(%dma_start3A_100 : memref<1000448x16xf32, #tpu.memory_space<hbm>>) target(%dma_start3A_95 : memref<128x16xf32, #tpu.memory_space<vmem>>) offsets(%dma_start3A_97 : memref<128xi32, #tpu.memory_space<vmem>>) semaphore(%arg17 : memref<!tpu.dma_semaphore, #tpu.memory_space<semaphore_mem>>)
    %dma_start3A_101 = arith.constant 1152 : i32
    %dma_start3A_102 = arith.constant 0 : i32
    %dma_start3A_103 = tpu.memref_slice %arg14[%dma_start3A_101, %dma_start3A_102] : memref<2560x16xf32, #tpu.memory_space<vmem>> -> memref<128x16xf32, #tpu.memory_space<vmem>>
    %dma_start3A_104 = arith.constant 1152 : i32
    %dma_start3A_105 = tpu.memref_slice %arg11[%dma_start3A_104] : memref<2560xi32, #tpu.memory_space<vmem>> -> memref<128xi32, #tpu.memory_space<vmem>>
    %dma_start3A_106 = arith.constant 0 : i32
    %dma_start3A_107 = arith.constant 0 : i32
    %dma_start3A_108 = tpu.memref_slice %arg6[%dma_start3A_106, %dma_start3A_107] : memref<1000448x16xf32, #tpu.memory_space<hbm>> -> memref<1000448x16xf32, #tpu.memory_space<hbm>>
    tpu.enqueue_indirect_dma source(%dma_start3A_108 : memref<1000448x16xf32, #tpu.memory_space<hbm>>) target(%dma_start3A_103 : memref<128x16xf32, #tpu.memory_space<vmem>>) offsets(%dma_start3A_105 : memref<128xi32, #tpu.memory_space<vmem>>) semaphore(%arg17 : memref<!tpu.dma_semaphore, #tpu.memory_space<semaphore_mem>>)
    %dma_start3A_109 = arith.constant 1280 : i32
    %dma_start3A_110 = arith.constant 0 : i32
    %dma_start3A_111 = tpu.memref_slice %arg14[%dma_start3A_109, %dma_start3A_110] : memref<2560x16xf32, #tpu.memory_space<vmem>> -> memref<128x16xf32, #tpu.memory_space<vmem>>
    %dma_start3A_112 = arith.constant 1280 : i32
    %dma_start3A_113 = tpu.memref_slice %arg11[%dma_start3A_112] : memref<2560xi32, #tpu.memory_space<vmem>> -> memref<128xi32, #tpu.memory_space<vmem>>
    %dma_start3A_114 = arith.constant 0 : i32
    %dma_start3A_115 = arith.constant 0 : i32
    %dma_start3A_116 = tpu.memref_slice %arg6[%dma_start3A_114, %dma_start3A_115] : memref<1000448x16xf32, #tpu.memory_space<hbm>> -> memref<1000448x16xf32, #tpu.memory_space<hbm>>
    tpu.enqueue_indirect_dma source(%dma_start3A_116 : memref<1000448x16xf32, #tpu.memory_space<hbm>>) target(%dma_start3A_111 : memref<128x16xf32, #tpu.memory_space<vmem>>) offsets(%dma_start3A_113 : memref<128xi32, #tpu.memory_space<vmem>>) semaphore(%arg17 : memref<!tpu.dma_semaphore, #tpu.memory_space<semaphore_mem>>)
    %dma_start3A_117 = arith.constant 1408 : i32
    %dma_start3A_118 = arith.constant 0 : i32
    %dma_start3A_119 = tpu.memref_slice %arg14[%dma_start3A_117, %dma_start3A_118] : memref<2560x16xf32, #tpu.memory_space<vmem>> -> memref<128x16xf32, #tpu.memory_space<vmem>>
    %dma_start3A_120 = arith.constant 1408 : i32
    %dma_start3A_121 = tpu.memref_slice %arg11[%dma_start3A_120] : memref<2560xi32, #tpu.memory_space<vmem>> -> memref<128xi32, #tpu.memory_space<vmem>>
    %dma_start3A_122 = arith.constant 0 : i32
    %dma_start3A_123 = arith.constant 0 : i32
    %dma_start3A_124 = tpu.memref_slice %arg6[%dma_start3A_122, %dma_start3A_123] : memref<1000448x16xf32, #tpu.memory_space<hbm>> -> memref<1000448x16xf32, #tpu.memory_space<hbm>>
    tpu.enqueue_indirect_dma source(%dma_start3A_124 : memref<1000448x16xf32, #tpu.memory_space<hbm>>) target(%dma_start3A_119 : memref<128x16xf32, #tpu.memory_space<vmem>>) offsets(%dma_start3A_121 : memref<128xi32, #tpu.memory_space<vmem>>) semaphore(%arg17 : memref<!tpu.dma_semaphore, #tpu.memory_space<semaphore_mem>>)
    %dma_start3A_125 = arith.constant 1536 : i32
    %dma_start3A_126 = arith.constant 0 : i32
    %dma_start3A_127 = tpu.memref_slice %arg14[%dma_start3A_125, %dma_start3A_126] : memref<2560x16xf32, #tpu.memory_space<vmem>> -> memref<128x16xf32, #tpu.memory_space<vmem>>
    %dma_start3A_128 = arith.constant 1536 : i32
    %dma_start3A_129 = tpu.memref_slice %arg11[%dma_start3A_128] : memref<2560xi32, #tpu.memory_space<vmem>> -> memref<128xi32, #tpu.memory_space<vmem>>
    %dma_start3A_130 = arith.constant 0 : i32
    %dma_start3A_131 = arith.constant 0 : i32
    %dma_start3A_132 = tpu.memref_slice %arg6[%dma_start3A_130, %dma_start3A_131] : memref<1000448x16xf32, #tpu.memory_space<hbm>> -> memref<1000448x16xf32, #tpu.memory_space<hbm>>
    tpu.enqueue_indirect_dma source(%dma_start3A_132 : memref<1000448x16xf32, #tpu.memory_space<hbm>>) target(%dma_start3A_127 : memref<128x16xf32, #tpu.memory_space<vmem>>) offsets(%dma_start3A_129 : memref<128xi32, #tpu.memory_space<vmem>>) semaphore(%arg17 : memref<!tpu.dma_semaphore, #tpu.memory_space<semaphore_mem>>)
    %dma_start3A_133 = arith.constant 1664 : i32
    %dma_start3A_134 = arith.constant 0 : i32
    %dma_start3A_135 = tpu.memref_slice %arg14[%dma_start3A_133, %dma_start3A_134] : memref<2560x16xf32, #tpu.memory_space<vmem>> -> memref<128x16xf32, #tpu.memory_space<vmem>>
    %dma_start3A_136 = arith.constant 1664 : i32
    %dma_start3A_137 = tpu.memref_slice %arg11[%dma_start3A_136] : memref<2560xi32, #tpu.memory_space<vmem>> -> memref<128xi32, #tpu.memory_space<vmem>>
    %dma_start3A_138 = arith.constant 0 : i32
    %dma_start3A_139 = arith.constant 0 : i32
    %dma_start3A_140 = tpu.memref_slice %arg6[%dma_start3A_138, %dma_start3A_139] : memref<1000448x16xf32, #tpu.memory_space<hbm>> -> memref<1000448x16xf32, #tpu.memory_space<hbm>>
    tpu.enqueue_indirect_dma source(%dma_start3A_140 : memref<1000448x16xf32, #tpu.memory_space<hbm>>) target(%dma_start3A_135 : memref<128x16xf32, #tpu.memory_space<vmem>>) offsets(%dma_start3A_137 : memref<128xi32, #tpu.memory_space<vmem>>) semaphore(%arg17 : memref<!tpu.dma_semaphore, #tpu.memory_space<semaphore_mem>>)
    %dma_start3A_141 = arith.constant 1792 : i32
    %dma_start3A_142 = arith.constant 0 : i32
    %dma_start3A_143 = tpu.memref_slice %arg14[%dma_start3A_141, %dma_start3A_142] : memref<2560x16xf32, #tpu.memory_space<vmem>> -> memref<128x16xf32, #tpu.memory_space<vmem>>
    %dma_start3A_144 = arith.constant 1792 : i32
    %dma_start3A_145 = tpu.memref_slice %arg11[%dma_start3A_144] : memref<2560xi32, #tpu.memory_space<vmem>> -> memref<128xi32, #tpu.memory_space<vmem>>
    %dma_start3A_146 = arith.constant 0 : i32
    %dma_start3A_147 = arith.constant 0 : i32
    %dma_start3A_148 = tpu.memref_slice %arg6[%dma_start3A_146, %dma_start3A_147] : memref<1000448x16xf32, #tpu.memory_space<hbm>> -> memref<1000448x16xf32, #tpu.memory_space<hbm>>
    tpu.enqueue_indirect_dma source(%dma_start3A_148 : memref<1000448x16xf32, #tpu.memory_space<hbm>>) target(%dma_start3A_143 : memref<128x16xf32, #tpu.memory_space<vmem>>) offsets(%dma_start3A_145 : memref<128xi32, #tpu.memory_space<vmem>>) semaphore(%arg17 : memref<!tpu.dma_semaphore, #tpu.memory_space<semaphore_mem>>)
    %dma_start3A_149 = arith.constant 1920 : i32
    %dma_start3A_150 = arith.constant 0 : i32
    %dma_start3A_151 = tpu.memref_slice %arg14[%dma_start3A_149, %dma_start3A_150] : memref<2560x16xf32, #tpu.memory_space<vmem>> -> memref<128x16xf32, #tpu.memory_space<vmem>>
    %dma_start3A_152 = arith.constant 1920 : i32
    %dma_start3A_153 = tpu.memref_slice %arg11[%dma_start3A_152] : memref<2560xi32, #tpu.memory_space<vmem>> -> memref<128xi32, #tpu.memory_space<vmem>>
    %dma_start3A_154 = arith.constant 0 : i32
    %dma_start3A_155 = arith.constant 0 : i32
    %dma_start3A_156 = tpu.memref_slice %arg6[%dma_start3A_154, %dma_start3A_155] : memref<1000448x16xf32, #tpu.memory_space<hbm>> -> memref<1000448x16xf32, #tpu.memory_space<hbm>>
    tpu.enqueue_indirect_dma source(%dma_start3A_156 : memref<1000448x16xf32, #tpu.memory_space<hbm>>) target(%dma_start3A_151 : memref<128x16xf32, #tpu.memory_space<vmem>>) offsets(%dma_start3A_153 : memref<128xi32, #tpu.memory_space<vmem>>) semaphore(%arg17 : memref<!tpu.dma_semaphore, #tpu.memory_space<semaphore_mem>>)
    %dma_start3A_157 = arith.constant 2048 : i32
    %dma_start3A_158 = arith.constant 0 : i32
    %dma_start3A_159 = tpu.memref_slice %arg14[%dma_start3A_157, %dma_start3A_158] : memref<2560x16xf32, #tpu.memory_space<vmem>> -> memref<128x16xf32, #tpu.memory_space<vmem>>
    %dma_start3A_160 = arith.constant 2048 : i32
    %dma_start3A_161 = tpu.memref_slice %arg11[%dma_start3A_160] : memref<2560xi32, #tpu.memory_space<vmem>> -> memref<128xi32, #tpu.memory_space<vmem>>
    %dma_start3A_162 = arith.constant 0 : i32
    %dma_start3A_163 = arith.constant 0 : i32
    %dma_start3A_164 = tpu.memref_slice %arg6[%dma_start3A_162, %dma_start3A_163] : memref<1000448x16xf32, #tpu.memory_space<hbm>> -> memref<1000448x16xf32, #tpu.memory_space<hbm>>
    tpu.enqueue_indirect_dma source(%dma_start3A_164 : memref<1000448x16xf32, #tpu.memory_space<hbm>>) target(%dma_start3A_159 : memref<128x16xf32, #tpu.memory_space<vmem>>) offsets(%dma_start3A_161 : memref<128xi32, #tpu.memory_space<vmem>>) semaphore(%arg17 : memref<!tpu.dma_semaphore, #tpu.memory_space<semaphore_mem>>)
    %dma_start3A_165 = arith.constant 2176 : i32
    %dma_start3A_166 = arith.constant 0 : i32
    %dma_start3A_167 = tpu.memref_slice %arg14[%dma_start3A_165, %dma_start3A_166] : memref<2560x16xf32, #tpu.memory_space<vmem>> -> memref<128x16xf32, #tpu.memory_space<vmem>>
    %dma_start3A_168 = arith.constant 2176 : i32
    %dma_start3A_169 = tpu.memref_slice %arg11[%dma_start3A_168] : memref<2560xi32, #tpu.memory_space<vmem>> -> memref<128xi32, #tpu.memory_space<vmem>>
    %dma_start3A_170 = arith.constant 0 : i32
    %dma_start3A_171 = arith.constant 0 : i32
    %dma_start3A_172 = tpu.memref_slice %arg6[%dma_start3A_170, %dma_start3A_171] : memref<1000448x16xf32, #tpu.memory_space<hbm>> -> memref<1000448x16xf32, #tpu.memory_space<hbm>>
    tpu.enqueue_indirect_dma source(%dma_start3A_172 : memref<1000448x16xf32, #tpu.memory_space<hbm>>) target(%dma_start3A_167 : memref<128x16xf32, #tpu.memory_space<vmem>>) offsets(%dma_start3A_169 : memref<128xi32, #tpu.memory_space<vmem>>) semaphore(%arg17 : memref<!tpu.dma_semaphore, #tpu.memory_space<semaphore_mem>>)
    %dma_start3A_173 = arith.constant 2304 : i32
    %dma_start3A_174 = arith.constant 0 : i32
    %dma_start3A_175 = tpu.memref_slice %arg14[%dma_start3A_173, %dma_start3A_174] : memref<2560x16xf32, #tpu.memory_space<vmem>> -> memref<128x16xf32, #tpu.memory_space<vmem>>
    %dma_start3A_176 = arith.constant 2304 : i32
    %dma_start3A_177 = tpu.memref_slice %arg11[%dma_start3A_176] : memref<2560xi32, #tpu.memory_space<vmem>> -> memref<128xi32, #tpu.memory_space<vmem>>
    %dma_start3A_178 = arith.constant 0 : i32
    %dma_start3A_179 = arith.constant 0 : i32
    %dma_start3A_180 = tpu.memref_slice %arg6[%dma_start3A_178, %dma_start3A_179] : memref<1000448x16xf32, #tpu.memory_space<hbm>> -> memref<1000448x16xf32, #tpu.memory_space<hbm>>
    tpu.enqueue_indirect_dma source(%dma_start3A_180 : memref<1000448x16xf32, #tpu.memory_space<hbm>>) target(%dma_start3A_175 : memref<128x16xf32, #tpu.memory_space<vmem>>) offsets(%dma_start3A_177 : memref<128xi32, #tpu.memory_space<vmem>>) semaphore(%arg17 : memref<!tpu.dma_semaphore, #tpu.memory_space<semaphore_mem>>)
    %dma_start3A_181 = arith.constant 2432 : i32
    %dma_start3A_182 = arith.constant 0 : i32
    %dma_start3A_183 = tpu.memref_slice %arg14[%dma_start3A_181, %dma_start3A_182] : memref<2560x16xf32, #tpu.memory_space<vmem>> -> memref<128x16xf32, #tpu.memory_space<vmem>>
    %dma_start3A_184 = arith.constant 2432 : i32
    %dma_start3A_185 = tpu.memref_slice %arg11[%dma_start3A_184] : memref<2560xi32, #tpu.memory_space<vmem>> -> memref<128xi32, #tpu.memory_space<vmem>>
    %dma_start3A_186 = arith.constant 0 : i32
    %dma_start3A_187 = arith.constant 0 : i32
    %dma_start3A_188 = tpu.memref_slice %arg6[%dma_start3A_186, %dma_start3A_187] : memref<1000448x16xf32, #tpu.memory_space<hbm>> -> memref<1000448x16xf32, #tpu.memory_space<hbm>>
    tpu.enqueue_indirect_dma source(%dma_start3A_188 : memref<1000448x16xf32, #tpu.memory_space<hbm>>) target(%dma_start3A_183 : memref<128x16xf32, #tpu.memory_space<vmem>>) offsets(%dma_start3A_185 : memref<128xi32, #tpu.memory_space<vmem>>) semaphore(%arg17 : memref<!tpu.dma_semaphore, #tpu.memory_space<semaphore_mem>>)
    %dma_wait3A = arith.constant 0 : i32
    %dma_wait3A_189 = arith.constant 0 : i32
    %dma_wait3A_190 = tpu.memref_slice %arg5[%dma_wait3A, %dma_wait3A_189] : memref<1000448x16xf32, #tpu.memory_space<hbm>> -> memref<1000448x16xf32, #tpu.memory_space<hbm>>
    tpu.wait_indirect_dma semaphore(%arg17 : memref<!tpu.dma_semaphore, #tpu.memory_space<semaphore_mem>>) src(%dma_wait3A_190 : memref<1000448x16xf32, #tpu.memory_space<hbm>>) dst(%arg12 : memref<128x16xf32, #tpu.memory_space<vmem>>)
    %dma_wait3A_191 = arith.constant 0 : i32
    %dma_wait3A_192 = arith.constant 0 : i32
    %dma_wait3A_193 = tpu.memref_slice %arg6[%dma_wait3A_191, %dma_wait3A_192] : memref<1000448x16xf32, #tpu.memory_space<hbm>> -> memref<1000448x16xf32, #tpu.memory_space<hbm>>
    tpu.wait_indirect_dma semaphore(%arg17 : memref<!tpu.dma_semaphore, #tpu.memory_space<semaphore_mem>>) src(%dma_wait3A_193 : memref<1000448x16xf32, #tpu.memory_space<hbm>>) dst(%arg13 : memref<128x16xf32, #tpu.memory_space<vmem>>)
    %dma_wait3A_194 = arith.constant 0 : i32
    %dma_wait3A_195 = arith.constant 0 : i32
    %dma_wait3A_196 = tpu.memref_slice %arg14[%dma_wait3A_194, %dma_wait3A_195] : memref<2560x16xf32, #tpu.memory_space<vmem>> -> memref<128x16xf32, #tpu.memory_space<vmem>>
    %dma_wait3A_197 = arith.constant 0 : i32
    %dma_wait3A_198 = tpu.memref_slice %arg11[%dma_wait3A_197] : memref<2560xi32, #tpu.memory_space<vmem>> -> memref<128xi32, #tpu.memory_space<vmem>>
    %dma_wait3A_199 = arith.constant 0 : i32
    %dma_wait3A_200 = arith.constant 0 : i32
    %dma_wait3A_201 = tpu.memref_slice %arg6[%dma_wait3A_199, %dma_wait3A_200] : memref<1000448x16xf32, #tpu.memory_space<hbm>> -> memref<1000448x16xf32, #tpu.memory_space<hbm>>
    tpu.wait_indirect_dma semaphore(%arg17 : memref<!tpu.dma_semaphore, #tpu.memory_space<semaphore_mem>>) src(%dma_wait3A_201 : memref<1000448x16xf32, #tpu.memory_space<hbm>>) dst(%dma_wait3A_196 : memref<128x16xf32, #tpu.memory_space<vmem>>)
    %dma_wait3A_202 = arith.constant 128 : i32
    %dma_wait3A_203 = arith.constant 0 : i32
    %dma_wait3A_204 = tpu.memref_slice %arg14[%dma_wait3A_202, %dma_wait3A_203] : memref<2560x16xf32, #tpu.memory_space<vmem>> -> memref<128x16xf32, #tpu.memory_space<vmem>>
    %dma_wait3A_205 = arith.constant 128 : i32
    %dma_wait3A_206 = tpu.memref_slice %arg11[%dma_wait3A_205] : memref<2560xi32, #tpu.memory_space<vmem>> -> memref<128xi32, #tpu.memory_space<vmem>>
    %dma_wait3A_207 = arith.constant 0 : i32
    %dma_wait3A_208 = arith.constant 0 : i32
    %dma_wait3A_209 = tpu.memref_slice %arg6[%dma_wait3A_207, %dma_wait3A_208] : memref<1000448x16xf32, #tpu.memory_space<hbm>> -> memref<1000448x16xf32, #tpu.memory_space<hbm>>
    tpu.wait_indirect_dma semaphore(%arg17 : memref<!tpu.dma_semaphore, #tpu.memory_space<semaphore_mem>>) src(%dma_wait3A_209 : memref<1000448x16xf32, #tpu.memory_space<hbm>>) dst(%dma_wait3A_204 : memref<128x16xf32, #tpu.memory_space<vmem>>)
    %dma_wait3A_210 = arith.constant 256 : i32
    %dma_wait3A_211 = arith.constant 0 : i32
    %dma_wait3A_212 = tpu.memref_slice %arg14[%dma_wait3A_210, %dma_wait3A_211] : memref<2560x16xf32, #tpu.memory_space<vmem>> -> memref<128x16xf32, #tpu.memory_space<vmem>>
    %dma_wait3A_213 = arith.constant 256 : i32
    %dma_wait3A_214 = tpu.memref_slice %arg11[%dma_wait3A_213] : memref<2560xi32, #tpu.memory_space<vmem>> -> memref<128xi32, #tpu.memory_space<vmem>>
    %dma_wait3A_215 = arith.constant 0 : i32
    %dma_wait3A_216 = arith.constant 0 : i32
    %dma_wait3A_217 = tpu.memref_slice %arg6[%dma_wait3A_215, %dma_wait3A_216] : memref<1000448x16xf32, #tpu.memory_space<hbm>> -> memref<1000448x16xf32, #tpu.memory_space<hbm>>
    tpu.wait_indirect_dma semaphore(%arg17 : memref<!tpu.dma_semaphore, #tpu.memory_space<semaphore_mem>>) src(%dma_wait3A_217 : memref<1000448x16xf32, #tpu.memory_space<hbm>>) dst(%dma_wait3A_212 : memref<128x16xf32, #tpu.memory_space<vmem>>)
    %dma_wait3A_218 = arith.constant 384 : i32
    %dma_wait3A_219 = arith.constant 0 : i32
    %dma_wait3A_220 = tpu.memref_slice %arg14[%dma_wait3A_218, %dma_wait3A_219] : memref<2560x16xf32, #tpu.memory_space<vmem>> -> memref<128x16xf32, #tpu.memory_space<vmem>>
    %dma_wait3A_221 = arith.constant 384 : i32
    %dma_wait3A_222 = tpu.memref_slice %arg11[%dma_wait3A_221] : memref<2560xi32, #tpu.memory_space<vmem>> -> memref<128xi32, #tpu.memory_space<vmem>>
    %dma_wait3A_223 = arith.constant 0 : i32
    %dma_wait3A_224 = arith.constant 0 : i32
    %dma_wait3A_225 = tpu.memref_slice %arg6[%dma_wait3A_223, %dma_wait3A_224] : memref<1000448x16xf32, #tpu.memory_space<hbm>> -> memref<1000448x16xf32, #tpu.memory_space<hbm>>
    tpu.wait_indirect_dma semaphore(%arg17 : memref<!tpu.dma_semaphore, #tpu.memory_space<semaphore_mem>>) src(%dma_wait3A_225 : memref<1000448x16xf32, #tpu.memory_space<hbm>>) dst(%dma_wait3A_220 : memref<128x16xf32, #tpu.memory_space<vmem>>)
    %dma_wait3A_226 = arith.constant 512 : i32
    %dma_wait3A_227 = arith.constant 0 : i32
    %dma_wait3A_228 = tpu.memref_slice %arg14[%dma_wait3A_226, %dma_wait3A_227] : memref<2560x16xf32, #tpu.memory_space<vmem>> -> memref<128x16xf32, #tpu.memory_space<vmem>>
    %dma_wait3A_229 = arith.constant 512 : i32
    %dma_wait3A_230 = tpu.memref_slice %arg11[%dma_wait3A_229] : memref<2560xi32, #tpu.memory_space<vmem>> -> memref<128xi32, #tpu.memory_space<vmem>>
    %dma_wait3A_231 = arith.constant 0 : i32
    %dma_wait3A_232 = arith.constant 0 : i32
    %dma_wait3A_233 = tpu.memref_slice %arg6[%dma_wait3A_231, %dma_wait3A_232] : memref<1000448x16xf32, #tpu.memory_space<hbm>> -> memref<1000448x16xf32, #tpu.memory_space<hbm>>
    tpu.wait_indirect_dma semaphore(%arg17 : memref<!tpu.dma_semaphore, #tpu.memory_space<semaphore_mem>>) src(%dma_wait3A_233 : memref<1000448x16xf32, #tpu.memory_space<hbm>>) dst(%dma_wait3A_228 : memref<128x16xf32, #tpu.memory_space<vmem>>)
    %dma_wait3A_234 = arith.constant 640 : i32
    %dma_wait3A_235 = arith.constant 0 : i32
    %dma_wait3A_236 = tpu.memref_slice %arg14[%dma_wait3A_234, %dma_wait3A_235] : memref<2560x16xf32, #tpu.memory_space<vmem>> -> memref<128x16xf32, #tpu.memory_space<vmem>>
    %dma_wait3A_237 = arith.constant 640 : i32
    %dma_wait3A_238 = tpu.memref_slice %arg11[%dma_wait3A_237] : memref<2560xi32, #tpu.memory_space<vmem>> -> memref<128xi32, #tpu.memory_space<vmem>>
    %dma_wait3A_239 = arith.constant 0 : i32
    %dma_wait3A_240 = arith.constant 0 : i32
    %dma_wait3A_241 = tpu.memref_slice %arg6[%dma_wait3A_239, %dma_wait3A_240] : memref<1000448x16xf32, #tpu.memory_space<hbm>> -> memref<1000448x16xf32, #tpu.memory_space<hbm>>
    tpu.wait_indirect_dma semaphore(%arg17 : memref<!tpu.dma_semaphore, #tpu.memory_space<semaphore_mem>>) src(%dma_wait3A_241 : memref<1000448x16xf32, #tpu.memory_space<hbm>>) dst(%dma_wait3A_236 : memref<128x16xf32, #tpu.memory_space<vmem>>)
    %dma_wait3A_242 = arith.constant 768 : i32
    %dma_wait3A_243 = arith.constant 0 : i32
    %dma_wait3A_244 = tpu.memref_slice %arg14[%dma_wait3A_242, %dma_wait3A_243] : memref<2560x16xf32, #tpu.memory_space<vmem>> -> memref<128x16xf32, #tpu.memory_space<vmem>>
    %dma_wait3A_245 = arith.constant 768 : i32
    %dma_wait3A_246 = tpu.memref_slice %arg11[%dma_wait3A_245] : memref<2560xi32, #tpu.memory_space<vmem>> -> memref<128xi32, #tpu.memory_space<vmem>>
    %dma_wait3A_247 = arith.constant 0 : i32
    %dma_wait3A_248 = arith.constant 0 : i32
    %dma_wait3A_249 = tpu.memref_slice %arg6[%dma_wait3A_247, %dma_wait3A_248] : memref<1000448x16xf32, #tpu.memory_space<hbm>> -> memref<1000448x16xf32, #tpu.memory_space<hbm>>
    tpu.wait_indirect_dma semaphore(%arg17 : memref<!tpu.dma_semaphore, #tpu.memory_space<semaphore_mem>>) src(%dma_wait3A_249 : memref<1000448x16xf32, #tpu.memory_space<hbm>>) dst(%dma_wait3A_244 : memref<128x16xf32, #tpu.memory_space<vmem>>)
    %dma_wait3A_250 = arith.constant 896 : i32
    %dma_wait3A_251 = arith.constant 0 : i32
    %dma_wait3A_252 = tpu.memref_slice %arg14[%dma_wait3A_250, %dma_wait3A_251] : memref<2560x16xf32, #tpu.memory_space<vmem>> -> memref<128x16xf32, #tpu.memory_space<vmem>>
    %dma_wait3A_253 = arith.constant 896 : i32
    %dma_wait3A_254 = tpu.memref_slice %arg11[%dma_wait3A_253] : memref<2560xi32, #tpu.memory_space<vmem>> -> memref<128xi32, #tpu.memory_space<vmem>>
    %dma_wait3A_255 = arith.constant 0 : i32
    %dma_wait3A_256 = arith.constant 0 : i32
    %dma_wait3A_257 = tpu.memref_slice %arg6[%dma_wait3A_255, %dma_wait3A_256] : memref<1000448x16xf32, #tpu.memory_space<hbm>> -> memref<1000448x16xf32, #tpu.memory_space<hbm>>
    tpu.wait_indirect_dma semaphore(%arg17 : memref<!tpu.dma_semaphore, #tpu.memory_space<semaphore_mem>>) src(%dma_wait3A_257 : memref<1000448x16xf32, #tpu.memory_space<hbm>>) dst(%dma_wait3A_252 : memref<128x16xf32, #tpu.memory_space<vmem>>)
    %dma_wait3A_258 = arith.constant 1024 : i32
    %dma_wait3A_259 = arith.constant 0 : i32
    %dma_wait3A_260 = tpu.memref_slice %arg14[%dma_wait3A_258, %dma_wait3A_259] : memref<2560x16xf32, #tpu.memory_space<vmem>> -> memref<128x16xf32, #tpu.memory_space<vmem>>
    %dma_wait3A_261 = arith.constant 1024 : i32
    %dma_wait3A_262 = tpu.memref_slice %arg11[%dma_wait3A_261] : memref<2560xi32, #tpu.memory_space<vmem>> -> memref<128xi32, #tpu.memory_space<vmem>>
    %dma_wait3A_263 = arith.constant 0 : i32
    %dma_wait3A_264 = arith.constant 0 : i32
    %dma_wait3A_265 = tpu.memref_slice %arg6[%dma_wait3A_263, %dma_wait3A_264] : memref<1000448x16xf32, #tpu.memory_space<hbm>> -> memref<1000448x16xf32, #tpu.memory_space<hbm>>
    tpu.wait_indirect_dma semaphore(%arg17 : memref<!tpu.dma_semaphore, #tpu.memory_space<semaphore_mem>>) src(%dma_wait3A_265 : memref<1000448x16xf32, #tpu.memory_space<hbm>>) dst(%dma_wait3A_260 : memref<128x16xf32, #tpu.memory_space<vmem>>)
    %dma_wait3A_266 = arith.constant 1152 : i32
    %dma_wait3A_267 = arith.constant 0 : i32
    %dma_wait3A_268 = tpu.memref_slice %arg14[%dma_wait3A_266, %dma_wait3A_267] : memref<2560x16xf32, #tpu.memory_space<vmem>> -> memref<128x16xf32, #tpu.memory_space<vmem>>
    %dma_wait3A_269 = arith.constant 1152 : i32
    %dma_wait3A_270 = tpu.memref_slice %arg11[%dma_wait3A_269] : memref<2560xi32, #tpu.memory_space<vmem>> -> memref<128xi32, #tpu.memory_space<vmem>>
    %dma_wait3A_271 = arith.constant 0 : i32
    %dma_wait3A_272 = arith.constant 0 : i32
    %dma_wait3A_273 = tpu.memref_slice %arg6[%dma_wait3A_271, %dma_wait3A_272] : memref<1000448x16xf32, #tpu.memory_space<hbm>> -> memref<1000448x16xf32, #tpu.memory_space<hbm>>
    tpu.wait_indirect_dma semaphore(%arg17 : memref<!tpu.dma_semaphore, #tpu.memory_space<semaphore_mem>>) src(%dma_wait3A_273 : memref<1000448x16xf32, #tpu.memory_space<hbm>>) dst(%dma_wait3A_268 : memref<128x16xf32, #tpu.memory_space<vmem>>)
    %dma_wait3A_274 = arith.constant 1280 : i32
    %dma_wait3A_275 = arith.constant 0 : i32
    %dma_wait3A_276 = tpu.memref_slice %arg14[%dma_wait3A_274, %dma_wait3A_275] : memref<2560x16xf32, #tpu.memory_space<vmem>> -> memref<128x16xf32, #tpu.memory_space<vmem>>
    %dma_wait3A_277 = arith.constant 1280 : i32
    %dma_wait3A_278 = tpu.memref_slice %arg11[%dma_wait3A_277] : memref<2560xi32, #tpu.memory_space<vmem>> -> memref<128xi32, #tpu.memory_space<vmem>>
    %dma_wait3A_279 = arith.constant 0 : i32
    %dma_wait3A_280 = arith.constant 0 : i32
    %dma_wait3A_281 = tpu.memref_slice %arg6[%dma_wait3A_279, %dma_wait3A_280] : memref<1000448x16xf32, #tpu.memory_space<hbm>> -> memref<1000448x16xf32, #tpu.memory_space<hbm>>
    tpu.wait_indirect_dma semaphore(%arg17 : memref<!tpu.dma_semaphore, #tpu.memory_space<semaphore_mem>>) src(%dma_wait3A_281 : memref<1000448x16xf32, #tpu.memory_space<hbm>>) dst(%dma_wait3A_276 : memref<128x16xf32, #tpu.memory_space<vmem>>)
    %dma_wait3A_282 = arith.constant 1408 : i32
    %dma_wait3A_283 = arith.constant 0 : i32
    %dma_wait3A_284 = tpu.memref_slice %arg14[%dma_wait3A_282, %dma_wait3A_283] : memref<2560x16xf32, #tpu.memory_space<vmem>> -> memref<128x16xf32, #tpu.memory_space<vmem>>
    %dma_wait3A_285 = arith.constant 1408 : i32
    %dma_wait3A_286 = tpu.memref_slice %arg11[%dma_wait3A_285] : memref<2560xi32, #tpu.memory_space<vmem>> -> memref<128xi32, #tpu.memory_space<vmem>>
    %dma_wait3A_287 = arith.constant 0 : i32
    %dma_wait3A_288 = arith.constant 0 : i32
    %dma_wait3A_289 = tpu.memref_slice %arg6[%dma_wait3A_287, %dma_wait3A_288] : memref<1000448x16xf32, #tpu.memory_space<hbm>> -> memref<1000448x16xf32, #tpu.memory_space<hbm>>
    tpu.wait_indirect_dma semaphore(%arg17 : memref<!tpu.dma_semaphore, #tpu.memory_space<semaphore_mem>>) src(%dma_wait3A_289 : memref<1000448x16xf32, #tpu.memory_space<hbm>>) dst(%dma_wait3A_284 : memref<128x16xf32, #tpu.memory_space<vmem>>)
    %dma_wait3A_290 = arith.constant 1536 : i32
    %dma_wait3A_291 = arith.constant 0 : i32
    %dma_wait3A_292 = tpu.memref_slice %arg14[%dma_wait3A_290, %dma_wait3A_291] : memref<2560x16xf32, #tpu.memory_space<vmem>> -> memref<128x16xf32, #tpu.memory_space<vmem>>
    %dma_wait3A_293 = arith.constant 1536 : i32
    %dma_wait3A_294 = tpu.memref_slice %arg11[%dma_wait3A_293] : memref<2560xi32, #tpu.memory_space<vmem>> -> memref<128xi32, #tpu.memory_space<vmem>>
    %dma_wait3A_295 = arith.constant 0 : i32
    %dma_wait3A_296 = arith.constant 0 : i32
    %dma_wait3A_297 = tpu.memref_slice %arg6[%dma_wait3A_295, %dma_wait3A_296] : memref<1000448x16xf32, #tpu.memory_space<hbm>> -> memref<1000448x16xf32, #tpu.memory_space<hbm>>
    tpu.wait_indirect_dma semaphore(%arg17 : memref<!tpu.dma_semaphore, #tpu.memory_space<semaphore_mem>>) src(%dma_wait3A_297 : memref<1000448x16xf32, #tpu.memory_space<hbm>>) dst(%dma_wait3A_292 : memref<128x16xf32, #tpu.memory_space<vmem>>)
    %dma_wait3A_298 = arith.constant 1664 : i32
    %dma_wait3A_299 = arith.constant 0 : i32
    %dma_wait3A_300 = tpu.memref_slice %arg14[%dma_wait3A_298, %dma_wait3A_299] : memref<2560x16xf32, #tpu.memory_space<vmem>> -> memref<128x16xf32, #tpu.memory_space<vmem>>
    %dma_wait3A_301 = arith.constant 1664 : i32
    %dma_wait3A_302 = tpu.memref_slice %arg11[%dma_wait3A_301] : memref<2560xi32, #tpu.memory_space<vmem>> -> memref<128xi32, #tpu.memory_space<vmem>>
    %dma_wait3A_303 = arith.constant 0 : i32
    %dma_wait3A_304 = arith.constant 0 : i32
    %dma_wait3A_305 = tpu.memref_slice %arg6[%dma_wait3A_303, %dma_wait3A_304] : memref<1000448x16xf32, #tpu.memory_space<hbm>> -> memref<1000448x16xf32, #tpu.memory_space<hbm>>
    tpu.wait_indirect_dma semaphore(%arg17 : memref<!tpu.dma_semaphore, #tpu.memory_space<semaphore_mem>>) src(%dma_wait3A_305 : memref<1000448x16xf32, #tpu.memory_space<hbm>>) dst(%dma_wait3A_300 : memref<128x16xf32, #tpu.memory_space<vmem>>)
    %dma_wait3A_306 = arith.constant 1792 : i32
    %dma_wait3A_307 = arith.constant 0 : i32
    %dma_wait3A_308 = tpu.memref_slice %arg14[%dma_wait3A_306, %dma_wait3A_307] : memref<2560x16xf32, #tpu.memory_space<vmem>> -> memref<128x16xf32, #tpu.memory_space<vmem>>
    %dma_wait3A_309 = arith.constant 1792 : i32
    %dma_wait3A_310 = tpu.memref_slice %arg11[%dma_wait3A_309] : memref<2560xi32, #tpu.memory_space<vmem>> -> memref<128xi32, #tpu.memory_space<vmem>>
    %dma_wait3A_311 = arith.constant 0 : i32
    %dma_wait3A_312 = arith.constant 0 : i32
    %dma_wait3A_313 = tpu.memref_slice %arg6[%dma_wait3A_311, %dma_wait3A_312] : memref<1000448x16xf32, #tpu.memory_space<hbm>> -> memref<1000448x16xf32, #tpu.memory_space<hbm>>
    tpu.wait_indirect_dma semaphore(%arg17 : memref<!tpu.dma_semaphore, #tpu.memory_space<semaphore_mem>>) src(%dma_wait3A_313 : memref<1000448x16xf32, #tpu.memory_space<hbm>>) dst(%dma_wait3A_308 : memref<128x16xf32, #tpu.memory_space<vmem>>)
    %dma_wait3A_314 = arith.constant 1920 : i32
    %dma_wait3A_315 = arith.constant 0 : i32
    %dma_wait3A_316 = tpu.memref_slice %arg14[%dma_wait3A_314, %dma_wait3A_315] : memref<2560x16xf32, #tpu.memory_space<vmem>> -> memref<128x16xf32, #tpu.memory_space<vmem>>
    %dma_wait3A_317 = arith.constant 1920 : i32
    %dma_wait3A_318 = tpu.memref_slice %arg11[%dma_wait3A_317] : memref<2560xi32, #tpu.memory_space<vmem>> -> memref<128xi32, #tpu.memory_space<vmem>>
    %dma_wait3A_319 = arith.constant 0 : i32
    %dma_wait3A_320 = arith.constant 0 : i32
    %dma_wait3A_321 = tpu.memref_slice %arg6[%dma_wait3A_319, %dma_wait3A_320] : memref<1000448x16xf32, #tpu.memory_space<hbm>> -> memref<1000448x16xf32, #tpu.memory_space<hbm>>
    tpu.wait_indirect_dma semaphore(%arg17 : memref<!tpu.dma_semaphore, #tpu.memory_space<semaphore_mem>>) src(%dma_wait3A_321 : memref<1000448x16xf32, #tpu.memory_space<hbm>>) dst(%dma_wait3A_316 : memref<128x16xf32, #tpu.memory_space<vmem>>)
    %dma_wait3A_322 = arith.constant 2048 : i32
    %dma_wait3A_323 = arith.constant 0 : i32
    %dma_wait3A_324 = tpu.memref_slice %arg14[%dma_wait3A_322, %dma_wait3A_323] : memref<2560x16xf32, #tpu.memory_space<vmem>> -> memref<128x16xf32, #tpu.memory_space<vmem>>
    %dma_wait3A_325 = arith.constant 2048 : i32
    %dma_wait3A_326 = tpu.memref_slice %arg11[%dma_wait3A_325] : memref<2560xi32, #tpu.memory_space<vmem>> -> memref<128xi32, #tpu.memory_space<vmem>>
    %dma_wait3A_327 = arith.constant 0 : i32
    %dma_wait3A_328 = arith.constant 0 : i32
    %dma_wait3A_329 = tpu.memref_slice %arg6[%dma_wait3A_327, %dma_wait3A_328] : memref<1000448x16xf32, #tpu.memory_space<hbm>> -> memref<1000448x16xf32, #tpu.memory_space<hbm>>
    tpu.wait_indirect_dma semaphore(%arg17 : memref<!tpu.dma_semaphore, #tpu.memory_space<semaphore_mem>>) src(%dma_wait3A_329 : memref<1000448x16xf32, #tpu.memory_space<hbm>>) dst(%dma_wait3A_324 : memref<128x16xf32, #tpu.memory_space<vmem>>)
    %dma_wait3A_330 = arith.constant 2176 : i32
    %dma_wait3A_331 = arith.constant 0 : i32
    %dma_wait3A_332 = tpu.memref_slice %arg14[%dma_wait3A_330, %dma_wait3A_331] : memref<2560x16xf32, #tpu.memory_space<vmem>> -> memref<128x16xf32, #tpu.memory_space<vmem>>
    %dma_wait3A_333 = arith.constant 2176 : i32
    %dma_wait3A_334 = tpu.memref_slice %arg11[%dma_wait3A_333] : memref<2560xi32, #tpu.memory_space<vmem>> -> memref<128xi32, #tpu.memory_space<vmem>>
    %dma_wait3A_335 = arith.constant 0 : i32
    %dma_wait3A_336 = arith.constant 0 : i32
    %dma_wait3A_337 = tpu.memref_slice %arg6[%dma_wait3A_335, %dma_wait3A_336] : memref<1000448x16xf32, #tpu.memory_space<hbm>> -> memref<1000448x16xf32, #tpu.memory_space<hbm>>
    tpu.wait_indirect_dma semaphore(%arg17 : memref<!tpu.dma_semaphore, #tpu.memory_space<semaphore_mem>>) src(%dma_wait3A_337 : memref<1000448x16xf32, #tpu.memory_space<hbm>>) dst(%dma_wait3A_332 : memref<128x16xf32, #tpu.memory_space<vmem>>)
    %dma_wait3A_338 = arith.constant 2304 : i32
    %dma_wait3A_339 = arith.constant 0 : i32
    %dma_wait3A_340 = tpu.memref_slice %arg14[%dma_wait3A_338, %dma_wait3A_339] : memref<2560x16xf32, #tpu.memory_space<vmem>> -> memref<128x16xf32, #tpu.memory_space<vmem>>
    %dma_wait3A_341 = arith.constant 2304 : i32
    %dma_wait3A_342 = tpu.memref_slice %arg11[%dma_wait3A_341] : memref<2560xi32, #tpu.memory_space<vmem>> -> memref<128xi32, #tpu.memory_space<vmem>>
    %dma_wait3A_343 = arith.constant 0 : i32
    %dma_wait3A_344 = arith.constant 0 : i32
    %dma_wait3A_345 = tpu.memref_slice %arg6[%dma_wait3A_343, %dma_wait3A_344] : memref<1000448x16xf32, #tpu.memory_space<hbm>> -> memref<1000448x16xf32, #tpu.memory_space<hbm>>
    tpu.wait_indirect_dma semaphore(%arg17 : memref<!tpu.dma_semaphore, #tpu.memory_space<semaphore_mem>>) src(%dma_wait3A_345 : memref<1000448x16xf32, #tpu.memory_space<hbm>>) dst(%dma_wait3A_340 : memref<128x16xf32, #tpu.memory_space<vmem>>)
    %dma_wait3A_346 = arith.constant 2432 : i32
    %dma_wait3A_347 = arith.constant 0 : i32
    %dma_wait3A_348 = tpu.memref_slice %arg14[%dma_wait3A_346, %dma_wait3A_347] : memref<2560x16xf32, #tpu.memory_space<vmem>> -> memref<128x16xf32, #tpu.memory_space<vmem>>
    %dma_wait3A_349 = arith.constant 2432 : i32
    %dma_wait3A_350 = tpu.memref_slice %arg11[%dma_wait3A_349] : memref<2560xi32, #tpu.memory_space<vmem>> -> memref<128xi32, #tpu.memory_space<vmem>>
    %dma_wait3A_351 = arith.constant 0 : i32
    %dma_wait3A_352 = arith.constant 0 : i32
    %dma_wait3A_353 = tpu.memref_slice %arg6[%dma_wait3A_351, %dma_wait3A_352] : memref<1000448x16xf32, #tpu.memory_space<hbm>> -> memref<1000448x16xf32, #tpu.memory_space<hbm>>
    tpu.wait_indirect_dma semaphore(%arg17 : memref<!tpu.dma_semaphore, #tpu.memory_space<semaphore_mem>>) src(%dma_wait3A_353 : memref<1000448x16xf32, #tpu.memory_space<hbm>>) dst(%dma_wait3A_348 : memref<128x16xf32, #tpu.memory_space<vmem>>)
    %iota3A = tpu.iota {dimensions = array<i32: 0>} : vector<16xi32>
    %broadcast_in_dim3A = arith.constant 0 : i32
    %broadcast_in_dim3A_354 = vector.broadcast %broadcast_in_dim3A : i32 to vector<16xi32>
    %broadcast_in_dim3A_355 = arith.constant 1 : i32
    %broadcast_in_dim3A_356 = vector.broadcast %broadcast_in_dim3A_355 : i32 to vector<16xi32>
    %broadcast_in_dim3A_357 = arith.constant 2 : i32
    %broadcast_in_dim3A_358 = vector.broadcast %broadcast_in_dim3A_357 : i32 to vector<16xi32>
    %broadcast_in_dim3A_359 = arith.constant 3 : i32
    %broadcast_in_dim3A_360 = vector.broadcast %broadcast_in_dim3A_359 : i32 to vector<16xi32>
    %broadcast_in_dim3A_361 = arith.constant 4 : i32
    %broadcast_in_dim3A_362 = vector.broadcast %broadcast_in_dim3A_361 : i32 to vector<16xi32>
    %broadcast_in_dim3A_363 = arith.constant 5 : i32
    %broadcast_in_dim3A_364 = vector.broadcast %broadcast_in_dim3A_363 : i32 to vector<16xi32>
    %broadcast_in_dim3A_365 = arith.constant 6 : i32
    %broadcast_in_dim3A_366 = vector.broadcast %broadcast_in_dim3A_365 : i32 to vector<16xi32>
    %broadcast_in_dim3A_367 = arith.constant 7 : i32
    %broadcast_in_dim3A_368 = vector.broadcast %broadcast_in_dim3A_367 : i32 to vector<16xi32>
    %broadcast_in_dim3A_369 = arith.constant 8 : i32
    %broadcast_in_dim3A_370 = vector.broadcast %broadcast_in_dim3A_369 : i32 to vector<16xi32>
    %broadcast_in_dim3A_371 = arith.constant 9 : i32
    %broadcast_in_dim3A_372 = vector.broadcast %broadcast_in_dim3A_371 : i32 to vector<16xi32>
    %broadcast_in_dim3A_373 = arith.constant 10 : i32
    %broadcast_in_dim3A_374 = vector.broadcast %broadcast_in_dim3A_373 : i32 to vector<16xi32>
    %broadcast_in_dim3A_375 = arith.constant 11 : i32
    %broadcast_in_dim3A_376 = vector.broadcast %broadcast_in_dim3A_375 : i32 to vector<16xi32>
    %broadcast_in_dim3A_377 = arith.constant 12 : i32
    %broadcast_in_dim3A_378 = vector.broadcast %broadcast_in_dim3A_377 : i32 to vector<16xi32>
    %broadcast_in_dim3A_379 = arith.constant 13 : i32
    %broadcast_in_dim3A_380 = vector.broadcast %broadcast_in_dim3A_379 : i32 to vector<16xi32>
    %broadcast_in_dim3A_381 = arith.constant 14 : i32
    %broadcast_in_dim3A_382 = vector.broadcast %broadcast_in_dim3A_381 : i32 to vector<16xi32>
    %broadcast_in_dim3A_383 = arith.constant 15 : i32
    %broadcast_in_dim3A_384 = vector.broadcast %broadcast_in_dim3A_383 : i32 to vector<16xi32>
    %scan3A_385 = arith.constant 0 : i32
    %scan3A_386 = arith.constant 0 : i32
    %scan3A_387 = arith.constant 8 : i32
    %scan3A_388 = arith.addi %scan3A_386, %scan3A_387 : i32
    %scan3A_389 = arith.constant 1 : i32
    scf.for %scan3A_391 = %scan3A_386 to %scan3A_388 step %scan3A_389  : i32 {
      %mul3A_392 = arith.constant 16 : i32
      %mul3A_393 = arith.muli %scan3A_391, %mul3A_392 : i32
      %add3A_394 = vector.broadcast %mul3A_393 : i32 to vector<16xi32>
      %add3A_395 = arith.addi %add3A_394, %iota3A : vector<16xi32>
      %gather3A = tpu.vector_load_idx %arg12[%add3A_395, %broadcast_in_dim3A_354] : memref<128x16xf32, #tpu.memory_space<vmem>>[vector<16xi32>, vector<16xi32>], vector<16xf32>,
      %gather3A_396 = tpu.vector_load_idx %arg12[%add3A_395, %broadcast_in_dim3A_356] : memref<128x16xf32, #tpu.memory_space<vmem>>[vector<16xi32>, vector<16xi32>], vector<16xf32>,
      %gather3A_397 = tpu.vector_load_idx %arg12[%add3A_395, %broadcast_in_dim3A_358] : memref<128x16xf32, #tpu.memory_space<vmem>>[vector<16xi32>, vector<16xi32>], vector<16xf32>,
      %gather3A_398 = tpu.vector_load_idx %arg12[%add3A_395, %broadcast_in_dim3A_360] : memref<128x16xf32, #tpu.memory_space<vmem>>[vector<16xi32>, vector<16xi32>], vector<16xf32>,
      %gather3A_399 = tpu.vector_load_idx %arg12[%add3A_395, %broadcast_in_dim3A_362] : memref<128x16xf32, #tpu.memory_space<vmem>>[vector<16xi32>, vector<16xi32>], vector<16xf32>,
      %gather3A_400 = tpu.vector_load_idx %arg12[%add3A_395, %broadcast_in_dim3A_364] : memref<128x16xf32, #tpu.memory_space<vmem>>[vector<16xi32>, vector<16xi32>], vector<16xf32>,
      %gather3A_401 = tpu.vector_load_idx %arg12[%add3A_395, %broadcast_in_dim3A_366] : memref<128x16xf32, #tpu.memory_space<vmem>>[vector<16xi32>, vector<16xi32>], vector<16xf32>,
      %gather3A_402 = tpu.vector_load_idx %arg12[%add3A_395, %broadcast_in_dim3A_368] : memref<128x16xf32, #tpu.memory_space<vmem>>[vector<16xi32>, vector<16xi32>], vector<16xf32>,
      %gather3A_403 = tpu.vector_load_idx %arg12[%add3A_395, %broadcast_in_dim3A_370] : memref<128x16xf32, #tpu.memory_space<vmem>>[vector<16xi32>, vector<16xi32>], vector<16xf32>,
      %gather3A_404 = tpu.vector_load_idx %arg12[%add3A_395, %broadcast_in_dim3A_372] : memref<128x16xf32, #tpu.memory_space<vmem>>[vector<16xi32>, vector<16xi32>], vector<16xf32>,
      %gather3A_405 = tpu.vector_load_idx %arg12[%add3A_395, %broadcast_in_dim3A_374] : memref<128x16xf32, #tpu.memory_space<vmem>>[vector<16xi32>, vector<16xi32>], vector<16xf32>,
      %gather3A_406 = tpu.vector_load_idx %arg12[%add3A_395, %broadcast_in_dim3A_376] : memref<128x16xf32, #tpu.memory_space<vmem>>[vector<16xi32>, vector<16xi32>], vector<16xf32>,
      %gather3A_407 = tpu.vector_load_idx %arg12[%add3A_395, %broadcast_in_dim3A_378] : memref<128x16xf32, #tpu.memory_space<vmem>>[vector<16xi32>, vector<16xi32>], vector<16xf32>,
      %gather3A_408 = tpu.vector_load_idx %arg12[%add3A_395, %broadcast_in_dim3A_380] : memref<128x16xf32, #tpu.memory_space<vmem>>[vector<16xi32>, vector<16xi32>], vector<16xf32>,
      %gather3A_409 = tpu.vector_load_idx %arg12[%add3A_395, %broadcast_in_dim3A_382] : memref<128x16xf32, #tpu.memory_space<vmem>>[vector<16xi32>, vector<16xi32>], vector<16xf32>,
      %gather3A_410 = tpu.vector_load_idx %arg12[%add3A_395, %broadcast_in_dim3A_384] : memref<128x16xf32, #tpu.memory_space<vmem>>[vector<16xi32>, vector<16xi32>], vector<16xf32>,
      %broadcast_in_dim3A_411 = arith.constant 0.000000e+00 : f32
      %broadcast_in_dim3A_412 = vector.broadcast %broadcast_in_dim3A_411 : f32 to vector<16xf32>
      %mul3A_413 = arith.constant 20 : i32
      %mul3A_414 = vector.broadcast %mul3A_413 : i32 to vector<16xi32>
      %mul3A_415 = arith.muli %add3A_395, %mul3A_414 : vector<16xi32>
      %add3A_416 = arith.constant 0 : i32
      %add3A_417 = vector.broadcast %add3A_416 : i32 to vector<16xi32>
      %add3A_418 = arith.addi %mul3A_415, %add3A_417 : vector<16xi32>
      %broadcast_in_dim3A_419 = arith.constant 0.000000e+00 : f32
      %broadcast_in_dim3A_420 = vector.broadcast %broadcast_in_dim3A_419 : f32 to vector<16xf32>
      %gather3A_421 = tpu.vector_load_idx %arg14[%add3A_418, %broadcast_in_dim3A_354] : memref<2560x16xf32, #tpu.memory_space<vmem>>[vector<16xi32>, vector<16xi32>], vector<16xf32>,
      %mul3A_422 = arith.mulf %gather3A_421, %gather3A : vector<16xf32>
      %add3A_423 = arith.addf %broadcast_in_dim3A_420, %mul3A_422 : vector<16xf32>
      %gather3A_424 = tpu.vector_load_idx %arg14[%add3A_418, %broadcast_in_dim3A_356] : memref<2560x16xf32, #tpu.memory_space<vmem>>[vector<16xi32>, vector<16xi32>], vector<16xf32>,
      %mul3A_425 = arith.mulf %gather3A_424, %gather3A_396 : vector<16xf32>
      %add3A_426 = arith.addf %add3A_423, %mul3A_425 : vector<16xf32>
      %gather3A_427 = tpu.vector_load_idx %arg14[%add3A_418, %broadcast_in_dim3A_358] : memref<2560x16xf32, #tpu.memory_space<vmem>>[vector<16xi32>, vector<16xi32>], vector<16xf32>,
      %mul3A_428 = arith.mulf %gather3A_427, %gather3A_397 : vector<16xf32>
      %add3A_429 = arith.addf %add3A_426, %mul3A_428 : vector<16xf32>
      %gather3A_430 = tpu.vector_load_idx %arg14[%add3A_418, %broadcast_in_dim3A_360] : memref<2560x16xf32, #tpu.memory_space<vmem>>[vector<16xi32>, vector<16xi32>], vector<16xf32>,
      %mul3A_431 = arith.mulf %gather3A_430, %gather3A_398 : vector<16xf32>
      %add3A_432 = arith.addf %add3A_429, %mul3A_431 : vector<16xf32>
      %gather3A_433 = tpu.vector_load_idx %arg14[%add3A_418, %broadcast_in_dim3A_362] : memref<2560x16xf32, #tpu.memory_space<vmem>>[vector<16xi32>, vector<16xi32>], vector<16xf32>,
      %mul3A_434 = arith.mulf %gather3A_433, %gather3A_399 : vector<16xf32>
      %add3A_435 = arith.addf %add3A_432, %mul3A_434 : vector<16xf32>
      %gather3A_436 = tpu.vector_load_idx %arg14[%add3A_418, %broadcast_in_dim3A_364] : memref<2560x16xf32, #tpu.memory_space<vmem>>[vector<16xi32>, vector<16xi32>], vector<16xf32>,
      %mul3A_437 = arith.mulf %gather3A_436, %gather3A_400 : vector<16xf32>
      %add3A_438 = arith.addf %add3A_435, %mul3A_437 : vector<16xf32>
      %gather3A_439 = tpu.vector_load_idx %arg14[%add3A_418, %broadcast_in_dim3A_366] : memref<2560x16xf32, #tpu.memory_space<vmem>>[vector<16xi32>, vector<16xi32>], vector<16xf32>,
      %mul3A_440 = arith.mulf %gather3A_439, %gather3A_401 : vector<16xf32>
      %add3A_441 = arith.addf %add3A_438, %mul3A_440 : vector<16xf32>
      %gather3A_442 = tpu.vector_load_idx %arg14[%add3A_418, %broadcast_in_dim3A_368] : memref<2560x16xf32, #tpu.memory_space<vmem>>[vector<16xi32>, vector<16xi32>], vector<16xf32>,
      %mul3A_443 = arith.mulf %gather3A_442, %gather3A_402 : vector<16xf32>
      %add3A_444 = arith.addf %add3A_441, %mul3A_443 : vector<16xf32>
      %gather3A_445 = tpu.vector_load_idx %arg14[%add3A_418, %broadcast_in_dim3A_370] : memref<2560x16xf32, #tpu.memory_space<vmem>>[vector<16xi32>, vector<16xi32>], vector<16xf32>,
      %mul3A_446 = arith.mulf %gather3A_445, %gather3A_403 : vector<16xf32>
      %add3A_447 = arith.addf %add3A_444, %mul3A_446 : vector<16xf32>
      %gather3A_448 = tpu.vector_load_idx %arg14[%add3A_418, %broadcast_in_dim3A_372] : memref<2560x16xf32, #tpu.memory_space<vmem>>[vector<16xi32>, vector<16xi32>], vector<16xf32>,
      %mul3A_449 = arith.mulf %gather3A_448, %gather3A_404 : vector<16xf32>
      %add3A_450 = arith.addf %add3A_447, %mul3A_449 : vector<16xf32>
      %gather3A_451 = tpu.vector_load_idx %arg14[%add3A_418, %broadcast_in_dim3A_374] : memref<2560x16xf32, #tpu.memory_space<vmem>>[vector<16xi32>, vector<16xi32>], vector<16xf32>,
      %mul3A_452 = arith.mulf %gather3A_451, %gather3A_405 : vector<16xf32>
      %add3A_453 = arith.addf %add3A_450, %mul3A_452 : vector<16xf32>
      %gather3A_454 = tpu.vector_load_idx %arg14[%add3A_418, %broadcast_in_dim3A_376] : memref<2560x16xf32, #tpu.memory_space<vmem>>[vector<16xi32>, vector<16xi32>], vector<16xf32>,
      %mul3A_455 = arith.mulf %gather3A_454, %gather3A_406 : vector<16xf32>
      %add3A_456 = arith.addf %add3A_453, %mul3A_455 : vector<16xf32>
      %gather3A_457 = tpu.vector_load_idx %arg14[%add3A_418, %broadcast_in_dim3A_378] : memref<2560x16xf32, #tpu.memory_space<vmem>>[vector<16xi32>, vector<16xi32>], vector<16xf32>,
      %mul3A_458 = arith.mulf %gather3A_457, %gather3A_407 : vector<16xf32>
      %add3A_459 = arith.addf %add3A_456, %mul3A_458 : vector<16xf32>
      %gather3A_460 = tpu.vector_load_idx %arg14[%add3A_418, %broadcast_in_dim3A_380] : memref<2560x16xf32, #tpu.memory_space<vmem>>[vector<16xi32>, vector<16xi32>], vector<16xf32>,
      %mul3A_461 = arith.mulf %gather3A_460, %gather3A_408 : vector<16xf32>
      %add3A_462 = arith.addf %add3A_459, %mul3A_461 : vector<16xf32>
      %gather3A_463 = tpu.vector_load_idx %arg14[%add3A_418, %broadcast_in_dim3A_382] : memref<2560x16xf32, #tpu.memory_space<vmem>>[vector<16xi32>, vector<16xi32>], vector<16xf32>,
      %mul3A_464 = arith.mulf %gather3A_463, %gather3A_409 : vector<16xf32>
      %add3A_465 = arith.addf %add3A_462, %mul3A_464 : vector<16xf32>
      %gather3A_466 = tpu.vector_load_idx %arg14[%add3A_418, %broadcast_in_dim3A_384] : memref<2560x16xf32, #tpu.memory_space<vmem>>[vector<16xi32>, vector<16xi32>], vector<16xf32>,
      %mul3A_467 = arith.mulf %gather3A_466, %gather3A_410 : vector<16xf32>
      %add3A_468 = arith.addf %add3A_465, %mul3A_467 : vector<16xf32>
      %exp3A = math.exp %add3A_468 : vector<16xf32>
      %add3A_469 = arith.addf %broadcast_in_dim3A_412, %exp3A : vector<16xf32>
      %mul3A_470 = arith.constant 20 : i32
      %mul3A_471 = vector.broadcast %mul3A_470 : i32 to vector<16xi32>
      %mul3A_472 = arith.muli %add3A_395, %mul3A_471 : vector<16xi32>
      %add3A_473 = arith.constant 1 : i32
      %add3A_474 = vector.broadcast %add3A_473 : i32 to vector<16xi32>
      %add3A_475 = arith.addi %mul3A_472, %add3A_474 : vector<16xi32>
      %broadcast_in_dim3A_476 = arith.constant 0.000000e+00 : f32
      %broadcast_in_dim3A_477 = vector.broadcast %broadcast_in_dim3A_476 : f32 to vector<16xf32>
      %gather3A_478 = tpu.vector_load_idx %arg14[%add3A_475, %broadcast_in_dim3A_354] : memref<2560x16xf32, #tpu.memory_space<vmem>>[vector<16xi32>, vector<16xi32>], vector<16xf32>,
      %mul3A_479 = arith.mulf %gather3A_478, %gather3A : vector<16xf32>
      %add3A_480 = arith.addf %broadcast_in_dim3A_477, %mul3A_479 : vector<16xf32>
      %gather3A_481 = tpu.vector_load_idx %arg14[%add3A_475, %broadcast_in_dim3A_356] : memref<2560x16xf32, #tpu.memory_space<vmem>>[vector<16xi32>, vector<16xi32>], vector<16xf32>,
      %mul3A_482 = arith.mulf %gather3A_481, %gather3A_396 : vector<16xf32>
      %add3A_483 = arith.addf %add3A_480, %mul3A_482 : vector<16xf32>
      %gather3A_484 = tpu.vector_load_idx %arg14[%add3A_475, %broadcast_in_dim3A_358] : memref<2560x16xf32, #tpu.memory_space<vmem>>[vector<16xi32>, vector<16xi32>], vector<16xf32>,
      %mul3A_485 = arith.mulf %gather3A_484, %gather3A_397 : vector<16xf32>
      %add3A_486 = arith.addf %add3A_483, %mul3A_485 : vector<16xf32>
      %gather3A_487 = tpu.vector_load_idx %arg14[%add3A_475, %broadcast_in_dim3A_360] : memref<2560x16xf32, #tpu.memory_space<vmem>>[vector<16xi32>, vector<16xi32>], vector<16xf32>,
      %mul3A_488 = arith.mulf %gather3A_487, %gather3A_398 : vector<16xf32>
      %add3A_489 = arith.addf %add3A_486, %mul3A_488 : vector<16xf32>
      %gather3A_490 = tpu.vector_load_idx %arg14[%add3A_475, %broadcast_in_dim3A_362] : memref<2560x16xf32, #tpu.memory_space<vmem>>[vector<16xi32>, vector<16xi32>], vector<16xf32>,
      %mul3A_491 = arith.mulf %gather3A_490, %gather3A_399 : vector<16xf32>
      %add3A_492 = arith.addf %add3A_489, %mul3A_491 : vector<16xf32>
      %gather3A_493 = tpu.vector_load_idx %arg14[%add3A_475, %broadcast_in_dim3A_364] : memref<2560x16xf32, #tpu.memory_space<vmem>>[vector<16xi32>, vector<16xi32>], vector<16xf32>,
      %mul3A_494 = arith.mulf %gather3A_493, %gather3A_400 : vector<16xf32>
      %add3A_495 = arith.addf %add3A_492, %mul3A_494 : vector<16xf32>
      %gather3A_496 = tpu.vector_load_idx %arg14[%add3A_475, %broadcast_in_dim3A_366] : memref<2560x16xf32, #tpu.memory_space<vmem>>[vector<16xi32>, vector<16xi32>], vector<16xf32>,
      %mul3A_497 = arith.mulf %gather3A_496, %gather3A_401 : vector<16xf32>
      %add3A_498 = arith.addf %add3A_495, %mul3A_497 : vector<16xf32>
      %gather3A_499 = tpu.vector_load_idx %arg14[%add3A_475, %broadcast_in_dim3A_368] : memref<2560x16xf32, #tpu.memory_space<vmem>>[vector<16xi32>, vector<16xi32>], vector<16xf32>,
      %mul3A_500 = arith.mulf %gather3A_499, %gather3A_402 : vector<16xf32>
      %add3A_501 = arith.addf %add3A_498, %mul3A_500 : vector<16xf32>
      %gather3A_502 = tpu.vector_load_idx %arg14[%add3A_475, %broadcast_in_dim3A_370] : memref<2560x16xf32, #tpu.memory_space<vmem>>[vector<16xi32>, vector<16xi32>], vector<16xf32>,
      %mul3A_503 = arith.mulf %gather3A_502, %gather3A_403 : vector<16xf32>
      %add3A_504 = arith.addf %add3A_501, %mul3A_503 : vector<16xf32>
      %gather3A_505 = tpu.vector_load_idx %arg14[%add3A_475, %broadcast_in_dim3A_372] : memref<2560x16xf32, #tpu.memory_space<vmem>>[vector<16xi32>, vector<16xi32>], vector<16xf32>,
      %mul3A_506 = arith.mulf %gather3A_505, %gather3A_404 : vector<16xf32>
      %add3A_507 = arith.addf %add3A_504, %mul3A_506 : vector<16xf32>
      %gather3A_508 = tpu.vector_load_idx %arg14[%add3A_475, %broadcast_in_dim3A_374] : memref<2560x16xf32, #tpu.memory_space<vmem>>[vector<16xi32>, vector<16xi32>], vector<16xf32>,
      %mul3A_509 = arith.mulf %gather3A_508, %gather3A_405 : vector<16xf32>
      %add3A_510 = arith.addf %add3A_507, %mul3A_509 : vector<16xf32>
      %gather3A_511 = tpu.vector_load_idx %arg14[%add3A_475, %broadcast_in_dim3A_376] : memref<2560x16xf32, #tpu.memory_space<vmem>>[vector<16xi32>, vector<16xi32>], vector<16xf32>,
      %mul3A_512 = arith.mulf %gather3A_511, %gather3A_406 : vector<16xf32>
      %add3A_513 = arith.addf %add3A_510, %mul3A_512 : vector<16xf32>
      %gather3A_514 = tpu.vector_load_idx %arg14[%add3A_475, %broadcast_in_dim3A_378] : memref<2560x16xf32, #tpu.memory_space<vmem>>[vector<16xi32>, vector<16xi32>], vector<16xf32>,
      %mul3A_515 = arith.mulf %gather3A_514, %gather3A_407 : vector<16xf32>
      %add3A_516 = arith.addf %add3A_513, %mul3A_515 : vector<16xf32>
      %gather3A_517 = tpu.vector_load_idx %arg14[%add3A_475, %broadcast_in_dim3A_380] : memref<2560x16xf32, #tpu.memory_space<vmem>>[vector<16xi32>, vector<16xi32>], vector<16xf32>,
      %mul3A_518 = arith.mulf %gather3A_517, %gather3A_408 : vector<16xf32>
      %add3A_519 = arith.addf %add3A_516, %mul3A_518 : vector<16xf32>
      %gather3A_520 = tpu.vector_load_idx %arg14[%add3A_475, %broadcast_in_dim3A_382] : memref<2560x16xf32, #tpu.memory_space<vmem>>[vector<16xi32>, vector<16xi32>], vector<16xf32>,
      %mul3A_521 = arith.mulf %gather3A_520, %gather3A_409 : vector<16xf32>
      %add3A_522 = arith.addf %add3A_519, %mul3A_521 : vector<16xf32>
      %gather3A_523 = tpu.vector_load_idx %arg14[%add3A_475, %broadcast_in_dim3A_384] : memref<2560x16xf32, #tpu.memory_space<vmem>>[vector<16xi32>, vector<16xi32>], vector<16xf32>,
      %mul3A_524 = arith.mulf %gather3A_523, %gather3A_410 : vector<16xf32>
      %add3A_525 = arith.addf %add3A_522, %mul3A_524 : vector<16xf32>
      %exp3A_526 = math.exp %add3A_525 : vector<16xf32>
      %add3A_527 = arith.addf %add3A_469, %exp3A_526 : vector<16xf32>
      %mul3A_528 = arith.constant 20 : i32
      %mul3A_529 = vector.broadcast %mul3A_528 : i32 to vector<16xi32>
      %mul3A_530 = arith.muli %add3A_395, %mul3A_529 : vector<16xi32>
      %add3A_531 = arith.constant 2 : i32
      %add3A_532 = vector.broadcast %add3A_531 : i32 to vector<16xi32>
      %add3A_533 = arith.addi %mul3A_530, %add3A_532 : vector<16xi32>
      %broadcast_in_dim3A_534 = arith.constant 0.000000e+00 : f32
      %broadcast_in_dim3A_535 = vector.broadcast %broadcast_in_dim3A_534 : f32 to vector<16xf32>
      %gather3A_536 = tpu.vector_load_idx %arg14[%add3A_533, %broadcast_in_dim3A_354] : memref<2560x16xf32, #tpu.memory_space<vmem>>[vector<16xi32>, vector<16xi32>], vector<16xf32>,
      %mul3A_537 = arith.mulf %gather3A_536, %gather3A : vector<16xf32>
      %add3A_538 = arith.addf %broadcast_in_dim3A_535, %mul3A_537 : vector<16xf32>
      %gather3A_539 = tpu.vector_load_idx %arg14[%add3A_533, %broadcast_in_dim3A_356] : memref<2560x16xf32, #tpu.memory_space<vmem>>[vector<16xi32>, vector<16xi32>], vector<16xf32>,
      %mul3A_540 = arith.mulf %gather3A_539, %gather3A_396 : vector<16xf32>
      %add3A_541 = arith.addf %add3A_538, %mul3A_540 : vector<16xf32>
      %gather3A_542 = tpu.vector_load_idx %arg14[%add3A_533, %broadcast_in_dim3A_358] : memref<2560x16xf32, #tpu.memory_space<vmem>>[vector<16xi32>, vector<16xi32>], vector<16xf32>,
      %mul3A_543 = arith.mulf %gather3A_542, %gather3A_397 : vector<16xf32>
      %add3A_544 = arith.addf %add3A_541, %mul3A_543 : vector<16xf32>
      %gather3A_545 = tpu.vector_load_idx %arg14[%add3A_533, %broadcast_in_dim3A_360] : memref<2560x16xf32, #tpu.memory_space<vmem>>[vector<16xi32>, vector<16xi32>], vector<16xf32>,
      %mul3A_546 = arith.mulf %gather3A_545, %gather3A_398 : vector<16xf32>
      %add3A_547 = arith.addf %add3A_544, %mul3A_546 : vector<16xf32>
      %gather3A_548 = tpu.vector_load_idx %arg14[%add3A_533, %broadcast_in_dim3A_362] : memref<2560x16xf32, #tpu.memory_space<vmem>>[vector<16xi32>, vector<16xi32>], vector<16xf32>,
      %mul3A_549 = arith.mulf %gather3A_548, %gather3A_399 : vector<16xf32>
      %add3A_550 = arith.addf %add3A_547, %mul3A_549 : vector<16xf32>
      %gather3A_551 = tpu.vector_load_idx %arg14[%add3A_533, %broadcast_in_dim3A_364] : memref<2560x16xf32, #tpu.memory_space<vmem>>[vector<16xi32>, vector<16xi32>], vector<16xf32>,
      %mul3A_552 = arith.mulf %gather3A_551, %gather3A_400 : vector<16xf32>
      %add3A_553 = arith.addf %add3A_550, %mul3A_552 : vector<16xf32>
      %gather3A_554 = tpu.vector_load_idx %arg14[%add3A_533, %broadcast_in_dim3A_366] : memref<2560x16xf32, #tpu.memory_space<vmem>>[vector<16xi32>, vector<16xi32>], vector<16xf32>,
      %mul3A_555 = arith.mulf %gather3A_554, %gather3A_401 : vector<16xf32>
      %add3A_556 = arith.addf %add3A_553, %mul3A_555 : vector<16xf32>
      %gather3A_557 = tpu.vector_load_idx %arg14[%add3A_533, %broadcast_in_dim3A_368] : memref<2560x16xf32, #tpu.memory_space<vmem>>[vector<16xi32>, vector<16xi32>], vector<16xf32>,
      %mul3A_558 = arith.mulf %gather3A_557, %gather3A_402 : vector<16xf32>
      %add3A_559 = arith.addf %add3A_556, %mul3A_558 : vector<16xf32>
      %gather3A_560 = tpu.vector_load_idx %arg14[%add3A_533, %broadcast_in_dim3A_370] : memref<2560x16xf32, #tpu.memory_space<vmem>>[vector<16xi32>, vector<16xi32>], vector<16xf32>,
      %mul3A_561 = arith.mulf %gather3A_560, %gather3A_403 : vector<16xf32>
      %add3A_562 = arith.addf %add3A_559, %mul3A_561 : vector<16xf32>
      %gather3A_563 = tpu.vector_load_idx %arg14[%add3A_533, %broadcast_in_dim3A_372] : memref<2560x16xf32, #tpu.memory_space<vmem>>[vector<16xi32>, vector<16xi32>], vector<16xf32>,
      %mul3A_564 = arith.mulf %gather3A_563, %gather3A_404 : vector<16xf32>
      %add3A_565 = arith.addf %add3A_562, %mul3A_564 : vector<16xf32>
      %gather3A_566 = tpu.vector_load_idx %arg14[%add3A_533, %broadcast_in_dim3A_374] : memref<2560x16xf32, #tpu.memory_space<vmem>>[vector<16xi32>, vector<16xi32>], vector<16xf32>,
      %mul3A_567 = arith.mulf %gather3A_566, %gather3A_405 : vector<16xf32>
      %add3A_568 = arith.addf %add3A_565, %mul3A_567 : vector<16xf32>
      %gather3A_569 = tpu.vector_load_idx %arg14[%add3A_533, %broadcast_in_dim3A_376] : memref<2560x16xf32, #tpu.memory_space<vmem>>[vector<16xi32>, vector<16xi32>], vector<16xf32>,
      %mul3A_570 = arith.mulf %gather3A_569, %gather3A_406 : vector<16xf32>
      %add3A_571 = arith.addf %add3A_568, %mul3A_570 : vector<16xf32>
      %gather3A_572 = tpu.vector_load_idx %arg14[%add3A_533, %broadcast_in_dim3A_378] : memref<2560x16xf32, #tpu.memory_space<vmem>>[vector<16xi32>, vector<16xi32>], vector<16xf32>,
      %mul3A_573 = arith.mulf %gather3A_572, %gather3A_407 : vector<16xf32>
      %add3A_574 = arith.addf %add3A_571, %mul3A_573 : vector<16xf32>
      %gather3A_575 = tpu.vector_load_idx %arg14[%add3A_533, %broadcast_in_dim3A_380] : memref<2560x16xf32, #tpu.memory_space<vmem>>[vector<16xi32>, vector<16xi32>], vector<16xf32>,
      %mul3A_576 = arith.mulf %gather3A_575, %gather3A_408 : vector<16xf32>
      %add3A_577 = arith.addf %add3A_574, %mul3A_576 : vector<16xf32>
      %gather3A_578 = tpu.vector_load_idx %arg14[%add3A_533, %broadcast_in_dim3A_382] : memref<2560x16xf32, #tpu.memory_space<vmem>>[vector<16xi32>, vector<16xi32>], vector<16xf32>,
      %mul3A_579 = arith.mulf %gather3A_578, %gather3A_409 : vector<16xf32>
      %add3A_580 = arith.addf %add3A_577, %mul3A_579 : vector<16xf32>
      %gather3A_581 = tpu.vector_load_idx %arg14[%add3A_533, %broadcast_in_dim3A_384] : memref<2560x16xf32, #tpu.memory_space<vmem>>[vector<16xi32>, vector<16xi32>], vector<16xf32>,
      %mul3A_582 = arith.mulf %gather3A_581, %gather3A_410 : vector<16xf32>
      %add3A_583 = arith.addf %add3A_580, %mul3A_582 : vector<16xf32>
      %exp3A_584 = math.exp %add3A_583 : vector<16xf32>
      %add3A_585 = arith.addf %add3A_527, %exp3A_584 : vector<16xf32>
      %mul3A_586 = arith.constant 20 : i32
      %mul3A_587 = vector.broadcast %mul3A_586 : i32 to vector<16xi32>
      %mul3A_588 = arith.muli %add3A_395, %mul3A_587 : vector<16xi32>
      %add3A_589 = arith.constant 3 : i32
      %add3A_590 = vector.broadcast %add3A_589 : i32 to vector<16xi32>
      %add3A_591 = arith.addi %mul3A_588, %add3A_590 : vector<16xi32>
      %broadcast_in_dim3A_592 = arith.constant 0.000000e+00 : f32
      %broadcast_in_dim3A_593 = vector.broadcast %broadcast_in_dim3A_592 : f32 to vector<16xf32>
      %gather3A_594 = tpu.vector_load_idx %arg14[%add3A_591, %broadcast_in_dim3A_354] : memref<2560x16xf32, #tpu.memory_space<vmem>>[vector<16xi32>, vector<16xi32>], vector<16xf32>,
      %mul3A_595 = arith.mulf %gather3A_594, %gather3A : vector<16xf32>
      %add3A_596 = arith.addf %broadcast_in_dim3A_593, %mul3A_595 : vector<16xf32>
      %gather3A_597 = tpu.vector_load_idx %arg14[%add3A_591, %broadcast_in_dim3A_356] : memref<2560x16xf32, #tpu.memory_space<vmem>>[vector<16xi32>, vector<16xi32>], vector<16xf32>,
      %mul3A_598 = arith.mulf %gather3A_597, %gather3A_396 : vector<16xf32>
      %add3A_599 = arith.addf %add3A_596, %mul3A_598 : vector<16xf32>
      %gather3A_600 = tpu.vector_load_idx %arg14[%add3A_591, %broadcast_in_dim3A_358] : memref<2560x16xf32, #tpu.memory_space<vmem>>[vector<16xi32>, vector<16xi32>], vector<16xf32>,
      %mul3A_601 = arith.mulf %gather3A_600, %gather3A_397 : vector<16xf32>
      %add3A_602 = arith.addf %add3A_599, %mul3A_601 : vector<16xf32>
      %gather3A_603 = tpu.vector_load_idx %arg14[%add3A_591, %broadcast_in_dim3A_360] : memref<2560x16xf32, #tpu.memory_space<vmem>>[vector<16xi32>, vector<16xi32>], vector<16xf32>,
      %mul3A_604 = arith.mulf %gather3A_603, %gather3A_398 : vector<16xf32>
      %add3A_605 = arith.addf %add3A_602, %mul3A_604 : vector<16xf32>
      %gather3A_606 = tpu.vector_load_idx %arg14[%add3A_591, %broadcast_in_dim3A_362] : memref<2560x16xf32, #tpu.memory_space<vmem>>[vector<16xi32>, vector<16xi32>], vector<16xf32>,
      %mul3A_607 = arith.mulf %gather3A_606, %gather3A_399 : vector<16xf32>
      %add3A_608 = arith.addf %add3A_605, %mul3A_607 : vector<16xf32>
      %gather3A_609 = tpu.vector_load_idx %arg14[%add3A_591, %broadcast_in_dim3A_364] : memref<2560x16xf32, #tpu.memory_space<vmem>>[vector<16xi32>, vector<16xi32>], vector<16xf32>,
      %mul3A_610 = arith.mulf %gather3A_609, %gather3A_400 : vector<16xf32>
      %add3A_611 = arith.addf %add3A_608, %mul3A_610 : vector<16xf32>
      %gather3A_612 = tpu.vector_load_idx %arg14[%add3A_591, %broadcast_in_dim3A_366] : memref<2560x16xf32, #tpu.memory_space<vmem>>[vector<16xi32>, vector<16xi32>], vector<16xf32>,
      %mul3A_613 = arith.mulf %gather3A_612, %gather3A_401 : vector<16xf32>
      %add3A_614 = arith.addf %add3A_611, %mul3A_613 : vector<16xf32>
      %gather3A_615 = tpu.vector_load_idx %arg14[%add3A_591, %broadcast_in_dim3A_368] : memref<2560x16xf32, #tpu.memory_space<vmem>>[vector<16xi32>, vector<16xi32>], vector<16xf32>,
      %mul3A_616 = arith.mulf %gather3A_615, %gather3A_402 : vector<16xf32>
      %add3A_617 = arith.addf %add3A_614, %mul3A_616 : vector<16xf32>
      %gather3A_618 = tpu.vector_load_idx %arg14[%add3A_591, %broadcast_in_dim3A_370] : memref<2560x16xf32, #tpu.memory_space<vmem>>[vector<16xi32>, vector<16xi32>], vector<16xf32>,
      %mul3A_619 = arith.mulf %gather3A_618, %gather3A_403 : vector<16xf32>
      %add3A_620 = arith.addf %add3A_617, %mul3A_619 : vector<16xf32>
      %gather3A_621 = tpu.vector_load_idx %arg14[%add3A_591, %broadcast_in_dim3A_372] : memref<2560x16xf32, #tpu.memory_space<vmem>>[vector<16xi32>, vector<16xi32>], vector<16xf32>,
      %mul3A_622 = arith.mulf %gather3A_621, %gather3A_404 : vector<16xf32>
      %add3A_623 = arith.addf %add3A_620, %mul3A_622 : vector<16xf32>
      %gather3A_624 = tpu.vector_load_idx %arg14[%add3A_591, %broadcast_in_dim3A_374] : memref<2560x16xf32, #tpu.memory_space<vmem>>[vector<16xi32>, vector<16xi32>], vector<16xf32>,
      %mul3A_625 = arith.mulf %gather3A_624, %gather3A_405 : vector<16xf32>
      %add3A_626 = arith.addf %add3A_623, %mul3A_625 : vector<16xf32>
      %gather3A_627 = tpu.vector_load_idx %arg14[%add3A_591, %broadcast_in_dim3A_376] : memref<2560x16xf32, #tpu.memory_space<vmem>>[vector<16xi32>, vector<16xi32>], vector<16xf32>,
      %mul3A_628 = arith.mulf %gather3A_627, %gather3A_406 : vector<16xf32>
      %add3A_629 = arith.addf %add3A_626, %mul3A_628 : vector<16xf32>
      %gather3A_630 = tpu.vector_load_idx %arg14[%add3A_591, %broadcast_in_dim3A_378] : memref<2560x16xf32, #tpu.memory_space<vmem>>[vector<16xi32>, vector<16xi32>], vector<16xf32>,
      %mul3A_631 = arith.mulf %gather3A_630, %gather3A_407 : vector<16xf32>
      %add3A_632 = arith.addf %add3A_629, %mul3A_631 : vector<16xf32>
      %gather3A_633 = tpu.vector_load_idx %arg14[%add3A_591, %broadcast_in_dim3A_380] : memref<2560x16xf32, #tpu.memory_space<vmem>>[vector<16xi32>, vector<16xi32>], vector<16xf32>,
      %mul3A_634 = arith.mulf %gather3A_633, %gather3A_408 : vector<16xf32>
      %add3A_635 = arith.addf %add3A_632, %mul3A_634 : vector<16xf32>
      %gather3A_636 = tpu.vector_load_idx %arg14[%add3A_591, %broadcast_in_dim3A_382] : memref<2560x16xf32, #tpu.memory_space<vmem>>[vector<16xi32>, vector<16xi32>], vector<16xf32>,
      %mul3A_637 = arith.mulf %gather3A_636, %gather3A_409 : vector<16xf32>
      %add3A_638 = arith.addf %add3A_635, %mul3A_637 : vector<16xf32>
      %gather3A_639 = tpu.vector_load_idx %arg14[%add3A_591, %broadcast_in_dim3A_384] : memref<2560x16xf32, #tpu.memory_space<vmem>>[vector<16xi32>, vector<16xi32>], vector<16xf32>,
      %mul3A_640 = arith.mulf %gather3A_639, %gather3A_410 : vector<16xf32>
      %add3A_641 = arith.addf %add3A_638, %mul3A_640 : vector<16xf32>
      %exp3A_642 = math.exp %add3A_641 : vector<16xf32>
      %add3A_643 = arith.addf %add3A_585, %exp3A_642 : vector<16xf32>
      %mul3A_644 = arith.constant 20 : i32
      %mul3A_645 = vector.broadcast %mul3A_644 : i32 to vector<16xi32>
      %mul3A_646 = arith.muli %add3A_395, %mul3A_645 : vector<16xi32>
      %add3A_647 = arith.constant 4 : i32
      %add3A_648 = vector.broadcast %add3A_647 : i32 to vector<16xi32>
      %add3A_649 = arith.addi %mul3A_646, %add3A_648 : vector<16xi32>
      %broadcast_in_dim3A_650 = arith.constant 0.000000e+00 : f32
      %broadcast_in_dim3A_651 = vector.broadcast %broadcast_in_dim3A_650 : f32 to vector<16xf32>
      %gather3A_652 = tpu.vector_load_idx %arg14[%add3A_649, %broadcast_in_dim3A_354] : memref<2560x16xf32, #tpu.memory_space<vmem>>[vector<16xi32>, vector<16xi32>], vector<16xf32>,
      %mul3A_653 = arith.mulf %gather3A_652, %gather3A : vector<16xf32>
      %add3A_654 = arith.addf %broadcast_in_dim3A_651, %mul3A_653 : vector<16xf32>
      %gather3A_655 = tpu.vector_load_idx %arg14[%add3A_649, %broadcast_in_dim3A_356] : memref<2560x16xf32, #tpu.memory_space<vmem>>[vector<16xi32>, vector<16xi32>], vector<16xf32>,
      %mul3A_656 = arith.mulf %gather3A_655, %gather3A_396 : vector<16xf32>
      %add3A_657 = arith.addf %add3A_654, %mul3A_656 : vector<16xf32>
      %gather3A_658 = tpu.vector_load_idx %arg14[%add3A_649, %broadcast_in_dim3A_358] : memref<2560x16xf32, #tpu.memory_space<vmem>>[vector<16xi32>, vector<16xi32>], vector<16xf32>,
      %mul3A_659 = arith.mulf %gather3A_658, %gather3A_397 : vector<16xf32>
      %add3A_660 = arith.addf %add3A_657, %mul3A_659 : vector<16xf32>
      %gather3A_661 = tpu.vector_load_idx %arg14[%add3A_649, %broadcast_in_dim3A_360] : memref<2560x16xf32, #tpu.memory_space<vmem>>[vector<16xi32>, vector<16xi32>], vector<16xf32>,
      %mul3A_662 = arith.mulf %gather3A_661, %gather3A_398 : vector<16xf32>
      %add3A_663 = arith.addf %add3A_660, %mul3A_662 : vector<16xf32>
      %gather3A_664 = tpu.vector_load_idx %arg14[%add3A_649, %broadcast_in_dim3A_362] : memref<2560x16xf32, #tpu.memory_space<vmem>>[vector<16xi32>, vector<16xi32>], vector<16xf32>,
      %mul3A_665 = arith.mulf %gather3A_664, %gather3A_399 : vector<16xf32>
      %add3A_666 = arith.addf %add3A_663, %mul3A_665 : vector<16xf32>
      %gather3A_667 = tpu.vector_load_idx %arg14[%add3A_649, %broadcast_in_dim3A_364] : memref<2560x16xf32, #tpu.memory_space<vmem>>[vector<16xi32>, vector<16xi32>], vector<16xf32>,
      %mul3A_668 = arith.mulf %gather3A_667, %gather3A_400 : vector<16xf32>
      %add3A_669 = arith.addf %add3A_666, %mul3A_668 : vector<16xf32>
      %gather3A_670 = tpu.vector_load_idx %arg14[%add3A_649, %broadcast_in_dim3A_366] : memref<2560x16xf32, #tpu.memory_space<vmem>>[vector<16xi32>, vector<16xi32>], vector<16xf32>,
      %mul3A_671 = arith.mulf %gather3A_670, %gather3A_401 : vector<16xf32>
      %add3A_672 = arith.addf %add3A_669, %mul3A_671 : vector<16xf32>
      %gather3A_673 = tpu.vector_load_idx %arg14[%add3A_649, %broadcast_in_dim3A_368] : memref<2560x16xf32, #tpu.memory_space<vmem>>[vector<16xi32>, vector<16xi32>], vector<16xf32>,
      %mul3A_674 = arith.mulf %gather3A_673, %gather3A_402 : vector<16xf32>
      %add3A_675 = arith.addf %add3A_672, %mul3A_674 : vector<16xf32>
      %gather3A_676 = tpu.vector_load_idx %arg14[%add3A_649, %broadcast_in_dim3A_370] : memref<2560x16xf32, #tpu.memory_space<vmem>>[vector<16xi32>, vector<16xi32>], vector<16xf32>,
      %mul3A_677 = arith.mulf %gather3A_676, %gather3A_403 : vector<16xf32>
      %add3A_678 = arith.addf %add3A_675, %mul3A_677 : vector<16xf32>
      %gather3A_679 = tpu.vector_load_idx %arg14[%add3A_649, %broadcast_in_dim3A_372] : memref<2560x16xf32, #tpu.memory_space<vmem>>[vector<16xi32>, vector<16xi32>], vector<16xf32>,
      %mul3A_680 = arith.mulf %gather3A_679, %gather3A_404 : vector<16xf32>
      %add3A_681 = arith.addf %add3A_678, %mul3A_680 : vector<16xf32>
      %gather3A_682 = tpu.vector_load_idx %arg14[%add3A_649, %broadcast_in_dim3A_374] : memref<2560x16xf32, #tpu.memory_space<vmem>>[vector<16xi32>, vector<16xi32>], vector<16xf32>,
      %mul3A_683 = arith.mulf %gather3A_682, %gather3A_405 : vector<16xf32>
      %add3A_684 = arith.addf %add3A_681, %mul3A_683 : vector<16xf32>
      %gather3A_685 = tpu.vector_load_idx %arg14[%add3A_649, %broadcast_in_dim3A_376] : memref<2560x16xf32, #tpu.memory_space<vmem>>[vector<16xi32>, vector<16xi32>], vector<16xf32>,
      %mul3A_686 = arith.mulf %gather3A_685, %gather3A_406 : vector<16xf32>
      %add3A_687 = arith.addf %add3A_684, %mul3A_686 : vector<16xf32>
      %gather3A_688 = tpu.vector_load_idx %arg14[%add3A_649, %broadcast_in_dim3A_378] : memref<2560x16xf32, #tpu.memory_space<vmem>>[vector<16xi32>, vector<16xi32>], vector<16xf32>,
      %mul3A_689 = arith.mulf %gather3A_688, %gather3A_407 : vector<16xf32>
      %add3A_690 = arith.addf %add3A_687, %mul3A_689 : vector<16xf32>
      %gather3A_691 = tpu.vector_load_idx %arg14[%add3A_649, %broadcast_in_dim3A_380] : memref<2560x16xf32, #tpu.memory_space<vmem>>[vector<16xi32>, vector<16xi32>], vector<16xf32>,
      %mul3A_692 = arith.mulf %gather3A_691, %gather3A_408 : vector<16xf32>
      %add3A_693 = arith.addf %add3A_690, %mul3A_692 : vector<16xf32>
      %gather3A_694 = tpu.vector_load_idx %arg14[%add3A_649, %broadcast_in_dim3A_382] : memref<2560x16xf32, #tpu.memory_space<vmem>>[vector<16xi32>, vector<16xi32>], vector<16xf32>,
      %mul3A_695 = arith.mulf %gather3A_694, %gather3A_409 : vector<16xf32>
      %add3A_696 = arith.addf %add3A_693, %mul3A_695 : vector<16xf32>
      %gather3A_697 = tpu.vector_load_idx %arg14[%add3A_649, %broadcast_in_dim3A_384] : memref<2560x16xf32, #tpu.memory_space<vmem>>[vector<16xi32>, vector<16xi32>], vector<16xf32>,
      %mul3A_698 = arith.mulf %gather3A_697, %gather3A_410 : vector<16xf32>
      %add3A_699 = arith.addf %add3A_696, %mul3A_698 : vector<16xf32>
      %exp3A_700 = math.exp %add3A_699 : vector<16xf32>
      %add3A_701 = arith.addf %add3A_643, %exp3A_700 : vector<16xf32>
      %mul3A_702 = arith.constant 20 : i32
      %mul3A_703 = vector.broadcast %mul3A_702 : i32 to vector<16xi32>
      %mul3A_704 = arith.muli %add3A_395, %mul3A_703 : vector<16xi32>
      %add3A_705 = arith.constant 5 : i32
      %add3A_706 = vector.broadcast %add3A_705 : i32 to vector<16xi32>
      %add3A_707 = arith.addi %mul3A_704, %add3A_706 : vector<16xi32>
      %broadcast_in_dim3A_708 = arith.constant 0.000000e+00 : f32
      %broadcast_in_dim3A_709 = vector.broadcast %broadcast_in_dim3A_708 : f32 to vector<16xf32>
      %gather3A_710 = tpu.vector_load_idx %arg14[%add3A_707, %broadcast_in_dim3A_354] : memref<2560x16xf32, #tpu.memory_space<vmem>>[vector<16xi32>, vector<16xi32>], vector<16xf32>,
      %mul3A_711 = arith.mulf %gather3A_710, %gather3A : vector<16xf32>
      %add3A_712 = arith.addf %broadcast_in_dim3A_709, %mul3A_711 : vector<16xf32>
      %gather3A_713 = tpu.vector_load_idx %arg14[%add3A_707, %broadcast_in_dim3A_356] : memref<2560x16xf32, #tpu.memory_space<vmem>>[vector<16xi32>, vector<16xi32>], vector<16xf32>,
      %mul3A_714 = arith.mulf %gather3A_713, %gather3A_396 : vector<16xf32>
      %add3A_715 = arith.addf %add3A_712, %mul3A_714 : vector<16xf32>
      %gather3A_716 = tpu.vector_load_idx %arg14[%add3A_707, %broadcast_in_dim3A_358] : memref<2560x16xf32, #tpu.memory_space<vmem>>[vector<16xi32>, vector<16xi32>], vector<16xf32>,
      %mul3A_717 = arith.mulf %gather3A_716, %gather3A_397 : vector<16xf32>
      %add3A_718 = arith.addf %add3A_715, %mul3A_717 : vector<16xf32>
      %gather3A_719 = tpu.vector_load_idx %arg14[%add3A_707, %broadcast_in_dim3A_360] : memref<2560x16xf32, #tpu.memory_space<vmem>>[vector<16xi32>, vector<16xi32>], vector<16xf32>,
      %mul3A_720 = arith.mulf %gather3A_719, %gather3A_398 : vector<16xf32>
      %add3A_721 = arith.addf %add3A_718, %mul3A_720 : vector<16xf32>
      %gather3A_722 = tpu.vector_load_idx %arg14[%add3A_707, %broadcast_in_dim3A_362] : memref<2560x16xf32, #tpu.memory_space<vmem>>[vector<16xi32>, vector<16xi32>], vector<16xf32>,
      %mul3A_723 = arith.mulf %gather3A_722, %gather3A_399 : vector<16xf32>
      %add3A_724 = arith.addf %add3A_721, %mul3A_723 : vector<16xf32>
      %gather3A_725 = tpu.vector_load_idx %arg14[%add3A_707, %broadcast_in_dim3A_364] : memref<2560x16xf32, #tpu.memory_space<vmem>>[vector<16xi32>, vector<16xi32>], vector<16xf32>,
      %mul3A_726 = arith.mulf %gather3A_725, %gather3A_400 : vector<16xf32>
      %add3A_727 = arith.addf %add3A_724, %mul3A_726 : vector<16xf32>
      %gather3A_728 = tpu.vector_load_idx %arg14[%add3A_707, %broadcast_in_dim3A_366] : memref<2560x16xf32, #tpu.memory_space<vmem>>[vector<16xi32>, vector<16xi32>], vector<16xf32>,
      %mul3A_729 = arith.mulf %gather3A_728, %gather3A_401 : vector<16xf32>
      %add3A_730 = arith.addf %add3A_727, %mul3A_729 : vector<16xf32>
      %gather3A_731 = tpu.vector_load_idx %arg14[%add3A_707, %broadcast_in_dim3A_368] : memref<2560x16xf32, #tpu.memory_space<vmem>>[vector<16xi32>, vector<16xi32>], vector<16xf32>,
      %mul3A_732 = arith.mulf %gather3A_731, %gather3A_402 : vector<16xf32>
      %add3A_733 = arith.addf %add3A_730, %mul3A_732 : vector<16xf32>
      %gather3A_734 = tpu.vector_load_idx %arg14[%add3A_707, %broadcast_in_dim3A_370] : memref<2560x16xf32, #tpu.memory_space<vmem>>[vector<16xi32>, vector<16xi32>], vector<16xf32>,
      %mul3A_735 = arith.mulf %gather3A_734, %gather3A_403 : vector<16xf32>
      %add3A_736 = arith.addf %add3A_733, %mul3A_735 : vector<16xf32>
      %gather3A_737 = tpu.vector_load_idx %arg14[%add3A_707, %broadcast_in_dim3A_372] : memref<2560x16xf32, #tpu.memory_space<vmem>>[vector<16xi32>, vector<16xi32>], vector<16xf32>,
      %mul3A_738 = arith.mulf %gather3A_737, %gather3A_404 : vector<16xf32>
      %add3A_739 = arith.addf %add3A_736, %mul3A_738 : vector<16xf32>
      %gather3A_740 = tpu.vector_load_idx %arg14[%add3A_707, %broadcast_in_dim3A_374] : memref<2560x16xf32, #tpu.memory_space<vmem>>[vector<16xi32>, vector<16xi32>], vector<16xf32>,
      %mul3A_741 = arith.mulf %gather3A_740, %gather3A_405 : vector<16xf32>
      %add3A_742 = arith.addf %add3A_739, %mul3A_741 : vector<16xf32>
      %gather3A_743 = tpu.vector_load_idx %arg14[%add3A_707, %broadcast_in_dim3A_376] : memref<2560x16xf32, #tpu.memory_space<vmem>>[vector<16xi32>, vector<16xi32>], vector<16xf32>,
      %mul3A_744 = arith.mulf %gather3A_743, %gather3A_406 : vector<16xf32>
      %add3A_745 = arith.addf %add3A_742, %mul3A_744 : vector<16xf32>
      %gather3A_746 = tpu.vector_load_idx %arg14[%add3A_707, %broadcast_in_dim3A_378] : memref<2560x16xf32, #tpu.memory_space<vmem>>[vector<16xi32>, vector<16xi32>], vector<16xf32>,
      %mul3A_747 = arith.mulf %gather3A_746, %gather3A_407 : vector<16xf32>
      %add3A_748 = arith.addf %add3A_745, %mul3A_747 : vector<16xf32>
      %gather3A_749 = tpu.vector_load_idx %arg14[%add3A_707, %broadcast_in_dim3A_380] : memref<2560x16xf32, #tpu.memory_space<vmem>>[vector<16xi32>, vector<16xi32>], vector<16xf32>,
      %mul3A_750 = arith.mulf %gather3A_749, %gather3A_408 : vector<16xf32>
      %add3A_751 = arith.addf %add3A_748, %mul3A_750 : vector<16xf32>
      %gather3A_752 = tpu.vector_load_idx %arg14[%add3A_707, %broadcast_in_dim3A_382] : memref<2560x16xf32, #tpu.memory_space<vmem>>[vector<16xi32>, vector<16xi32>], vector<16xf32>,
      %mul3A_753 = arith.mulf %gather3A_752, %gather3A_409 : vector<16xf32>
      %add3A_754 = arith.addf %add3A_751, %mul3A_753 : vector<16xf32>
      %gather3A_755 = tpu.vector_load_idx %arg14[%add3A_707, %broadcast_in_dim3A_384] : memref<2560x16xf32, #tpu.memory_space<vmem>>[vector<16xi32>, vector<16xi32>], vector<16xf32>,
      %mul3A_756 = arith.mulf %gather3A_755, %gather3A_410 : vector<16xf32>
      %add3A_757 = arith.addf %add3A_754, %mul3A_756 : vector<16xf32>
      %exp3A_758 = math.exp %add3A_757 : vector<16xf32>
      %add3A_759 = arith.addf %add3A_701, %exp3A_758 : vector<16xf32>
      %mul3A_760 = arith.constant 20 : i32
      %mul3A_761 = vector.broadcast %mul3A_760 : i32 to vector<16xi32>
      %mul3A_762 = arith.muli %add3A_395, %mul3A_761 : vector<16xi32>
      %add3A_763 = arith.constant 6 : i32
      %add3A_764 = vector.broadcast %add3A_763 : i32 to vector<16xi32>
      %add3A_765 = arith.addi %mul3A_762, %add3A_764 : vector<16xi32>
      %broadcast_in_dim3A_766 = arith.constant 0.000000e+00 : f32
      %broadcast_in_dim3A_767 = vector.broadcast %broadcast_in_dim3A_766 : f32 to vector<16xf32>
      %gather3A_768 = tpu.vector_load_idx %arg14[%add3A_765, %broadcast_in_dim3A_354] : memref<2560x16xf32, #tpu.memory_space<vmem>>[vector<16xi32>, vector<16xi32>], vector<16xf32>,
      %mul3A_769 = arith.mulf %gather3A_768, %gather3A : vector<16xf32>
      %add3A_770 = arith.addf %broadcast_in_dim3A_767, %mul3A_769 : vector<16xf32>
      %gather3A_771 = tpu.vector_load_idx %arg14[%add3A_765, %broadcast_in_dim3A_356] : memref<2560x16xf32, #tpu.memory_space<vmem>>[vector<16xi32>, vector<16xi32>], vector<16xf32>,
      %mul3A_772 = arith.mulf %gather3A_771, %gather3A_396 : vector<16xf32>
      %add3A_773 = arith.addf %add3A_770, %mul3A_772 : vector<16xf32>
      %gather3A_774 = tpu.vector_load_idx %arg14[%add3A_765, %broadcast_in_dim3A_358] : memref<2560x16xf32, #tpu.memory_space<vmem>>[vector<16xi32>, vector<16xi32>], vector<16xf32>,
      %mul3A_775 = arith.mulf %gather3A_774, %gather3A_397 : vector<16xf32>
      %add3A_776 = arith.addf %add3A_773, %mul3A_775 : vector<16xf32>
      %gather3A_777 = tpu.vector_load_idx %arg14[%add3A_765, %broadcast_in_dim3A_360] : memref<2560x16xf32, #tpu.memory_space<vmem>>[vector<16xi32>, vector<16xi32>], vector<16xf32>,
      %mul3A_778 = arith.mulf %gather3A_777, %gather3A_398 : vector<16xf32>
      %add3A_779 = arith.addf %add3A_776, %mul3A_778 : vector<16xf32>
      %gather3A_780 = tpu.vector_load_idx %arg14[%add3A_765, %broadcast_in_dim3A_362] : memref<2560x16xf32, #tpu.memory_space<vmem>>[vector<16xi32>, vector<16xi32>], vector<16xf32>,
      %mul3A_781 = arith.mulf %gather3A_780, %gather3A_399 : vector<16xf32>
      %add3A_782 = arith.addf %add3A_779, %mul3A_781 : vector<16xf32>
      %gather3A_783 = tpu.vector_load_idx %arg14[%add3A_765, %broadcast_in_dim3A_364] : memref<2560x16xf32, #tpu.memory_space<vmem>>[vector<16xi32>, vector<16xi32>], vector<16xf32>,
      %mul3A_784 = arith.mulf %gather3A_783, %gather3A_400 : vector<16xf32>
      %add3A_785 = arith.addf %add3A_782, %mul3A_784 : vector<16xf32>
      %gather3A_786 = tpu.vector_load_idx %arg14[%add3A_765, %broadcast_in_dim3A_366] : memref<2560x16xf32, #tpu.memory_space<vmem>>[vector<16xi32>, vector<16xi32>], vector<16xf32>,
      %mul3A_787 = arith.mulf %gather3A_786, %gather3A_401 : vector<16xf32>
      %add3A_788 = arith.addf %add3A_785, %mul3A_787 : vector<16xf32>
      %gather3A_789 = tpu.vector_load_idx %arg14[%add3A_765, %broadcast_in_dim3A_368] : memref<2560x16xf32, #tpu.memory_space<vmem>>[vector<16xi32>, vector<16xi32>], vector<16xf32>,
      %mul3A_790 = arith.mulf %gather3A_789, %gather3A_402 : vector<16xf32>
      %add3A_791 = arith.addf %add3A_788, %mul3A_790 : vector<16xf32>
      %gather3A_792 = tpu.vector_load_idx %arg14[%add3A_765, %broadcast_in_dim3A_370] : memref<2560x16xf32, #tpu.memory_space<vmem>>[vector<16xi32>, vector<16xi32>], vector<16xf32>,
      %mul3A_793 = arith.mulf %gather3A_792, %gather3A_403 : vector<16xf32>
      %add3A_794 = arith.addf %add3A_791, %mul3A_793 : vector<16xf32>
      %gather3A_795 = tpu.vector_load_idx %arg14[%add3A_765, %broadcast_in_dim3A_372] : memref<2560x16xf32, #tpu.memory_space<vmem>>[vector<16xi32>, vector<16xi32>], vector<16xf32>,
      %mul3A_796 = arith.mulf %gather3A_795, %gather3A_404 : vector<16xf32>
      %add3A_797 = arith.addf %add3A_794, %mul3A_796 : vector<16xf32>
      %gather3A_798 = tpu.vector_load_idx %arg14[%add3A_765, %broadcast_in_dim3A_374] : memref<2560x16xf32, #tpu.memory_space<vmem>>[vector<16xi32>, vector<16xi32>], vector<16xf32>,
      %mul3A_799 = arith.mulf %gather3A_798, %gather3A_405 : vector<16xf32>
      %add3A_800 = arith.addf %add3A_797, %mul3A_799 : vector<16xf32>
      %gather3A_801 = tpu.vector_load_idx %arg14[%add3A_765, %broadcast_in_dim3A_376] : memref<2560x16xf32, #tpu.memory_space<vmem>>[vector<16xi32>, vector<16xi32>], vector<16xf32>,
      %mul3A_802 = arith.mulf %gather3A_801, %gather3A_406 : vector<16xf32>
      %add3A_803 = arith.addf %add3A_800, %mul3A_802 : vector<16xf32>
      %gather3A_804 = tpu.vector_load_idx %arg14[%add3A_765, %broadcast_in_dim3A_378] : memref<2560x16xf32, #tpu.memory_space<vmem>>[vector<16xi32>, vector<16xi32>], vector<16xf32>,
      %mul3A_805 = arith.mulf %gather3A_804, %gather3A_407 : vector<16xf32>
      %add3A_806 = arith.addf %add3A_803, %mul3A_805 : vector<16xf32>
      %gather3A_807 = tpu.vector_load_idx %arg14[%add3A_765, %broadcast_in_dim3A_380] : memref<2560x16xf32, #tpu.memory_space<vmem>>[vector<16xi32>, vector<16xi32>], vector<16xf32>,
      %mul3A_808 = arith.mulf %gather3A_807, %gather3A_408 : vector<16xf32>
      %add3A_809 = arith.addf %add3A_806, %mul3A_808 : vector<16xf32>
      %gather3A_810 = tpu.vector_load_idx %arg14[%add3A_765, %broadcast_in_dim3A_382] : memref<2560x16xf32, #tpu.memory_space<vmem>>[vector<16xi32>, vector<16xi32>], vector<16xf32>,
      %mul3A_811 = arith.mulf %gather3A_810, %gather3A_409 : vector<16xf32>
      %add3A_812 = arith.addf %add3A_809, %mul3A_811 : vector<16xf32>
      %gather3A_813 = tpu.vector_load_idx %arg14[%add3A_765, %broadcast_in_dim3A_384] : memref<2560x16xf32, #tpu.memory_space<vmem>>[vector<16xi32>, vector<16xi32>], vector<16xf32>,
      %mul3A_814 = arith.mulf %gather3A_813, %gather3A_410 : vector<16xf32>
      %add3A_815 = arith.addf %add3A_812, %mul3A_814 : vector<16xf32>
      %exp3A_816 = math.exp %add3A_815 : vector<16xf32>
      %add3A_817 = arith.addf %add3A_759, %exp3A_816 : vector<16xf32>
      %mul3A_818 = arith.constant 20 : i32
      %mul3A_819 = vector.broadcast %mul3A_818 : i32 to vector<16xi32>
      %mul3A_820 = arith.muli %add3A_395, %mul3A_819 : vector<16xi32>
      %add3A_821 = arith.constant 7 : i32
      %add3A_822 = vector.broadcast %add3A_821 : i32 to vector<16xi32>
      %add3A_823 = arith.addi %mul3A_820, %add3A_822 : vector<16xi32>
      %broadcast_in_dim3A_824 = arith.constant 0.000000e+00 : f32
      %broadcast_in_dim3A_825 = vector.broadcast %broadcast_in_dim3A_824 : f32 to vector<16xf32>
      %gather3A_826 = tpu.vector_load_idx %arg14[%add3A_823, %broadcast_in_dim3A_354] : memref<2560x16xf32, #tpu.memory_space<vmem>>[vector<16xi32>, vector<16xi32>], vector<16xf32>,
      %mul3A_827 = arith.mulf %gather3A_826, %gather3A : vector<16xf32>
      %add3A_828 = arith.addf %broadcast_in_dim3A_825, %mul3A_827 : vector<16xf32>
      %gather3A_829 = tpu.vector_load_idx %arg14[%add3A_823, %broadcast_in_dim3A_356] : memref<2560x16xf32, #tpu.memory_space<vmem>>[vector<16xi32>, vector<16xi32>], vector<16xf32>,
      %mul3A_830 = arith.mulf %gather3A_829, %gather3A_396 : vector<16xf32>
      %add3A_831 = arith.addf %add3A_828, %mul3A_830 : vector<16xf32>
      %gather3A_832 = tpu.vector_load_idx %arg14[%add3A_823, %broadcast_in_dim3A_358] : memref<2560x16xf32, #tpu.memory_space<vmem>>[vector<16xi32>, vector<16xi32>], vector<16xf32>,
      %mul3A_833 = arith.mulf %gather3A_832, %gather3A_397 : vector<16xf32>
      %add3A_834 = arith.addf %add3A_831, %mul3A_833 : vector<16xf32>
      %gather3A_835 = tpu.vector_load_idx %arg14[%add3A_823, %broadcast_in_dim3A_360] : memref<2560x16xf32, #tpu.memory_space<vmem>>[vector<16xi32>, vector<16xi32>], vector<16xf32>,
      %mul3A_836 = arith.mulf %gather3A_835, %gather3A_398 : vector<16xf32>
      %add3A_837 = arith.addf %add3A_834, %mul3A_836 : vector<16xf32>
      %gather3A_838 = tpu.vector_load_idx %arg14[%add3A_823, %broadcast_in_dim3A_362] : memref<2560x16xf32, #tpu.memory_space<vmem>>[vector<16xi32>, vector<16xi32>], vector<16xf32>,
      %mul3A_839 = arith.mulf %gather3A_838, %gather3A_399 : vector<16xf32>
      %add3A_840 = arith.addf %add3A_837, %mul3A_839 : vector<16xf32>
      %gather3A_841 = tpu.vector_load_idx %arg14[%add3A_823, %broadcast_in_dim3A_364] : memref<2560x16xf32, #tpu.memory_space<vmem>>[vector<16xi32>, vector<16xi32>], vector<16xf32>,
      %mul3A_842 = arith.mulf %gather3A_841, %gather3A_400 : vector<16xf32>
      %add3A_843 = arith.addf %add3A_840, %mul3A_842 : vector<16xf32>
      %gather3A_844 = tpu.vector_load_idx %arg14[%add3A_823, %broadcast_in_dim3A_366] : memref<2560x16xf32, #tpu.memory_space<vmem>>[vector<16xi32>, vector<16xi32>], vector<16xf32>,
      %mul3A_845 = arith.mulf %gather3A_844, %gather3A_401 : vector<16xf32>
      %add3A_846 = arith.addf %add3A_843, %mul3A_845 : vector<16xf32>
      %gather3A_847 = tpu.vector_load_idx %arg14[%add3A_823, %broadcast_in_dim3A_368] : memref<2560x16xf32, #tpu.memory_space<vmem>>[vector<16xi32>, vector<16xi32>], vector<16xf32>,
      %mul3A_848 = arith.mulf %gather3A_847, %gather3A_402 : vector<16xf32>
      %add3A_849 = arith.addf %add3A_846, %mul3A_848 : vector<16xf32>
      %gather3A_850 = tpu.vector_load_idx %arg14[%add3A_823, %broadcast_in_dim3A_370] : memref<2560x16xf32, #tpu.memory_space<vmem>>[vector<16xi32>, vector<16xi32>], vector<16xf32>,
      %mul3A_851 = arith.mulf %gather3A_850, %gather3A_403 : vector<16xf32>
      %add3A_852 = arith.addf %add3A_849, %mul3A_851 : vector<16xf32>
      %gather3A_853 = tpu.vector_load_idx %arg14[%add3A_823, %broadcast_in_dim3A_372] : memref<2560x16xf32, #tpu.memory_space<vmem>>[vector<16xi32>, vector<16xi32>], vector<16xf32>,
      %mul3A_854 = arith.mulf %gather3A_853, %gather3A_404 : vector<16xf32>
      %add3A_855 = arith.addf %add3A_852, %mul3A_854 : vector<16xf32>
      %gather3A_856 = tpu.vector_load_idx %arg14[%add3A_823, %broadcast_in_dim3A_374] : memref<2560x16xf32, #tpu.memory_space<vmem>>[vector<16xi32>, vector<16xi32>], vector<16xf32>,
      %mul3A_857 = arith.mulf %gather3A_856, %gather3A_405 : vector<16xf32>
      %add3A_858 = arith.addf %add3A_855, %mul3A_857 : vector<16xf32>
      %gather3A_859 = tpu.vector_load_idx %arg14[%add3A_823, %broadcast_in_dim3A_376] : memref<2560x16xf32, #tpu.memory_space<vmem>>[vector<16xi32>, vector<16xi32>], vector<16xf32>,
      %mul3A_860 = arith.mulf %gather3A_859, %gather3A_406 : vector<16xf32>
      %add3A_861 = arith.addf %add3A_858, %mul3A_860 : vector<16xf32>
      %gather3A_862 = tpu.vector_load_idx %arg14[%add3A_823, %broadcast_in_dim3A_378] : memref<2560x16xf32, #tpu.memory_space<vmem>>[vector<16xi32>, vector<16xi32>], vector<16xf32>,
      %mul3A_863 = arith.mulf %gather3A_862, %gather3A_407 : vector<16xf32>
      %add3A_864 = arith.addf %add3A_861, %mul3A_863 : vector<16xf32>
      %gather3A_865 = tpu.vector_load_idx %arg14[%add3A_823, %broadcast_in_dim3A_380] : memref<2560x16xf32, #tpu.memory_space<vmem>>[vector<16xi32>, vector<16xi32>], vector<16xf32>,
      %mul3A_866 = arith.mulf %gather3A_865, %gather3A_408 : vector<16xf32>
      %add3A_867 = arith.addf %add3A_864, %mul3A_866 : vector<16xf32>
      %gather3A_868 = tpu.vector_load_idx %arg14[%add3A_823, %broadcast_in_dim3A_382] : memref<2560x16xf32, #tpu.memory_space<vmem>>[vector<16xi32>, vector<16xi32>], vector<16xf32>,
      %mul3A_869 = arith.mulf %gather3A_868, %gather3A_409 : vector<16xf32>
      %add3A_870 = arith.addf %add3A_867, %mul3A_869 : vector<16xf32>
      %gather3A_871 = tpu.vector_load_idx %arg14[%add3A_823, %broadcast_in_dim3A_384] : memref<2560x16xf32, #tpu.memory_space<vmem>>[vector<16xi32>, vector<16xi32>], vector<16xf32>,
      %mul3A_872 = arith.mulf %gather3A_871, %gather3A_410 : vector<16xf32>
      %add3A_873 = arith.addf %add3A_870, %mul3A_872 : vector<16xf32>
      %exp3A_874 = math.exp %add3A_873 : vector<16xf32>
      %add3A_875 = arith.addf %add3A_817, %exp3A_874 : vector<16xf32>
      %mul3A_876 = arith.constant 20 : i32
      %mul3A_877 = vector.broadcast %mul3A_876 : i32 to vector<16xi32>
      %mul3A_878 = arith.muli %add3A_395, %mul3A_877 : vector<16xi32>
      %add3A_879 = arith.constant 8 : i32
      %add3A_880 = vector.broadcast %add3A_879 : i32 to vector<16xi32>
      %add3A_881 = arith.addi %mul3A_878, %add3A_880 : vector<16xi32>
      %broadcast_in_dim3A_882 = arith.constant 0.000000e+00 : f32
      %broadcast_in_dim3A_883 = vector.broadcast %broadcast_in_dim3A_882 : f32 to vector<16xf32>
      %gather3A_884 = tpu.vector_load_idx %arg14[%add3A_881, %broadcast_in_dim3A_354] : memref<2560x16xf32, #tpu.memory_space<vmem>>[vector<16xi32>, vector<16xi32>], vector<16xf32>,
      %mul3A_885 = arith.mulf %gather3A_884, %gather3A : vector<16xf32>
      %add3A_886 = arith.addf %broadcast_in_dim3A_883, %mul3A_885 : vector<16xf32>
      %gather3A_887 = tpu.vector_load_idx %arg14[%add3A_881, %broadcast_in_dim3A_356] : memref<2560x16xf32, #tpu.memory_space<vmem>>[vector<16xi32>, vector<16xi32>], vector<16xf32>,
      %mul3A_888 = arith.mulf %gather3A_887, %gather3A_396 : vector<16xf32>
      %add3A_889 = arith.addf %add3A_886, %mul3A_888 : vector<16xf32>
      %gather3A_890 = tpu.vector_load_idx %arg14[%add3A_881, %broadcast_in_dim3A_358] : memref<2560x16xf32, #tpu.memory_space<vmem>>[vector<16xi32>, vector<16xi32>], vector<16xf32>,
      %mul3A_891 = arith.mulf %gather3A_890, %gather3A_397 : vector<16xf32>
      %add3A_892 = arith.addf %add3A_889, %mul3A_891 : vector<16xf32>
      %gather3A_893 = tpu.vector_load_idx %arg14[%add3A_881, %broadcast_in_dim3A_360] : memref<2560x16xf32, #tpu.memory_space<vmem>>[vector<16xi32>, vector<16xi32>], vector<16xf32>,
      %mul3A_894 = arith.mulf %gather3A_893, %gather3A_398 : vector<16xf32>
      %add3A_895 = arith.addf %add3A_892, %mul3A_894 : vector<16xf32>
      %gather3A_896 = tpu.vector_load_idx %arg14[%add3A_881, %broadcast_in_dim3A_362] : memref<2560x16xf32, #tpu.memory_space<vmem>>[vector<16xi32>, vector<16xi32>], vector<16xf32>,
      %mul3A_897 = arith.mulf %gather3A_896, %gather3A_399 : vector<16xf32>
      %add3A_898 = arith.addf %add3A_895, %mul3A_897 : vector<16xf32>
      %gather3A_899 = tpu.vector_load_idx %arg14[%add3A_881, %broadcast_in_dim3A_364] : memref<2560x16xf32, #tpu.memory_space<vmem>>[vector<16xi32>, vector<16xi32>], vector<16xf32>,
      %mul3A_900 = arith.mulf %gather3A_899, %gather3A_400 : vector<16xf32>
      %add3A_901 = arith.addf %add3A_898, %mul3A_900 : vector<16xf32>
      %gather3A_902 = tpu.vector_load_idx %arg14[%add3A_881, %broadcast_in_dim3A_366] : memref<2560x16xf32, #tpu.memory_space<vmem>>[vector<16xi32>, vector<16xi32>], vector<16xf32>,
      %mul3A_903 = arith.mulf %gather3A_902, %gather3A_401 : vector<16xf32>
      %add3A_904 = arith.addf %add3A_901, %mul3A_903 : vector<16xf32>
      %gather3A_905 = tpu.vector_load_idx %arg14[%add3A_881, %broadcast_in_dim3A_368] : memref<2560x16xf32, #tpu.memory_space<vmem>>[vector<16xi32>, vector<16xi32>], vector<16xf32>,
      %mul3A_906 = arith.mulf %gather3A_905, %gather3A_402 : vector<16xf32>
      %add3A_907 = arith.addf %add3A_904, %mul3A_906 : vector<16xf32>
      %gather3A_908 = tpu.vector_load_idx %arg14[%add3A_881, %broadcast_in_dim3A_370] : memref<2560x16xf32, #tpu.memory_space<vmem>>[vector<16xi32>, vector<16xi32>], vector<16xf32>,
      %mul3A_909 = arith.mulf %gather3A_908, %gather3A_403 : vector<16xf32>
      %add3A_910 = arith.addf %add3A_907, %mul3A_909 : vector<16xf32>
      %gather3A_911 = tpu.vector_load_idx %arg14[%add3A_881, %broadcast_in_dim3A_372] : memref<2560x16xf32, #tpu.memory_space<vmem>>[vector<16xi32>, vector<16xi32>], vector<16xf32>,
      %mul3A_912 = arith.mulf %gather3A_911, %gather3A_404 : vector<16xf32>
      %add3A_913 = arith.addf %add3A_910, %mul3A_912 : vector<16xf32>
      %gather3A_914 = tpu.vector_load_idx %arg14[%add3A_881, %broadcast_in_dim3A_374] : memref<2560x16xf32, #tpu.memory_space<vmem>>[vector<16xi32>, vector<16xi32>], vector<16xf32>,
      %mul3A_915 = arith.mulf %gather3A_914, %gather3A_405 : vector<16xf32>
      %add3A_916 = arith.addf %add3A_913, %mul3A_915 : vector<16xf32>
      %gather3A_917 = tpu.vector_load_idx %arg14[%add3A_881, %broadcast_in_dim3A_376] : memref<2560x16xf32, #tpu.memory_space<vmem>>[vector<16xi32>, vector<16xi32>], vector<16xf32>,
      %mul3A_918 = arith.mulf %gather3A_917, %gather3A_406 : vector<16xf32>
      %add3A_919 = arith.addf %add3A_916, %mul3A_918 : vector<16xf32>
      %gather3A_920 = tpu.vector_load_idx %arg14[%add3A_881, %broadcast_in_dim3A_378] : memref<2560x16xf32, #tpu.memory_space<vmem>>[vector<16xi32>, vector<16xi32>], vector<16xf32>,
      %mul3A_921 = arith.mulf %gather3A_920, %gather3A_407 : vector<16xf32>
      %add3A_922 = arith.addf %add3A_919, %mul3A_921 : vector<16xf32>
      %gather3A_923 = tpu.vector_load_idx %arg14[%add3A_881, %broadcast_in_dim3A_380] : memref<2560x16xf32, #tpu.memory_space<vmem>>[vector<16xi32>, vector<16xi32>], vector<16xf32>,
      %mul3A_924 = arith.mulf %gather3A_923, %gather3A_408 : vector<16xf32>
      %add3A_925 = arith.addf %add3A_922, %mul3A_924 : vector<16xf32>
      %gather3A_926 = tpu.vector_load_idx %arg14[%add3A_881, %broadcast_in_dim3A_382] : memref<2560x16xf32, #tpu.memory_space<vmem>>[vector<16xi32>, vector<16xi32>], vector<16xf32>,
      %mul3A_927 = arith.mulf %gather3A_926, %gather3A_409 : vector<16xf32>
      %add3A_928 = arith.addf %add3A_925, %mul3A_927 : vector<16xf32>
      %gather3A_929 = tpu.vector_load_idx %arg14[%add3A_881, %broadcast_in_dim3A_384] : memref<2560x16xf32, #tpu.memory_space<vmem>>[vector<16xi32>, vector<16xi32>], vector<16xf32>,
      %mul3A_930 = arith.mulf %gather3A_929, %gather3A_410 : vector<16xf32>
      %add3A_931 = arith.addf %add3A_928, %mul3A_930 : vector<16xf32>
      %exp3A_932 = math.exp %add3A_931 : vector<16xf32>
      %add3A_933 = arith.addf %add3A_875, %exp3A_932 : vector<16xf32>
      %mul3A_934 = arith.constant 20 : i32
      %mul3A_935 = vector.broadcast %mul3A_934 : i32 to vector<16xi32>
      %mul3A_936 = arith.muli %add3A_395, %mul3A_935 : vector<16xi32>
      %add3A_937 = arith.constant 9 : i32
      %add3A_938 = vector.broadcast %add3A_937 : i32 to vector<16xi32>
      %add3A_939 = arith.addi %mul3A_936, %add3A_938 : vector<16xi32>
      %broadcast_in_dim3A_940 = arith.constant 0.000000e+00 : f32
      %broadcast_in_dim3A_941 = vector.broadcast %broadcast_in_dim3A_940 : f32 to vector<16xf32>
      %gather3A_942 = tpu.vector_load_idx %arg14[%add3A_939, %broadcast_in_dim3A_354] : memref<2560x16xf32, #tpu.memory_space<vmem>>[vector<16xi32>, vector<16xi32>], vector<16xf32>,
      %mul3A_943 = arith.mulf %gather3A_942, %gather3A : vector<16xf32>
      %add3A_944 = arith.addf %broadcast_in_dim3A_941, %mul3A_943 : vector<16xf32>
      %gather3A_945 = tpu.vector_load_idx %arg14[%add3A_939, %broadcast_in_dim3A_356] : memref<2560x16xf32, #tpu.memory_space<vmem>>[vector<16xi32>, vector<16xi32>], vector<16xf32>,
      %mul3A_946 = arith.mulf %gather3A_945, %gather3A_396 : vector<16xf32>
      %add3A_947 = arith.addf %add3A_944, %mul3A_946 : vector<16xf32>
      %gather3A_948 = tpu.vector_load_idx %arg14[%add3A_939, %broadcast_in_dim3A_358] : memref<2560x16xf32, #tpu.memory_space<vmem>>[vector<16xi32>, vector<16xi32>], vector<16xf32>,
      %mul3A_949 = arith.mulf %gather3A_948, %gather3A_397 : vector<16xf32>
      %add3A_950 = arith.addf %add3A_947, %mul3A_949 : vector<16xf32>
      %gather3A_951 = tpu.vector_load_idx %arg14[%add3A_939, %broadcast_in_dim3A_360] : memref<2560x16xf32, #tpu.memory_space<vmem>>[vector<16xi32>, vector<16xi32>], vector<16xf32>,
      %mul3A_952 = arith.mulf %gather3A_951, %gather3A_398 : vector<16xf32>
      %add3A_953 = arith.addf %add3A_950, %mul3A_952 : vector<16xf32>
      %gather3A_954 = tpu.vector_load_idx %arg14[%add3A_939, %broadcast_in_dim3A_362] : memref<2560x16xf32, #tpu.memory_space<vmem>>[vector<16xi32>, vector<16xi32>], vector<16xf32>,
      %mul3A_955 = arith.mulf %gather3A_954, %gather3A_399 : vector<16xf32>
      %add3A_956 = arith.addf %add3A_953, %mul3A_955 : vector<16xf32>
      %gather3A_957 = tpu.vector_load_idx %arg14[%add3A_939, %broadcast_in_dim3A_364] : memref<2560x16xf32, #tpu.memory_space<vmem>>[vector<16xi32>, vector<16xi32>], vector<16xf32>,
      %mul3A_958 = arith.mulf %gather3A_957, %gather3A_400 : vector<16xf32>
      %add3A_959 = arith.addf %add3A_956, %mul3A_958 : vector<16xf32>
      %gather3A_960 = tpu.vector_load_idx %arg14[%add3A_939, %broadcast_in_dim3A_366] : memref<2560x16xf32, #tpu.memory_space<vmem>>[vector<16xi32>, vector<16xi32>], vector<16xf32>,
      %mul3A_961 = arith.mulf %gather3A_960, %gather3A_401 : vector<16xf32>
      %add3A_962 = arith.addf %add3A_959, %mul3A_961 : vector<16xf32>
      %gather3A_963 = tpu.vector_load_idx %arg14[%add3A_939, %broadcast_in_dim3A_368] : memref<2560x16xf32, #tpu.memory_space<vmem>>[vector<16xi32>, vector<16xi32>], vector<16xf32>,
      %mul3A_964 = arith.mulf %gather3A_963, %gather3A_402 : vector<16xf32>
      %add3A_965 = arith.addf %add3A_962, %mul3A_964 : vector<16xf32>
      %gather3A_966 = tpu.vector_load_idx %arg14[%add3A_939, %broadcast_in_dim3A_370] : memref<2560x16xf32, #tpu.memory_space<vmem>>[vector<16xi32>, vector<16xi32>], vector<16xf32>,
      %mul3A_967 = arith.mulf %gather3A_966, %gather3A_403 : vector<16xf32>
      %add3A_968 = arith.addf %add3A_965, %mul3A_967 : vector<16xf32>
      %gather3A_969 = tpu.vector_load_idx %arg14[%add3A_939, %broadcast_in_dim3A_372] : memref<2560x16xf32, #tpu.memory_space<vmem>>[vector<16xi32>, vector<16xi32>], vector<16xf32>,
      %mul3A_970 = arith.mulf %gather3A_969, %gather3A_404 : vector<16xf32>
      %add3A_971 = arith.addf %add3A_968, %mul3A_970 : vector<16xf32>
      %gather3A_972 = tpu.vector_load_idx %arg14[%add3A_939, %broadcast_in_dim3A_374] : memref<2560x16xf32, #tpu.memory_space<vmem>>[vector<16xi32>, vector<16xi32>], vector<16xf32>,
      %mul3A_973 = arith.mulf %gather3A_972, %gather3A_405 : vector<16xf32>
      %add3A_974 = arith.addf %add3A_971, %mul3A_973 : vector<16xf32>
      %gather3A_975 = tpu.vector_load_idx %arg14[%add3A_939, %broadcast_in_dim3A_376] : memref<2560x16xf32, #tpu.memory_space<vmem>>[vector<16xi32>, vector<16xi32>], vector<16xf32>,
      %mul3A_976 = arith.mulf %gather3A_975, %gather3A_406 : vector<16xf32>
      %add3A_977 = arith.addf %add3A_974, %mul3A_976 : vector<16xf32>
      %gather3A_978 = tpu.vector_load_idx %arg14[%add3A_939, %broadcast_in_dim3A_378] : memref<2560x16xf32, #tpu.memory_space<vmem>>[vector<16xi32>, vector<16xi32>], vector<16xf32>,
      %mul3A_979 = arith.mulf %gather3A_978, %gather3A_407 : vector<16xf32>
      %add3A_980 = arith.addf %add3A_977, %mul3A_979 : vector<16xf32>
      %gather3A_981 = tpu.vector_load_idx %arg14[%add3A_939, %broadcast_in_dim3A_380] : memref<2560x16xf32, #tpu.memory_space<vmem>>[vector<16xi32>, vector<16xi32>], vector<16xf32>,
      %mul3A_982 = arith.mulf %gather3A_981, %gather3A_408 : vector<16xf32>
      %add3A_983 = arith.addf %add3A_980, %mul3A_982 : vector<16xf32>
      %gather3A_984 = tpu.vector_load_idx %arg14[%add3A_939, %broadcast_in_dim3A_382] : memref<2560x16xf32, #tpu.memory_space<vmem>>[vector<16xi32>, vector<16xi32>], vector<16xf32>,
      %mul3A_985 = arith.mulf %gather3A_984, %gather3A_409 : vector<16xf32>
      %add3A_986 = arith.addf %add3A_983, %mul3A_985 : vector<16xf32>
      %gather3A_987 = tpu.vector_load_idx %arg14[%add3A_939, %broadcast_in_dim3A_384] : memref<2560x16xf32, #tpu.memory_space<vmem>>[vector<16xi32>, vector<16xi32>], vector<16xf32>,
      %mul3A_988 = arith.mulf %gather3A_987, %gather3A_410 : vector<16xf32>
      %add3A_989 = arith.addf %add3A_986, %mul3A_988 : vector<16xf32>
      %exp3A_990 = math.exp %add3A_989 : vector<16xf32>
      %add3A_991 = arith.addf %add3A_933, %exp3A_990 : vector<16xf32>
      %mul3A_992 = arith.constant 20 : i32
      %mul3A_993 = vector.broadcast %mul3A_992 : i32 to vector<16xi32>
      %mul3A_994 = arith.muli %add3A_395, %mul3A_993 : vector<16xi32>
      %add3A_995 = arith.constant 10 : i32
      %add3A_996 = vector.broadcast %add3A_995 : i32 to vector<16xi32>
      %add3A_997 = arith.addi %mul3A_994, %add3A_996 : vector<16xi32>
      %broadcast_in_dim3A_998 = arith.constant 0.000000e+00 : f32
      %broadcast_in_dim3A_999 = vector.broadcast %broadcast_in_dim3A_998 : f32 to vector<16xf32>
      %gather3A_1000 = tpu.vector_load_idx %arg14[%add3A_997, %broadcast_in_dim3A_354] : memref<2560x16xf32, #tpu.memory_space<vmem>>[vector<16xi32>, vector<16xi32>], vector<16xf32>,
      %mul3A_1001 = arith.mulf %gather3A_1000, %gather3A : vector<16xf32>
      %add3A_1002 = arith.addf %broadcast_in_dim3A_999, %mul3A_1001 : vector<16xf32>
      %gather3A_1003 = tpu.vector_load_idx %arg14[%add3A_997, %broadcast_in_dim3A_356] : memref<2560x16xf32, #tpu.memory_space<vmem>>[vector<16xi32>, vector<16xi32>], vector<16xf32>,
      %mul3A_1004 = arith.mulf %gather3A_1003, %gather3A_396 : vector<16xf32>
      %add3A_1005 = arith.addf %add3A_1002, %mul3A_1004 : vector<16xf32>
      %gather3A_1006 = tpu.vector_load_idx %arg14[%add3A_997, %broadcast_in_dim3A_358] : memref<2560x16xf32, #tpu.memory_space<vmem>>[vector<16xi32>, vector<16xi32>], vector<16xf32>,
      %mul3A_1007 = arith.mulf %gather3A_1006, %gather3A_397 : vector<16xf32>
      %add3A_1008 = arith.addf %add3A_1005, %mul3A_1007 : vector<16xf32>
      %gather3A_1009 = tpu.vector_load_idx %arg14[%add3A_997, %broadcast_in_dim3A_360] : memref<2560x16xf32, #tpu.memory_space<vmem>>[vector<16xi32>, vector<16xi32>], vector<16xf32>,
      %mul3A_1010 = arith.mulf %gather3A_1009, %gather3A_398 : vector<16xf32>
      %add3A_1011 = arith.addf %add3A_1008, %mul3A_1010 : vector<16xf32>
      %gather3A_1012 = tpu.vector_load_idx %arg14[%add3A_997, %broadcast_in_dim3A_362] : memref<2560x16xf32, #tpu.memory_space<vmem>>[vector<16xi32>, vector<16xi32>], vector<16xf32>,
      %mul3A_1013 = arith.mulf %gather3A_1012, %gather3A_399 : vector<16xf32>
      %add3A_1014 = arith.addf %add3A_1011, %mul3A_1013 : vector<16xf32>
      %gather3A_1015 = tpu.vector_load_idx %arg14[%add3A_997, %broadcast_in_dim3A_364] : memref<2560x16xf32, #tpu.memory_space<vmem>>[vector<16xi32>, vector<16xi32>], vector<16xf32>,
      %mul3A_1016 = arith.mulf %gather3A_1015, %gather3A_400 : vector<16xf32>
      %add3A_1017 = arith.addf %add3A_1014, %mul3A_1016 : vector<16xf32>
      %gather3A_1018 = tpu.vector_load_idx %arg14[%add3A_997, %broadcast_in_dim3A_366] : memref<2560x16xf32, #tpu.memory_space<vmem>>[vector<16xi32>, vector<16xi32>], vector<16xf32>,
      %mul3A_1019 = arith.mulf %gather3A_1018, %gather3A_401 : vector<16xf32>
      %add3A_1020 = arith.addf %add3A_1017, %mul3A_1019 : vector<16xf32>
      %gather3A_1021 = tpu.vector_load_idx %arg14[%add3A_997, %broadcast_in_dim3A_368] : memref<2560x16xf32, #tpu.memory_space<vmem>>[vector<16xi32>, vector<16xi32>], vector<16xf32>,
      %mul3A_1022 = arith.mulf %gather3A_1021, %gather3A_402 : vector<16xf32>
      %add3A_1023 = arith.addf %add3A_1020, %mul3A_1022 : vector<16xf32>
      %gather3A_1024 = tpu.vector_load_idx %arg14[%add3A_997, %broadcast_in_dim3A_370] : memref<2560x16xf32, #tpu.memory_space<vmem>>[vector<16xi32>, vector<16xi32>], vector<16xf32>,
      %mul3A_1025 = arith.mulf %gather3A_1024, %gather3A_403 : vector<16xf32>
      %add3A_1026 = arith.addf %add3A_1023, %mul3A_1025 : vector<16xf32>
      %gather3A_1027 = tpu.vector_load_idx %arg14[%add3A_997, %broadcast_in_dim3A_372] : memref<2560x16xf32, #tpu.memory_space<vmem>>[vector<16xi32>, vector<16xi32>], vector<16xf32>,
      %mul3A_1028 = arith.mulf %gather3A_1027, %gather3A_404 : vector<16xf32>
      %add3A_1029 = arith.addf %add3A_1026, %mul3A_1028 : vector<16xf32>
      %gather3A_1030 = tpu.vector_load_idx %arg14[%add3A_997, %broadcast_in_dim3A_374] : memref<2560x16xf32, #tpu.memory_space<vmem>>[vector<16xi32>, vector<16xi32>], vector<16xf32>,
      %mul3A_1031 = arith.mulf %gather3A_1030, %gather3A_405 : vector<16xf32>
      %add3A_1032 = arith.addf %add3A_1029, %mul3A_1031 : vector<16xf32>
      %gather3A_1033 = tpu.vector_load_idx %arg14[%add3A_997, %broadcast_in_dim3A_376] : memref<2560x16xf32, #tpu.memory_space<vmem>>[vector<16xi32>, vector<16xi32>], vector<16xf32>,
      %mul3A_1034 = arith.mulf %gather3A_1033, %gather3A_406 : vector<16xf32>
      %add3A_1035 = arith.addf %add3A_1032, %mul3A_1034 : vector<16xf32>
      %gather3A_1036 = tpu.vector_load_idx %arg14[%add3A_997, %broadcast_in_dim3A_378] : memref<2560x16xf32, #tpu.memory_space<vmem>>[vector<16xi32>, vector<16xi32>], vector<16xf32>,
      %mul3A_1037 = arith.mulf %gather3A_1036, %gather3A_407 : vector<16xf32>
      %add3A_1038 = arith.addf %add3A_1035, %mul3A_1037 : vector<16xf32>
      %gather3A_1039 = tpu.vector_load_idx %arg14[%add3A_997, %broadcast_in_dim3A_380] : memref<2560x16xf32, #tpu.memory_space<vmem>>[vector<16xi32>, vector<16xi32>], vector<16xf32>,
      %mul3A_1040 = arith.mulf %gather3A_1039, %gather3A_408 : vector<16xf32>
      %add3A_1041 = arith.addf %add3A_1038, %mul3A_1040 : vector<16xf32>
      %gather3A_1042 = tpu.vector_load_idx %arg14[%add3A_997, %broadcast_in_dim3A_382] : memref<2560x16xf32, #tpu.memory_space<vmem>>[vector<16xi32>, vector<16xi32>], vector<16xf32>,
      %mul3A_1043 = arith.mulf %gather3A_1042, %gather3A_409 : vector<16xf32>
      %add3A_1044 = arith.addf %add3A_1041, %mul3A_1043 : vector<16xf32>
      %gather3A_1045 = tpu.vector_load_idx %arg14[%add3A_997, %broadcast_in_dim3A_384] : memref<2560x16xf32, #tpu.memory_space<vmem>>[vector<16xi32>, vector<16xi32>], vector<16xf32>,
      %mul3A_1046 = arith.mulf %gather3A_1045, %gather3A_410 : vector<16xf32>
      %add3A_1047 = arith.addf %add3A_1044, %mul3A_1046 : vector<16xf32>
      %exp3A_1048 = math.exp %add3A_1047 : vector<16xf32>
      %add3A_1049 = arith.addf %add3A_991, %exp3A_1048 : vector<16xf32>
      %mul3A_1050 = arith.constant 20 : i32
      %mul3A_1051 = vector.broadcast %mul3A_1050 : i32 to vector<16xi32>
      %mul3A_1052 = arith.muli %add3A_395, %mul3A_1051 : vector<16xi32>
      %add3A_1053 = arith.constant 11 : i32
      %add3A_1054 = vector.broadcast %add3A_1053 : i32 to vector<16xi32>
      %add3A_1055 = arith.addi %mul3A_1052, %add3A_1054 : vector<16xi32>
      %broadcast_in_dim3A_1056 = arith.constant 0.000000e+00 : f32
      %broadcast_in_dim3A_1057 = vector.broadcast %broadcast_in_dim3A_1056 : f32 to vector<16xf32>
      %gather3A_1058 = tpu.vector_load_idx %arg14[%add3A_1055, %broadcast_in_dim3A_354] : memref<2560x16xf32, #tpu.memory_space<vmem>>[vector<16xi32>, vector<16xi32>], vector<16xf32>,
      %mul3A_1059 = arith.mulf %gather3A_1058, %gather3A : vector<16xf32>
      %add3A_1060 = arith.addf %broadcast_in_dim3A_1057, %mul3A_1059 : vector<16xf32>
      %gather3A_1061 = tpu.vector_load_idx %arg14[%add3A_1055, %broadcast_in_dim3A_356] : memref<2560x16xf32, #tpu.memory_space<vmem>>[vector<16xi32>, vector<16xi32>], vector<16xf32>,
      %mul3A_1062 = arith.mulf %gather3A_1061, %gather3A_396 : vector<16xf32>
      %add3A_1063 = arith.addf %add3A_1060, %mul3A_1062 : vector<16xf32>
      %gather3A_1064 = tpu.vector_load_idx %arg14[%add3A_1055, %broadcast_in_dim3A_358] : memref<2560x16xf32, #tpu.memory_space<vmem>>[vector<16xi32>, vector<16xi32>], vector<16xf32>,
      %mul3A_1065 = arith.mulf %gather3A_1064, %gather3A_397 : vector<16xf32>
      %add3A_1066 = arith.addf %add3A_1063, %mul3A_1065 : vector<16xf32>
      %gather3A_1067 = tpu.vector_load_idx %arg14[%add3A_1055, %broadcast_in_dim3A_360] : memref<2560x16xf32, #tpu.memory_space<vmem>>[vector<16xi32>, vector<16xi32>], vector<16xf32>,
      %mul3A_1068 = arith.mulf %gather3A_1067, %gather3A_398 : vector<16xf32>
      %add3A_1069 = arith.addf %add3A_1066, %mul3A_1068 : vector<16xf32>
      %gather3A_1070 = tpu.vector_load_idx %arg14[%add3A_1055, %broadcast_in_dim3A_362] : memref<2560x16xf32, #tpu.memory_space<vmem>>[vector<16xi32>, vector<16xi32>], vector<16xf32>,
      %mul3A_1071 = arith.mulf %gather3A_1070, %gather3A_399 : vector<16xf32>
      %add3A_1072 = arith.addf %add3A_1069, %mul3A_1071 : vector<16xf32>
      %gather3A_1073 = tpu.vector_load_idx %arg14[%add3A_1055, %broadcast_in_dim3A_364] : memref<2560x16xf32, #tpu.memory_space<vmem>>[vector<16xi32>, vector<16xi32>], vector<16xf32>,
      %mul3A_1074 = arith.mulf %gather3A_1073, %gather3A_400 : vector<16xf32>
      %add3A_1075 = arith.addf %add3A_1072, %mul3A_1074 : vector<16xf32>
      %gather3A_1076 = tpu.vector_load_idx %arg14[%add3A_1055, %broadcast_in_dim3A_366] : memref<2560x16xf32, #tpu.memory_space<vmem>>[vector<16xi32>, vector<16xi32>], vector<16xf32>,
      %mul3A_1077 = arith.mulf %gather3A_1076, %gather3A_401 : vector<16xf32>
      %add3A_1078 = arith.addf %add3A_1075, %mul3A_1077 : vector<16xf32>
      %gather3A_1079 = tpu.vector_load_idx %arg14[%add3A_1055, %broadcast_in_dim3A_368] : memref<2560x16xf32, #tpu.memory_space<vmem>>[vector<16xi32>, vector<16xi32>], vector<16xf32>,
      %mul3A_1080 = arith.mulf %gather3A_1079, %gather3A_402 : vector<16xf32>
      %add3A_1081 = arith.addf %add3A_1078, %mul3A_1080 : vector<16xf32>
      %gather3A_1082 = tpu.vector_load_idx %arg14[%add3A_1055, %broadcast_in_dim3A_370] : memref<2560x16xf32, #tpu.memory_space<vmem>>[vector<16xi32>, vector<16xi32>], vector<16xf32>,
      %mul3A_1083 = arith.mulf %gather3A_1082, %gather3A_403 : vector<16xf32>
      %add3A_1084 = arith.addf %add3A_1081, %mul3A_1083 : vector<16xf32>
      %gather3A_1085 = tpu.vector_load_idx %arg14[%add3A_1055, %broadcast_in_dim3A_372] : memref<2560x16xf32, #tpu.memory_space<vmem>>[vector<16xi32>, vector<16xi32>], vector<16xf32>,
      %mul3A_1086 = arith.mulf %gather3A_1085, %gather3A_404 : vector<16xf32>
      %add3A_1087 = arith.addf %add3A_1084, %mul3A_1086 : vector<16xf32>
      %gather3A_1088 = tpu.vector_load_idx %arg14[%add3A_1055, %broadcast_in_dim3A_374] : memref<2560x16xf32, #tpu.memory_space<vmem>>[vector<16xi32>, vector<16xi32>], vector<16xf32>,
      %mul3A_1089 = arith.mulf %gather3A_1088, %gather3A_405 : vector<16xf32>
      %add3A_1090 = arith.addf %add3A_1087, %mul3A_1089 : vector<16xf32>
      %gather3A_1091 = tpu.vector_load_idx %arg14[%add3A_1055, %broadcast_in_dim3A_376] : memref<2560x16xf32, #tpu.memory_space<vmem>>[vector<16xi32>, vector<16xi32>], vector<16xf32>,
      %mul3A_1092 = arith.mulf %gather3A_1091, %gather3A_406 : vector<16xf32>
      %add3A_1093 = arith.addf %add3A_1090, %mul3A_1092 : vector<16xf32>
      %gather3A_1094 = tpu.vector_load_idx %arg14[%add3A_1055, %broadcast_in_dim3A_378] : memref<2560x16xf32, #tpu.memory_space<vmem>>[vector<16xi32>, vector<16xi32>], vector<16xf32>,
      %mul3A_1095 = arith.mulf %gather3A_1094, %gather3A_407 : vector<16xf32>
      %add3A_1096 = arith.addf %add3A_1093, %mul3A_1095 : vector<16xf32>
      %gather3A_1097 = tpu.vector_load_idx %arg14[%add3A_1055, %broadcast_in_dim3A_380] : memref<2560x16xf32, #tpu.memory_space<vmem>>[vector<16xi32>, vector<16xi32>], vector<16xf32>,
      %mul3A_1098 = arith.mulf %gather3A_1097, %gather3A_408 : vector<16xf32>
      %add3A_1099 = arith.addf %add3A_1096, %mul3A_1098 : vector<16xf32>
      %gather3A_1100 = tpu.vector_load_idx %arg14[%add3A_1055, %broadcast_in_dim3A_382] : memref<2560x16xf32, #tpu.memory_space<vmem>>[vector<16xi32>, vector<16xi32>], vector<16xf32>,
      %mul3A_1101 = arith.mulf %gather3A_1100, %gather3A_409 : vector<16xf32>
      %add3A_1102 = arith.addf %add3A_1099, %mul3A_1101 : vector<16xf32>
      %gather3A_1103 = tpu.vector_load_idx %arg14[%add3A_1055, %broadcast_in_dim3A_384] : memref<2560x16xf32, #tpu.memory_space<vmem>>[vector<16xi32>, vector<16xi32>], vector<16xf32>,
      %mul3A_1104 = arith.mulf %gather3A_1103, %gather3A_410 : vector<16xf32>
      %add3A_1105 = arith.addf %add3A_1102, %mul3A_1104 : vector<16xf32>
      %exp3A_1106 = math.exp %add3A_1105 : vector<16xf32>
      %add3A_1107 = arith.addf %add3A_1049, %exp3A_1106 : vector<16xf32>
      %mul3A_1108 = arith.constant 20 : i32
      %mul3A_1109 = vector.broadcast %mul3A_1108 : i32 to vector<16xi32>
      %mul3A_1110 = arith.muli %add3A_395, %mul3A_1109 : vector<16xi32>
      %add3A_1111 = arith.constant 12 : i32
      %add3A_1112 = vector.broadcast %add3A_1111 : i32 to vector<16xi32>
      %add3A_1113 = arith.addi %mul3A_1110, %add3A_1112 : vector<16xi32>
      %broadcast_in_dim3A_1114 = arith.constant 0.000000e+00 : f32
      %broadcast_in_dim3A_1115 = vector.broadcast %broadcast_in_dim3A_1114 : f32 to vector<16xf32>
      %gather3A_1116 = tpu.vector_load_idx %arg14[%add3A_1113, %broadcast_in_dim3A_354] : memref<2560x16xf32, #tpu.memory_space<vmem>>[vector<16xi32>, vector<16xi32>], vector<16xf32>,
      %mul3A_1117 = arith.mulf %gather3A_1116, %gather3A : vector<16xf32>
      %add3A_1118 = arith.addf %broadcast_in_dim3A_1115, %mul3A_1117 : vector<16xf32>
      %gather3A_1119 = tpu.vector_load_idx %arg14[%add3A_1113, %broadcast_in_dim3A_356] : memref<2560x16xf32, #tpu.memory_space<vmem>>[vector<16xi32>, vector<16xi32>], vector<16xf32>,
      %mul3A_1120 = arith.mulf %gather3A_1119, %gather3A_396 : vector<16xf32>
      %add3A_1121 = arith.addf %add3A_1118, %mul3A_1120 : vector<16xf32>
      %gather3A_1122 = tpu.vector_load_idx %arg14[%add3A_1113, %broadcast_in_dim3A_358] : memref<2560x16xf32, #tpu.memory_space<vmem>>[vector<16xi32>, vector<16xi32>], vector<16xf32>,
      %mul3A_1123 = arith.mulf %gather3A_1122, %gather3A_397 : vector<16xf32>
      %add3A_1124 = arith.addf %add3A_1121, %mul3A_1123 : vector<16xf32>
      %gather3A_1125 = tpu.vector_load_idx %arg14[%add3A_1113, %broadcast_in_dim3A_360] : memref<2560x16xf32, #tpu.memory_space<vmem>>[vector<16xi32>, vector<16xi32>], vector<16xf32>,
      %mul3A_1126 = arith.mulf %gather3A_1125, %gather3A_398 : vector<16xf32>
      %add3A_1127 = arith.addf %add3A_1124, %mul3A_1126 : vector<16xf32>
      %gather3A_1128 = tpu.vector_load_idx %arg14[%add3A_1113, %broadcast_in_dim3A_362] : memref<2560x16xf32, #tpu.memory_space<vmem>>[vector<16xi32>, vector<16xi32>], vector<16xf32>,
      %mul3A_1129 = arith.mulf %gather3A_1128, %gather3A_399 : vector<16xf32>
      %add3A_1130 = arith.addf %add3A_1127, %mul3A_1129 : vector<16xf32>
      %gather3A_1131 = tpu.vector_load_idx %arg14[%add3A_1113, %broadcast_in_dim3A_364] : memref<2560x16xf32, #tpu.memory_space<vmem>>[vector<16xi32>, vector<16xi32>], vector<16xf32>,
      %mul3A_1132 = arith.mulf %gather3A_1131, %gather3A_400 : vector<16xf32>
      %add3A_1133 = arith.addf %add3A_1130, %mul3A_1132 : vector<16xf32>
      %gather3A_1134 = tpu.vector_load_idx %arg14[%add3A_1113, %broadcast_in_dim3A_366] : memref<2560x16xf32, #tpu.memory_space<vmem>>[vector<16xi32>, vector<16xi32>], vector<16xf32>,
      %mul3A_1135 = arith.mulf %gather3A_1134, %gather3A_401 : vector<16xf32>
      %add3A_1136 = arith.addf %add3A_1133, %mul3A_1135 : vector<16xf32>
      %gather3A_1137 = tpu.vector_load_idx %arg14[%add3A_1113, %broadcast_in_dim3A_368] : memref<2560x16xf32, #tpu.memory_space<vmem>>[vector<16xi32>, vector<16xi32>], vector<16xf32>,
      %mul3A_1138 = arith.mulf %gather3A_1137, %gather3A_402 : vector<16xf32>
      %add3A_1139 = arith.addf %add3A_1136, %mul3A_1138 : vector<16xf32>
      %gather3A_1140 = tpu.vector_load_idx %arg14[%add3A_1113, %broadcast_in_dim3A_370] : memref<2560x16xf32, #tpu.memory_space<vmem>>[vector<16xi32>, vector<16xi32>], vector<16xf32>,
      %mul3A_1141 = arith.mulf %gather3A_1140, %gather3A_403 : vector<16xf32>
      %add3A_1142 = arith.addf %add3A_1139, %mul3A_1141 : vector<16xf32>
      %gather3A_1143 = tpu.vector_load_idx %arg14[%add3A_1113, %broadcast_in_dim3A_372] : memref<2560x16xf32, #tpu.memory_space<vmem>>[vector<16xi32>, vector<16xi32>], vector<16xf32>,
      %mul3A_1144 = arith.mulf %gather3A_1143, %gather3A_404 : vector<16xf32>
      %add3A_1145 = arith.addf %add3A_1142, %mul3A_1144 : vector<16xf32>
      %gather3A_1146 = tpu.vector_load_idx %arg14[%add3A_1113, %broadcast_in_dim3A_374] : memref<2560x16xf32, #tpu.memory_space<vmem>>[vector<16xi32>, vector<16xi32>], vector<16xf32>,
      %mul3A_1147 = arith.mulf %gather3A_1146, %gather3A_405 : vector<16xf32>
      %add3A_1148 = arith.addf %add3A_1145, %mul3A_1147 : vector<16xf32>
      %gather3A_1149 = tpu.vector_load_idx %arg14[%add3A_1113, %broadcast_in_dim3A_376] : memref<2560x16xf32, #tpu.memory_space<vmem>>[vector<16xi32>, vector<16xi32>], vector<16xf32>,
      %mul3A_1150 = arith.mulf %gather3A_1149, %gather3A_406 : vector<16xf32>
      %add3A_1151 = arith.addf %add3A_1148, %mul3A_1150 : vector<16xf32>
      %gather3A_1152 = tpu.vector_load_idx %arg14[%add3A_1113, %broadcast_in_dim3A_378] : memref<2560x16xf32, #tpu.memory_space<vmem>>[vector<16xi32>, vector<16xi32>], vector<16xf32>,
      %mul3A_1153 = arith.mulf %gather3A_1152, %gather3A_407 : vector<16xf32>
      %add3A_1154 = arith.addf %add3A_1151, %mul3A_1153 : vector<16xf32>
      %gather3A_1155 = tpu.vector_load_idx %arg14[%add3A_1113, %broadcast_in_dim3A_380] : memref<2560x16xf32, #tpu.memory_space<vmem>>[vector<16xi32>, vector<16xi32>], vector<16xf32>,
      %mul3A_1156 = arith.mulf %gather3A_1155, %gather3A_408 : vector<16xf32>
      %add3A_1157 = arith.addf %add3A_1154, %mul3A_1156 : vector<16xf32>
      %gather3A_1158 = tpu.vector_load_idx %arg14[%add3A_1113, %broadcast_in_dim3A_382] : memref<2560x16xf32, #tpu.memory_space<vmem>>[vector<16xi32>, vector<16xi32>], vector<16xf32>,
      %mul3A_1159 = arith.mulf %gather3A_1158, %gather3A_409 : vector<16xf32>
      %add3A_1160 = arith.addf %add3A_1157, %mul3A_1159 : vector<16xf32>
      %gather3A_1161 = tpu.vector_load_idx %arg14[%add3A_1113, %broadcast_in_dim3A_384] : memref<2560x16xf32, #tpu.memory_space<vmem>>[vector<16xi32>, vector<16xi32>], vector<16xf32>,
      %mul3A_1162 = arith.mulf %gather3A_1161, %gather3A_410 : vector<16xf32>
      %add3A_1163 = arith.addf %add3A_1160, %mul3A_1162 : vector<16xf32>
      %exp3A_1164 = math.exp %add3A_1163 : vector<16xf32>
      %add3A_1165 = arith.addf %add3A_1107, %exp3A_1164 : vector<16xf32>
      %mul3A_1166 = arith.constant 20 : i32
      %mul3A_1167 = vector.broadcast %mul3A_1166 : i32 to vector<16xi32>
      %mul3A_1168 = arith.muli %add3A_395, %mul3A_1167 : vector<16xi32>
      %add3A_1169 = arith.constant 13 : i32
      %add3A_1170 = vector.broadcast %add3A_1169 : i32 to vector<16xi32>
      %add3A_1171 = arith.addi %mul3A_1168, %add3A_1170 : vector<16xi32>
      %broadcast_in_dim3A_1172 = arith.constant 0.000000e+00 : f32
      %broadcast_in_dim3A_1173 = vector.broadcast %broadcast_in_dim3A_1172 : f32 to vector<16xf32>
      %gather3A_1174 = tpu.vector_load_idx %arg14[%add3A_1171, %broadcast_in_dim3A_354] : memref<2560x16xf32, #tpu.memory_space<vmem>>[vector<16xi32>, vector<16xi32>], vector<16xf32>,
      %mul3A_1175 = arith.mulf %gather3A_1174, %gather3A : vector<16xf32>
      %add3A_1176 = arith.addf %broadcast_in_dim3A_1173, %mul3A_1175 : vector<16xf32>
      %gather3A_1177 = tpu.vector_load_idx %arg14[%add3A_1171, %broadcast_in_dim3A_356] : memref<2560x16xf32, #tpu.memory_space<vmem>>[vector<16xi32>, vector<16xi32>], vector<16xf32>,
      %mul3A_1178 = arith.mulf %gather3A_1177, %gather3A_396 : vector<16xf32>
      %add3A_1179 = arith.addf %add3A_1176, %mul3A_1178 : vector<16xf32>
      %gather3A_1180 = tpu.vector_load_idx %arg14[%add3A_1171, %broadcast_in_dim3A_358] : memref<2560x16xf32, #tpu.memory_space<vmem>>[vector<16xi32>, vector<16xi32>], vector<16xf32>,
      %mul3A_1181 = arith.mulf %gather3A_1180, %gather3A_397 : vector<16xf32>
      %add3A_1182 = arith.addf %add3A_1179, %mul3A_1181 : vector<16xf32>
      %gather3A_1183 = tpu.vector_load_idx %arg14[%add3A_1171, %broadcast_in_dim3A_360] : memref<2560x16xf32, #tpu.memory_space<vmem>>[vector<16xi32>, vector<16xi32>], vector<16xf32>,
      %mul3A_1184 = arith.mulf %gather3A_1183, %gather3A_398 : vector<16xf32>
      %add3A_1185 = arith.addf %add3A_1182, %mul3A_1184 : vector<16xf32>
      %gather3A_1186 = tpu.vector_load_idx %arg14[%add3A_1171, %broadcast_in_dim3A_362] : memref<2560x16xf32, #tpu.memory_space<vmem>>[vector<16xi32>, vector<16xi32>], vector<16xf32>,
      %mul3A_1187 = arith.mulf %gather3A_1186, %gather3A_399 : vector<16xf32>
      %add3A_1188 = arith.addf %add3A_1185, %mul3A_1187 : vector<16xf32>
      %gather3A_1189 = tpu.vector_load_idx %arg14[%add3A_1171, %broadcast_in_dim3A_364] : memref<2560x16xf32, #tpu.memory_space<vmem>>[vector<16xi32>, vector<16xi32>], vector<16xf32>,
      %mul3A_1190 = arith.mulf %gather3A_1189, %gather3A_400 : vector<16xf32>
      %add3A_1191 = arith.addf %add3A_1188, %mul3A_1190 : vector<16xf32>
      %gather3A_1192 = tpu.vector_load_idx %arg14[%add3A_1171, %broadcast_in_dim3A_366] : memref<2560x16xf32, #tpu.memory_space<vmem>>[vector<16xi32>, vector<16xi32>], vector<16xf32>,
      %mul3A_1193 = arith.mulf %gather3A_1192, %gather3A_401 : vector<16xf32>
      %add3A_1194 = arith.addf %add3A_1191, %mul3A_1193 : vector<16xf32>
      %gather3A_1195 = tpu.vector_load_idx %arg14[%add3A_1171, %broadcast_in_dim3A_368] : memref<2560x16xf32, #tpu.memory_space<vmem>>[vector<16xi32>, vector<16xi32>], vector<16xf32>,
      %mul3A_1196 = arith.mulf %gather3A_1195, %gather3A_402 : vector<16xf32>
      %add3A_1197 = arith.addf %add3A_1194, %mul3A_1196 : vector<16xf32>
      %gather3A_1198 = tpu.vector_load_idx %arg14[%add3A_1171, %broadcast_in_dim3A_370] : memref<2560x16xf32, #tpu.memory_space<vmem>>[vector<16xi32>, vector<16xi32>], vector<16xf32>,
      %mul3A_1199 = arith.mulf %gather3A_1198, %gather3A_403 : vector<16xf32>
      %add3A_1200 = arith.addf %add3A_1197, %mul3A_1199 : vector<16xf32>
      %gather3A_1201 = tpu.vector_load_idx %arg14[%add3A_1171, %broadcast_in_dim3A_372] : memref<2560x16xf32, #tpu.memory_space<vmem>>[vector<16xi32>, vector<16xi32>], vector<16xf32>,
      %mul3A_1202 = arith.mulf %gather3A_1201, %gather3A_404 : vector<16xf32>
      %add3A_1203 = arith.addf %add3A_1200, %mul3A_1202 : vector<16xf32>
      %gather3A_1204 = tpu.vector_load_idx %arg14[%add3A_1171, %broadcast_in_dim3A_374] : memref<2560x16xf32, #tpu.memory_space<vmem>>[vector<16xi32>, vector<16xi32>], vector<16xf32>,
      %mul3A_1205 = arith.mulf %gather3A_1204, %gather3A_405 : vector<16xf32>
      %add3A_1206 = arith.addf %add3A_1203, %mul3A_1205 : vector<16xf32>
      %gather3A_1207 = tpu.vector_load_idx %arg14[%add3A_1171, %broadcast_in_dim3A_376] : memref<2560x16xf32, #tpu.memory_space<vmem>>[vector<16xi32>, vector<16xi32>], vector<16xf32>,
      %mul3A_1208 = arith.mulf %gather3A_1207, %gather3A_406 : vector<16xf32>
      %add3A_1209 = arith.addf %add3A_1206, %mul3A_1208 : vector<16xf32>
      %gather3A_1210 = tpu.vector_load_idx %arg14[%add3A_1171, %broadcast_in_dim3A_378] : memref<2560x16xf32, #tpu.memory_space<vmem>>[vector<16xi32>, vector<16xi32>], vector<16xf32>,
      %mul3A_1211 = arith.mulf %gather3A_1210, %gather3A_407 : vector<16xf32>
      %add3A_1212 = arith.addf %add3A_1209, %mul3A_1211 : vector<16xf32>
      %gather3A_1213 = tpu.vector_load_idx %arg14[%add3A_1171, %broadcast_in_dim3A_380] : memref<2560x16xf32, #tpu.memory_space<vmem>>[vector<16xi32>, vector<16xi32>], vector<16xf32>,
      %mul3A_1214 = arith.mulf %gather3A_1213, %gather3A_408 : vector<16xf32>
      %add3A_1215 = arith.addf %add3A_1212, %mul3A_1214 : vector<16xf32>
      %gather3A_1216 = tpu.vector_load_idx %arg14[%add3A_1171, %broadcast_in_dim3A_382] : memref<2560x16xf32, #tpu.memory_space<vmem>>[vector<16xi32>, vector<16xi32>], vector<16xf32>,
      %mul3A_1217 = arith.mulf %gather3A_1216, %gather3A_409 : vector<16xf32>
      %add3A_1218 = arith.addf %add3A_1215, %mul3A_1217 : vector<16xf32>
      %gather3A_1219 = tpu.vector_load_idx %arg14[%add3A_1171, %broadcast_in_dim3A_384] : memref<2560x16xf32, #tpu.memory_space<vmem>>[vector<16xi32>, vector<16xi32>], vector<16xf32>,
      %mul3A_1220 = arith.mulf %gather3A_1219, %gather3A_410 : vector<16xf32>
      %add3A_1221 = arith.addf %add3A_1218, %mul3A_1220 : vector<16xf32>
      %exp3A_1222 = math.exp %add3A_1221 : vector<16xf32>
      %add3A_1223 = arith.addf %add3A_1165, %exp3A_1222 : vector<16xf32>
      %mul3A_1224 = arith.constant 20 : i32
      %mul3A_1225 = vector.broadcast %mul3A_1224 : i32 to vector<16xi32>
      %mul3A_1226 = arith.muli %add3A_395, %mul3A_1225 : vector<16xi32>
      %add3A_1227 = arith.constant 14 : i32
      %add3A_1228 = vector.broadcast %add3A_1227 : i32 to vector<16xi32>
      %add3A_1229 = arith.addi %mul3A_1226, %add3A_1228 : vector<16xi32>
      %broadcast_in_dim3A_1230 = arith.constant 0.000000e+00 : f32
      %broadcast_in_dim3A_1231 = vector.broadcast %broadcast_in_dim3A_1230 : f32 to vector<16xf32>
      %gather3A_1232 = tpu.vector_load_idx %arg14[%add3A_1229, %broadcast_in_dim3A_354] : memref<2560x16xf32, #tpu.memory_space<vmem>>[vector<16xi32>, vector<16xi32>], vector<16xf32>,
      %mul3A_1233 = arith.mulf %gather3A_1232, %gather3A : vector<16xf32>
      %add3A_1234 = arith.addf %broadcast_in_dim3A_1231, %mul3A_1233 : vector<16xf32>
      %gather3A_1235 = tpu.vector_load_idx %arg14[%add3A_1229, %broadcast_in_dim3A_356] : memref<2560x16xf32, #tpu.memory_space<vmem>>[vector<16xi32>, vector<16xi32>], vector<16xf32>,
      %mul3A_1236 = arith.mulf %gather3A_1235, %gather3A_396 : vector<16xf32>
      %add3A_1237 = arith.addf %add3A_1234, %mul3A_1236 : vector<16xf32>
      %gather3A_1238 = tpu.vector_load_idx %arg14[%add3A_1229, %broadcast_in_dim3A_358] : memref<2560x16xf32, #tpu.memory_space<vmem>>[vector<16xi32>, vector<16xi32>], vector<16xf32>,
      %mul3A_1239 = arith.mulf %gather3A_1238, %gather3A_397 : vector<16xf32>
      %add3A_1240 = arith.addf %add3A_1237, %mul3A_1239 : vector<16xf32>
      %gather3A_1241 = tpu.vector_load_idx %arg14[%add3A_1229, %broadcast_in_dim3A_360] : memref<2560x16xf32, #tpu.memory_space<vmem>>[vector<16xi32>, vector<16xi32>], vector<16xf32>,
      %mul3A_1242 = arith.mulf %gather3A_1241, %gather3A_398 : vector<16xf32>
      %add3A_1243 = arith.addf %add3A_1240, %mul3A_1242 : vector<16xf32>
      %gather3A_1244 = tpu.vector_load_idx %arg14[%add3A_1229, %broadcast_in_dim3A_362] : memref<2560x16xf32, #tpu.memory_space<vmem>>[vector<16xi32>, vector<16xi32>], vector<16xf32>,
      %mul3A_1245 = arith.mulf %gather3A_1244, %gather3A_399 : vector<16xf32>
      %add3A_1246 = arith.addf %add3A_1243, %mul3A_1245 : vector<16xf32>
      %gather3A_1247 = tpu.vector_load_idx %arg14[%add3A_1229, %broadcast_in_dim3A_364] : memref<2560x16xf32, #tpu.memory_space<vmem>>[vector<16xi32>, vector<16xi32>], vector<16xf32>,
      %mul3A_1248 = arith.mulf %gather3A_1247, %gather3A_400 : vector<16xf32>
      %add3A_1249 = arith.addf %add3A_1246, %mul3A_1248 : vector<16xf32>
      %gather3A_1250 = tpu.vector_load_idx %arg14[%add3A_1229, %broadcast_in_dim3A_366] : memref<2560x16xf32, #tpu.memory_space<vmem>>[vector<16xi32>, vector<16xi32>], vector<16xf32>,
      %mul3A_1251 = arith.mulf %gather3A_1250, %gather3A_401 : vector<16xf32>
      %add3A_1252 = arith.addf %add3A_1249, %mul3A_1251 : vector<16xf32>
      %gather3A_1253 = tpu.vector_load_idx %arg14[%add3A_1229, %broadcast_in_dim3A_368] : memref<2560x16xf32, #tpu.memory_space<vmem>>[vector<16xi32>, vector<16xi32>], vector<16xf32>,
      %mul3A_1254 = arith.mulf %gather3A_1253, %gather3A_402 : vector<16xf32>
      %add3A_1255 = arith.addf %add3A_1252, %mul3A_1254 : vector<16xf32>
      %gather3A_1256 = tpu.vector_load_idx %arg14[%add3A_1229, %broadcast_in_dim3A_370] : memref<2560x16xf32, #tpu.memory_space<vmem>>[vector<16xi32>, vector<16xi32>], vector<16xf32>,
      %mul3A_1257 = arith.mulf %gather3A_1256, %gather3A_403 : vector<16xf32>
      %add3A_1258 = arith.addf %add3A_1255, %mul3A_1257 : vector<16xf32>
      %gather3A_1259 = tpu.vector_load_idx %arg14[%add3A_1229, %broadcast_in_dim3A_372] : memref<2560x16xf32, #tpu.memory_space<vmem>>[vector<16xi32>, vector<16xi32>], vector<16xf32>,
      %mul3A_1260 = arith.mulf %gather3A_1259, %gather3A_404 : vector<16xf32>
      %add3A_1261 = arith.addf %add3A_1258, %mul3A_1260 : vector<16xf32>
      %gather3A_1262 = tpu.vector_load_idx %arg14[%add3A_1229, %broadcast_in_dim3A_374] : memref<2560x16xf32, #tpu.memory_space<vmem>>[vector<16xi32>, vector<16xi32>], vector<16xf32>,
      %mul3A_1263 = arith.mulf %gather3A_1262, %gather3A_405 : vector<16xf32>
      %add3A_1264 = arith.addf %add3A_1261, %mul3A_1263 : vector<16xf32>
      %gather3A_1265 = tpu.vector_load_idx %arg14[%add3A_1229, %broadcast_in_dim3A_376] : memref<2560x16xf32, #tpu.memory_space<vmem>>[vector<16xi32>, vector<16xi32>], vector<16xf32>,
      %mul3A_1266 = arith.mulf %gather3A_1265, %gather3A_406 : vector<16xf32>
      %add3A_1267 = arith.addf %add3A_1264, %mul3A_1266 : vector<16xf32>
      %gather3A_1268 = tpu.vector_load_idx %arg14[%add3A_1229, %broadcast_in_dim3A_378] : memref<2560x16xf32, #tpu.memory_space<vmem>>[vector<16xi32>, vector<16xi32>], vector<16xf32>,
      %mul3A_1269 = arith.mulf %gather3A_1268, %gather3A_407 : vector<16xf32>
      %add3A_1270 = arith.addf %add3A_1267, %mul3A_1269 : vector<16xf32>
      %gather3A_1271 = tpu.vector_load_idx %arg14[%add3A_1229, %broadcast_in_dim3A_380] : memref<2560x16xf32, #tpu.memory_space<vmem>>[vector<16xi32>, vector<16xi32>], vector<16xf32>,
      %mul3A_1272 = arith.mulf %gather3A_1271, %gather3A_408 : vector<16xf32>
      %add3A_1273 = arith.addf %add3A_1270, %mul3A_1272 : vector<16xf32>
      %gather3A_1274 = tpu.vector_load_idx %arg14[%add3A_1229, %broadcast_in_dim3A_382] : memref<2560x16xf32, #tpu.memory_space<vmem>>[vector<16xi32>, vector<16xi32>], vector<16xf32>,
      %mul3A_1275 = arith.mulf %gather3A_1274, %gather3A_409 : vector<16xf32>
      %add3A_1276 = arith.addf %add3A_1273, %mul3A_1275 : vector<16xf32>
      %gather3A_1277 = tpu.vector_load_idx %arg14[%add3A_1229, %broadcast_in_dim3A_384] : memref<2560x16xf32, #tpu.memory_space<vmem>>[vector<16xi32>, vector<16xi32>], vector<16xf32>,
      %mul3A_1278 = arith.mulf %gather3A_1277, %gather3A_410 : vector<16xf32>
      %add3A_1279 = arith.addf %add3A_1276, %mul3A_1278 : vector<16xf32>
      %exp3A_1280 = math.exp %add3A_1279 : vector<16xf32>
      %add3A_1281 = arith.addf %add3A_1223, %exp3A_1280 : vector<16xf32>
      %mul3A_1282 = arith.constant 20 : i32
      %mul3A_1283 = vector.broadcast %mul3A_1282 : i32 to vector<16xi32>
      %mul3A_1284 = arith.muli %add3A_395, %mul3A_1283 : vector<16xi32>
      %add3A_1285 = arith.constant 15 : i32
      %add3A_1286 = vector.broadcast %add3A_1285 : i32 to vector<16xi32>
      %add3A_1287 = arith.addi %mul3A_1284, %add3A_1286 : vector<16xi32>
      %broadcast_in_dim3A_1288 = arith.constant 0.000000e+00 : f32
      %broadcast_in_dim3A_1289 = vector.broadcast %broadcast_in_dim3A_1288 : f32 to vector<16xf32>
      %gather3A_1290 = tpu.vector_load_idx %arg14[%add3A_1287, %broadcast_in_dim3A_354] : memref<2560x16xf32, #tpu.memory_space<vmem>>[vector<16xi32>, vector<16xi32>], vector<16xf32>,
      %mul3A_1291 = arith.mulf %gather3A_1290, %gather3A : vector<16xf32>
      %add3A_1292 = arith.addf %broadcast_in_dim3A_1289, %mul3A_1291 : vector<16xf32>
      %gather3A_1293 = tpu.vector_load_idx %arg14[%add3A_1287, %broadcast_in_dim3A_356] : memref<2560x16xf32, #tpu.memory_space<vmem>>[vector<16xi32>, vector<16xi32>], vector<16xf32>,
      %mul3A_1294 = arith.mulf %gather3A_1293, %gather3A_396 : vector<16xf32>
      %add3A_1295 = arith.addf %add3A_1292, %mul3A_1294 : vector<16xf32>
      %gather3A_1296 = tpu.vector_load_idx %arg14[%add3A_1287, %broadcast_in_dim3A_358] : memref<2560x16xf32, #tpu.memory_space<vmem>>[vector<16xi32>, vector<16xi32>], vector<16xf32>,
      %mul3A_1297 = arith.mulf %gather3A_1296, %gather3A_397 : vector<16xf32>
      %add3A_1298 = arith.addf %add3A_1295, %mul3A_1297 : vector<16xf32>
      %gather3A_1299 = tpu.vector_load_idx %arg14[%add3A_1287, %broadcast_in_dim3A_360] : memref<2560x16xf32, #tpu.memory_space<vmem>>[vector<16xi32>, vector<16xi32>], vector<16xf32>,
      %mul3A_1300 = arith.mulf %gather3A_1299, %gather3A_398 : vector<16xf32>
      %add3A_1301 = arith.addf %add3A_1298, %mul3A_1300 : vector<16xf32>
      %gather3A_1302 = tpu.vector_load_idx %arg14[%add3A_1287, %broadcast_in_dim3A_362] : memref<2560x16xf32, #tpu.memory_space<vmem>>[vector<16xi32>, vector<16xi32>], vector<16xf32>,
      %mul3A_1303 = arith.mulf %gather3A_1302, %gather3A_399 : vector<16xf32>
      %add3A_1304 = arith.addf %add3A_1301, %mul3A_1303 : vector<16xf32>
      %gather3A_1305 = tpu.vector_load_idx %arg14[%add3A_1287, %broadcast_in_dim3A_364] : memref<2560x16xf32, #tpu.memory_space<vmem>>[vector<16xi32>, vector<16xi32>], vector<16xf32>,
      %mul3A_1306 = arith.mulf %gather3A_1305, %gather3A_400 : vector<16xf32>
      %add3A_1307 = arith.addf %add3A_1304, %mul3A_1306 : vector<16xf32>
      %gather3A_1308 = tpu.vector_load_idx %arg14[%add3A_1287, %broadcast_in_dim3A_366] : memref<2560x16xf32, #tpu.memory_space<vmem>>[vector<16xi32>, vector<16xi32>], vector<16xf32>,
      %mul3A_1309 = arith.mulf %gather3A_1308, %gather3A_401 : vector<16xf32>
      %add3A_1310 = arith.addf %add3A_1307, %mul3A_1309 : vector<16xf32>
      %gather3A_1311 = tpu.vector_load_idx %arg14[%add3A_1287, %broadcast_in_dim3A_368] : memref<2560x16xf32, #tpu.memory_space<vmem>>[vector<16xi32>, vector<16xi32>], vector<16xf32>,
      %mul3A_1312 = arith.mulf %gather3A_1311, %gather3A_402 : vector<16xf32>
      %add3A_1313 = arith.addf %add3A_1310, %mul3A_1312 : vector<16xf32>
      %gather3A_1314 = tpu.vector_load_idx %arg14[%add3A_1287, %broadcast_in_dim3A_370] : memref<2560x16xf32, #tpu.memory_space<vmem>>[vector<16xi32>, vector<16xi32>], vector<16xf32>,
      %mul3A_1315 = arith.mulf %gather3A_1314, %gather3A_403 : vector<16xf32>
      %add3A_1316 = arith.addf %add3A_1313, %mul3A_1315 : vector<16xf32>
      %gather3A_1317 = tpu.vector_load_idx %arg14[%add3A_1287, %broadcast_in_dim3A_372] : memref<2560x16xf32, #tpu.memory_space<vmem>>[vector<16xi32>, vector<16xi32>], vector<16xf32>,
      %mul3A_1318 = arith.mulf %gather3A_1317, %gather3A_404 : vector<16xf32>
      %add3A_1319 = arith.addf %add3A_1316, %mul3A_1318 : vector<16xf32>
      %gather3A_1320 = tpu.vector_load_idx %arg14[%add3A_1287, %broadcast_in_dim3A_374] : memref<2560x16xf32, #tpu.memory_space<vmem>>[vector<16xi32>, vector<16xi32>], vector<16xf32>,
      %mul3A_1321 = arith.mulf %gather3A_1320, %gather3A_405 : vector<16xf32>
      %add3A_1322 = arith.addf %add3A_1319, %mul3A_1321 : vector<16xf32>
      %gather3A_1323 = tpu.vector_load_idx %arg14[%add3A_1287, %broadcast_in_dim3A_376] : memref<2560x16xf32, #tpu.memory_space<vmem>>[vector<16xi32>, vector<16xi32>], vector<16xf32>,
      %mul3A_1324 = arith.mulf %gather3A_1323, %gather3A_406 : vector<16xf32>
      %add3A_1325 = arith.addf %add3A_1322, %mul3A_1324 : vector<16xf32>
      %gather3A_1326 = tpu.vector_load_idx %arg14[%add3A_1287, %broadcast_in_dim3A_378] : memref<2560x16xf32, #tpu.memory_space<vmem>>[vector<16xi32>, vector<16xi32>], vector<16xf32>,
      %mul3A_1327 = arith.mulf %gather3A_1326, %gather3A_407 : vector<16xf32>
      %add3A_1328 = arith.addf %add3A_1325, %mul3A_1327 : vector<16xf32>
      %gather3A_1329 = tpu.vector_load_idx %arg14[%add3A_1287, %broadcast_in_dim3A_380] : memref<2560x16xf32, #tpu.memory_space<vmem>>[vector<16xi32>, vector<16xi32>], vector<16xf32>,
      %mul3A_1330 = arith.mulf %gather3A_1329, %gather3A_408 : vector<16xf32>
      %add3A_1331 = arith.addf %add3A_1328, %mul3A_1330 : vector<16xf32>
      %gather3A_1332 = tpu.vector_load_idx %arg14[%add3A_1287, %broadcast_in_dim3A_382] : memref<2560x16xf32, #tpu.memory_space<vmem>>[vector<16xi32>, vector<16xi32>], vector<16xf32>,
      %mul3A_1333 = arith.mulf %gather3A_1332, %gather3A_409 : vector<16xf32>
      %add3A_1334 = arith.addf %add3A_1331, %mul3A_1333 : vector<16xf32>
      %gather3A_1335 = tpu.vector_load_idx %arg14[%add3A_1287, %broadcast_in_dim3A_384] : memref<2560x16xf32, #tpu.memory_space<vmem>>[vector<16xi32>, vector<16xi32>], vector<16xf32>,
      %mul3A_1336 = arith.mulf %gather3A_1335, %gather3A_410 : vector<16xf32>
      %add3A_1337 = arith.addf %add3A_1334, %mul3A_1336 : vector<16xf32>
      %exp3A_1338 = math.exp %add3A_1337 : vector<16xf32>
      %add3A_1339 = arith.addf %add3A_1281, %exp3A_1338 : vector<16xf32>
      %mul3A_1340 = arith.constant 20 : i32
      %mul3A_1341 = vector.broadcast %mul3A_1340 : i32 to vector<16xi32>
      %mul3A_1342 = arith.muli %add3A_395, %mul3A_1341 : vector<16xi32>
      %add3A_1343 = arith.constant 16 : i32
      %add3A_1344 = vector.broadcast %add3A_1343 : i32 to vector<16xi32>
      %add3A_1345 = arith.addi %mul3A_1342, %add3A_1344 : vector<16xi32>
      %broadcast_in_dim3A_1346 = arith.constant 0.000000e+00 : f32
      %broadcast_in_dim3A_1347 = vector.broadcast %broadcast_in_dim3A_1346 : f32 to vector<16xf32>
      %gather3A_1348 = tpu.vector_load_idx %arg14[%add3A_1345, %broadcast_in_dim3A_354] : memref<2560x16xf32, #tpu.memory_space<vmem>>[vector<16xi32>, vector<16xi32>], vector<16xf32>,
      %mul3A_1349 = arith.mulf %gather3A_1348, %gather3A : vector<16xf32>
      %add3A_1350 = arith.addf %broadcast_in_dim3A_1347, %mul3A_1349 : vector<16xf32>
      %gather3A_1351 = tpu.vector_load_idx %arg14[%add3A_1345, %broadcast_in_dim3A_356] : memref<2560x16xf32, #tpu.memory_space<vmem>>[vector<16xi32>, vector<16xi32>], vector<16xf32>,
      %mul3A_1352 = arith.mulf %gather3A_1351, %gather3A_396 : vector<16xf32>
      %add3A_1353 = arith.addf %add3A_1350, %mul3A_1352 : vector<16xf32>
      %gather3A_1354 = tpu.vector_load_idx %arg14[%add3A_1345, %broadcast_in_dim3A_358] : memref<2560x16xf32, #tpu.memory_space<vmem>>[vector<16xi32>, vector<16xi32>], vector<16xf32>,
      %mul3A_1355 = arith.mulf %gather3A_1354, %gather3A_397 : vector<16xf32>
      %add3A_1356 = arith.addf %add3A_1353, %mul3A_1355 : vector<16xf32>
      %gather3A_1357 = tpu.vector_load_idx %arg14[%add3A_1345, %broadcast_in_dim3A_360] : memref<2560x16xf32, #tpu.memory_space<vmem>>[vector<16xi32>, vector<16xi32>], vector<16xf32>,
      %mul3A_1358 = arith.mulf %gather3A_1357, %gather3A_398 : vector<16xf32>
      %add3A_1359 = arith.addf %add3A_1356, %mul3A_1358 : vector<16xf32>
      %gather3A_1360 = tpu.vector_load_idx %arg14[%add3A_1345, %broadcast_in_dim3A_362] : memref<2560x16xf32, #tpu.memory_space<vmem>>[vector<16xi32>, vector<16xi32>], vector<16xf32>,
      %mul3A_1361 = arith.mulf %gather3A_1360, %gather3A_399 : vector<16xf32>
      %add3A_1362 = arith.addf %add3A_1359, %mul3A_1361 : vector<16xf32>
      %gather3A_1363 = tpu.vector_load_idx %arg14[%add3A_1345, %broadcast_in_dim3A_364] : memref<2560x16xf32, #tpu.memory_space<vmem>>[vector<16xi32>, vector<16xi32>], vector<16xf32>,
      %mul3A_1364 = arith.mulf %gather3A_1363, %gather3A_400 : vector<16xf32>
      %add3A_1365 = arith.addf %add3A_1362, %mul3A_1364 : vector<16xf32>
      %gather3A_1366 = tpu.vector_load_idx %arg14[%add3A_1345, %broadcast_in_dim3A_366] : memref<2560x16xf32, #tpu.memory_space<vmem>>[vector<16xi32>, vector<16xi32>], vector<16xf32>,
      %mul3A_1367 = arith.mulf %gather3A_1366, %gather3A_401 : vector<16xf32>
      %add3A_1368 = arith.addf %add3A_1365, %mul3A_1367 : vector<16xf32>
      %gather3A_1369 = tpu.vector_load_idx %arg14[%add3A_1345, %broadcast_in_dim3A_368] : memref<2560x16xf32, #tpu.memory_space<vmem>>[vector<16xi32>, vector<16xi32>], vector<16xf32>,
      %mul3A_1370 = arith.mulf %gather3A_1369, %gather3A_402 : vector<16xf32>
      %add3A_1371 = arith.addf %add3A_1368, %mul3A_1370 : vector<16xf32>
      %gather3A_1372 = tpu.vector_load_idx %arg14[%add3A_1345, %broadcast_in_dim3A_370] : memref<2560x16xf32, #tpu.memory_space<vmem>>[vector<16xi32>, vector<16xi32>], vector<16xf32>,
      %mul3A_1373 = arith.mulf %gather3A_1372, %gather3A_403 : vector<16xf32>
      %add3A_1374 = arith.addf %add3A_1371, %mul3A_1373 : vector<16xf32>
      %gather3A_1375 = tpu.vector_load_idx %arg14[%add3A_1345, %broadcast_in_dim3A_372] : memref<2560x16xf32, #tpu.memory_space<vmem>>[vector<16xi32>, vector<16xi32>], vector<16xf32>,
      %mul3A_1376 = arith.mulf %gather3A_1375, %gather3A_404 : vector<16xf32>
      %add3A_1377 = arith.addf %add3A_1374, %mul3A_1376 : vector<16xf32>
      %gather3A_1378 = tpu.vector_load_idx %arg14[%add3A_1345, %broadcast_in_dim3A_374] : memref<2560x16xf32, #tpu.memory_space<vmem>>[vector<16xi32>, vector<16xi32>], vector<16xf32>,
      %mul3A_1379 = arith.mulf %gather3A_1378, %gather3A_405 : vector<16xf32>
      %add3A_1380 = arith.addf %add3A_1377, %mul3A_1379 : vector<16xf32>
      %gather3A_1381 = tpu.vector_load_idx %arg14[%add3A_1345, %broadcast_in_dim3A_376] : memref<2560x16xf32, #tpu.memory_space<vmem>>[vector<16xi32>, vector<16xi32>], vector<16xf32>,
      %mul3A_1382 = arith.mulf %gather3A_1381, %gather3A_406 : vector<16xf32>
      %add3A_1383 = arith.addf %add3A_1380, %mul3A_1382 : vector<16xf32>
      %gather3A_1384 = tpu.vector_load_idx %arg14[%add3A_1345, %broadcast_in_dim3A_378] : memref<2560x16xf32, #tpu.memory_space<vmem>>[vector<16xi32>, vector<16xi32>], vector<16xf32>,
      %mul3A_1385 = arith.mulf %gather3A_1384, %gather3A_407 : vector<16xf32>
      %add3A_1386 = arith.addf %add3A_1383, %mul3A_1385 : vector<16xf32>
      %gather3A_1387 = tpu.vector_load_idx %arg14[%add3A_1345, %broadcast_in_dim3A_380] : memref<2560x16xf32, #tpu.memory_space<vmem>>[vector<16xi32>, vector<16xi32>], vector<16xf32>,
      %mul3A_1388 = arith.mulf %gather3A_1387, %gather3A_408 : vector<16xf32>
      %add3A_1389 = arith.addf %add3A_1386, %mul3A_1388 : vector<16xf32>
      %gather3A_1390 = tpu.vector_load_idx %arg14[%add3A_1345, %broadcast_in_dim3A_382] : memref<2560x16xf32, #tpu.memory_space<vmem>>[vector<16xi32>, vector<16xi32>], vector<16xf32>,
      %mul3A_1391 = arith.mulf %gather3A_1390, %gather3A_409 : vector<16xf32>
      %add3A_1392 = arith.addf %add3A_1389, %mul3A_1391 : vector<16xf32>
      %gather3A_1393 = tpu.vector_load_idx %arg14[%add3A_1345, %broadcast_in_dim3A_384] : memref<2560x16xf32, #tpu.memory_space<vmem>>[vector<16xi32>, vector<16xi32>], vector<16xf32>,
      %mul3A_1394 = arith.mulf %gather3A_1393, %gather3A_410 : vector<16xf32>
      %add3A_1395 = arith.addf %add3A_1392, %mul3A_1394 : vector<16xf32>
      %exp3A_1396 = math.exp %add3A_1395 : vector<16xf32>
      %add3A_1397 = arith.addf %add3A_1339, %exp3A_1396 : vector<16xf32>
      %mul3A_1398 = arith.constant 20 : i32
      %mul3A_1399 = vector.broadcast %mul3A_1398 : i32 to vector<16xi32>
      %mul3A_1400 = arith.muli %add3A_395, %mul3A_1399 : vector<16xi32>
      %add3A_1401 = arith.constant 17 : i32
      %add3A_1402 = vector.broadcast %add3A_1401 : i32 to vector<16xi32>
      %add3A_1403 = arith.addi %mul3A_1400, %add3A_1402 : vector<16xi32>
      %broadcast_in_dim3A_1404 = arith.constant 0.000000e+00 : f32
      %broadcast_in_dim3A_1405 = vector.broadcast %broadcast_in_dim3A_1404 : f32 to vector<16xf32>
      %gather3A_1406 = tpu.vector_load_idx %arg14[%add3A_1403, %broadcast_in_dim3A_354] : memref<2560x16xf32, #tpu.memory_space<vmem>>[vector<16xi32>, vector<16xi32>], vector<16xf32>,
      %mul3A_1407 = arith.mulf %gather3A_1406, %gather3A : vector<16xf32>
      %add3A_1408 = arith.addf %broadcast_in_dim3A_1405, %mul3A_1407 : vector<16xf32>
      %gather3A_1409 = tpu.vector_load_idx %arg14[%add3A_1403, %broadcast_in_dim3A_356] : memref<2560x16xf32, #tpu.memory_space<vmem>>[vector<16xi32>, vector<16xi32>], vector<16xf32>,
      %mul3A_1410 = arith.mulf %gather3A_1409, %gather3A_396 : vector<16xf32>
      %add3A_1411 = arith.addf %add3A_1408, %mul3A_1410 : vector<16xf32>
      %gather3A_1412 = tpu.vector_load_idx %arg14[%add3A_1403, %broadcast_in_dim3A_358] : memref<2560x16xf32, #tpu.memory_space<vmem>>[vector<16xi32>, vector<16xi32>], vector<16xf32>,
      %mul3A_1413 = arith.mulf %gather3A_1412, %gather3A_397 : vector<16xf32>
      %add3A_1414 = arith.addf %add3A_1411, %mul3A_1413 : vector<16xf32>
      %gather3A_1415 = tpu.vector_load_idx %arg14[%add3A_1403, %broadcast_in_dim3A_360] : memref<2560x16xf32, #tpu.memory_space<vmem>>[vector<16xi32>, vector<16xi32>], vector<16xf32>,
      %mul3A_1416 = arith.mulf %gather3A_1415, %gather3A_398 : vector<16xf32>
      %add3A_1417 = arith.addf %add3A_1414, %mul3A_1416 : vector<16xf32>
      %gather3A_1418 = tpu.vector_load_idx %arg14[%add3A_1403, %broadcast_in_dim3A_362] : memref<2560x16xf32, #tpu.memory_space<vmem>>[vector<16xi32>, vector<16xi32>], vector<16xf32>,
      %mul3A_1419 = arith.mulf %gather3A_1418, %gather3A_399 : vector<16xf32>
      %add3A_1420 = arith.addf %add3A_1417, %mul3A_1419 : vector<16xf32>
      %gather3A_1421 = tpu.vector_load_idx %arg14[%add3A_1403, %broadcast_in_dim3A_364] : memref<2560x16xf32, #tpu.memory_space<vmem>>[vector<16xi32>, vector<16xi32>], vector<16xf32>,
      %mul3A_1422 = arith.mulf %gather3A_1421, %gather3A_400 : vector<16xf32>
      %add3A_1423 = arith.addf %add3A_1420, %mul3A_1422 : vector<16xf32>
      %gather3A_1424 = tpu.vector_load_idx %arg14[%add3A_1403, %broadcast_in_dim3A_366] : memref<2560x16xf32, #tpu.memory_space<vmem>>[vector<16xi32>, vector<16xi32>], vector<16xf32>,
      %mul3A_1425 = arith.mulf %gather3A_1424, %gather3A_401 : vector<16xf32>
      %add3A_1426 = arith.addf %add3A_1423, %mul3A_1425 : vector<16xf32>
      %gather3A_1427 = tpu.vector_load_idx %arg14[%add3A_1403, %broadcast_in_dim3A_368] : memref<2560x16xf32, #tpu.memory_space<vmem>>[vector<16xi32>, vector<16xi32>], vector<16xf32>,
      %mul3A_1428 = arith.mulf %gather3A_1427, %gather3A_402 : vector<16xf32>
      %add3A_1429 = arith.addf %add3A_1426, %mul3A_1428 : vector<16xf32>
      %gather3A_1430 = tpu.vector_load_idx %arg14[%add3A_1403, %broadcast_in_dim3A_370] : memref<2560x16xf32, #tpu.memory_space<vmem>>[vector<16xi32>, vector<16xi32>], vector<16xf32>,
      %mul3A_1431 = arith.mulf %gather3A_1430, %gather3A_403 : vector<16xf32>
      %add3A_1432 = arith.addf %add3A_1429, %mul3A_1431 : vector<16xf32>
      %gather3A_1433 = tpu.vector_load_idx %arg14[%add3A_1403, %broadcast_in_dim3A_372] : memref<2560x16xf32, #tpu.memory_space<vmem>>[vector<16xi32>, vector<16xi32>], vector<16xf32>,
      %mul3A_1434 = arith.mulf %gather3A_1433, %gather3A_404 : vector<16xf32>
      %add3A_1435 = arith.addf %add3A_1432, %mul3A_1434 : vector<16xf32>
      %gather3A_1436 = tpu.vector_load_idx %arg14[%add3A_1403, %broadcast_in_dim3A_374] : memref<2560x16xf32, #tpu.memory_space<vmem>>[vector<16xi32>, vector<16xi32>], vector<16xf32>,
      %mul3A_1437 = arith.mulf %gather3A_1436, %gather3A_405 : vector<16xf32>
      %add3A_1438 = arith.addf %add3A_1435, %mul3A_1437 : vector<16xf32>
      %gather3A_1439 = tpu.vector_load_idx %arg14[%add3A_1403, %broadcast_in_dim3A_376] : memref<2560x16xf32, #tpu.memory_space<vmem>>[vector<16xi32>, vector<16xi32>], vector<16xf32>,
      %mul3A_1440 = arith.mulf %gather3A_1439, %gather3A_406 : vector<16xf32>
      %add3A_1441 = arith.addf %add3A_1438, %mul3A_1440 : vector<16xf32>
      %gather3A_1442 = tpu.vector_load_idx %arg14[%add3A_1403, %broadcast_in_dim3A_378] : memref<2560x16xf32, #tpu.memory_space<vmem>>[vector<16xi32>, vector<16xi32>], vector<16xf32>,
      %mul3A_1443 = arith.mulf %gather3A_1442, %gather3A_407 : vector<16xf32>
      %add3A_1444 = arith.addf %add3A_1441, %mul3A_1443 : vector<16xf32>
      %gather3A_1445 = tpu.vector_load_idx %arg14[%add3A_1403, %broadcast_in_dim3A_380] : memref<2560x16xf32, #tpu.memory_space<vmem>>[vector<16xi32>, vector<16xi32>], vector<16xf32>,
      %mul3A_1446 = arith.mulf %gather3A_1445, %gather3A_408 : vector<16xf32>
      %add3A_1447 = arith.addf %add3A_1444, %mul3A_1446 : vector<16xf32>
      %gather3A_1448 = tpu.vector_load_idx %arg14[%add3A_1403, %broadcast_in_dim3A_382] : memref<2560x16xf32, #tpu.memory_space<vmem>>[vector<16xi32>, vector<16xi32>], vector<16xf32>,
      %mul3A_1449 = arith.mulf %gather3A_1448, %gather3A_409 : vector<16xf32>
      %add3A_1450 = arith.addf %add3A_1447, %mul3A_1449 : vector<16xf32>
      %gather3A_1451 = tpu.vector_load_idx %arg14[%add3A_1403, %broadcast_in_dim3A_384] : memref<2560x16xf32, #tpu.memory_space<vmem>>[vector<16xi32>, vector<16xi32>], vector<16xf32>,
      %mul3A_1452 = arith.mulf %gather3A_1451, %gather3A_410 : vector<16xf32>
      %add3A_1453 = arith.addf %add3A_1450, %mul3A_1452 : vector<16xf32>
      %exp3A_1454 = math.exp %add3A_1453 : vector<16xf32>
      %add3A_1455 = arith.addf %add3A_1397, %exp3A_1454 : vector<16xf32>
      %mul3A_1456 = arith.constant 20 : i32
      %mul3A_1457 = vector.broadcast %mul3A_1456 : i32 to vector<16xi32>
      %mul3A_1458 = arith.muli %add3A_395, %mul3A_1457 : vector<16xi32>
      %add3A_1459 = arith.constant 18 : i32
      %add3A_1460 = vector.broadcast %add3A_1459 : i32 to vector<16xi32>
      %add3A_1461 = arith.addi %mul3A_1458, %add3A_1460 : vector<16xi32>
      %broadcast_in_dim3A_1462 = arith.constant 0.000000e+00 : f32
      %broadcast_in_dim3A_1463 = vector.broadcast %broadcast_in_dim3A_1462 : f32 to vector<16xf32>
      %gather3A_1464 = tpu.vector_load_idx %arg14[%add3A_1461, %broadcast_in_dim3A_354] : memref<2560x16xf32, #tpu.memory_space<vmem>>[vector<16xi32>, vector<16xi32>], vector<16xf32>,
      %mul3A_1465 = arith.mulf %gather3A_1464, %gather3A : vector<16xf32>
      %add3A_1466 = arith.addf %broadcast_in_dim3A_1463, %mul3A_1465 : vector<16xf32>
      %gather3A_1467 = tpu.vector_load_idx %arg14[%add3A_1461, %broadcast_in_dim3A_356] : memref<2560x16xf32, #tpu.memory_space<vmem>>[vector<16xi32>, vector<16xi32>], vector<16xf32>,
      %mul3A_1468 = arith.mulf %gather3A_1467, %gather3A_396 : vector<16xf32>
      %add3A_1469 = arith.addf %add3A_1466, %mul3A_1468 : vector<16xf32>
      %gather3A_1470 = tpu.vector_load_idx %arg14[%add3A_1461, %broadcast_in_dim3A_358] : memref<2560x16xf32, #tpu.memory_space<vmem>>[vector<16xi32>, vector<16xi32>], vector<16xf32>,
      %mul3A_1471 = arith.mulf %gather3A_1470, %gather3A_397 : vector<16xf32>
      %add3A_1472 = arith.addf %add3A_1469, %mul3A_1471 : vector<16xf32>
      %gather3A_1473 = tpu.vector_load_idx %arg14[%add3A_1461, %broadcast_in_dim3A_360] : memref<2560x16xf32, #tpu.memory_space<vmem>>[vector<16xi32>, vector<16xi32>], vector<16xf32>,
      %mul3A_1474 = arith.mulf %gather3A_1473, %gather3A_398 : vector<16xf32>
      %add3A_1475 = arith.addf %add3A_1472, %mul3A_1474 : vector<16xf32>
      %gather3A_1476 = tpu.vector_load_idx %arg14[%add3A_1461, %broadcast_in_dim3A_362] : memref<2560x16xf32, #tpu.memory_space<vmem>>[vector<16xi32>, vector<16xi32>], vector<16xf32>,
      %mul3A_1477 = arith.mulf %gather3A_1476, %gather3A_399 : vector<16xf32>
      %add3A_1478 = arith.addf %add3A_1475, %mul3A_1477 : vector<16xf32>
      %gather3A_1479 = tpu.vector_load_idx %arg14[%add3A_1461, %broadcast_in_dim3A_364] : memref<2560x16xf32, #tpu.memory_space<vmem>>[vector<16xi32>, vector<16xi32>], vector<16xf32>,
      %mul3A_1480 = arith.mulf %gather3A_1479, %gather3A_400 : vector<16xf32>
      %add3A_1481 = arith.addf %add3A_1478, %mul3A_1480 : vector<16xf32>
      %gather3A_1482 = tpu.vector_load_idx %arg14[%add3A_1461, %broadcast_in_dim3A_366] : memref<2560x16xf32, #tpu.memory_space<vmem>>[vector<16xi32>, vector<16xi32>], vector<16xf32>,
      %mul3A_1483 = arith.mulf %gather3A_1482, %gather3A_401 : vector<16xf32>
      %add3A_1484 = arith.addf %add3A_1481, %mul3A_1483 : vector<16xf32>
      %gather3A_1485 = tpu.vector_load_idx %arg14[%add3A_1461, %broadcast_in_dim3A_368] : memref<2560x16xf32, #tpu.memory_space<vmem>>[vector<16xi32>, vector<16xi32>], vector<16xf32>,
      %mul3A_1486 = arith.mulf %gather3A_1485, %gather3A_402 : vector<16xf32>
      %add3A_1487 = arith.addf %add3A_1484, %mul3A_1486 : vector<16xf32>
      %gather3A_1488 = tpu.vector_load_idx %arg14[%add3A_1461, %broadcast_in_dim3A_370] : memref<2560x16xf32, #tpu.memory_space<vmem>>[vector<16xi32>, vector<16xi32>], vector<16xf32>,
      %mul3A_1489 = arith.mulf %gather3A_1488, %gather3A_403 : vector<16xf32>
      %add3A_1490 = arith.addf %add3A_1487, %mul3A_1489 : vector<16xf32>
      %gather3A_1491 = tpu.vector_load_idx %arg14[%add3A_1461, %broadcast_in_dim3A_372] : memref<2560x16xf32, #tpu.memory_space<vmem>>[vector<16xi32>, vector<16xi32>], vector<16xf32>,
      %mul3A_1492 = arith.mulf %gather3A_1491, %gather3A_404 : vector<16xf32>
      %add3A_1493 = arith.addf %add3A_1490, %mul3A_1492 : vector<16xf32>
      %gather3A_1494 = tpu.vector_load_idx %arg14[%add3A_1461, %broadcast_in_dim3A_374] : memref<2560x16xf32, #tpu.memory_space<vmem>>[vector<16xi32>, vector<16xi32>], vector<16xf32>,
      %mul3A_1495 = arith.mulf %gather3A_1494, %gather3A_405 : vector<16xf32>
      %add3A_1496 = arith.addf %add3A_1493, %mul3A_1495 : vector<16xf32>
      %gather3A_1497 = tpu.vector_load_idx %arg14[%add3A_1461, %broadcast_in_dim3A_376] : memref<2560x16xf32, #tpu.memory_space<vmem>>[vector<16xi32>, vector<16xi32>], vector<16xf32>,
      %mul3A_1498 = arith.mulf %gather3A_1497, %gather3A_406 : vector<16xf32>
      %add3A_1499 = arith.addf %add3A_1496, %mul3A_1498 : vector<16xf32>
      %gather3A_1500 = tpu.vector_load_idx %arg14[%add3A_1461, %broadcast_in_dim3A_378] : memref<2560x16xf32, #tpu.memory_space<vmem>>[vector<16xi32>, vector<16xi32>], vector<16xf32>,
      %mul3A_1501 = arith.mulf %gather3A_1500, %gather3A_407 : vector<16xf32>
      %add3A_1502 = arith.addf %add3A_1499, %mul3A_1501 : vector<16xf32>
      %gather3A_1503 = tpu.vector_load_idx %arg14[%add3A_1461, %broadcast_in_dim3A_380] : memref<2560x16xf32, #tpu.memory_space<vmem>>[vector<16xi32>, vector<16xi32>], vector<16xf32>,
      %mul3A_1504 = arith.mulf %gather3A_1503, %gather3A_408 : vector<16xf32>
      %add3A_1505 = arith.addf %add3A_1502, %mul3A_1504 : vector<16xf32>
      %gather3A_1506 = tpu.vector_load_idx %arg14[%add3A_1461, %broadcast_in_dim3A_382] : memref<2560x16xf32, #tpu.memory_space<vmem>>[vector<16xi32>, vector<16xi32>], vector<16xf32>,
      %mul3A_1507 = arith.mulf %gather3A_1506, %gather3A_409 : vector<16xf32>
      %add3A_1508 = arith.addf %add3A_1505, %mul3A_1507 : vector<16xf32>
      %gather3A_1509 = tpu.vector_load_idx %arg14[%add3A_1461, %broadcast_in_dim3A_384] : memref<2560x16xf32, #tpu.memory_space<vmem>>[vector<16xi32>, vector<16xi32>], vector<16xf32>,
      %mul3A_1510 = arith.mulf %gather3A_1509, %gather3A_410 : vector<16xf32>
      %add3A_1511 = arith.addf %add3A_1508, %mul3A_1510 : vector<16xf32>
      %exp3A_1512 = math.exp %add3A_1511 : vector<16xf32>
      %add3A_1513 = arith.addf %add3A_1455, %exp3A_1512 : vector<16xf32>
      %mul3A_1514 = arith.constant 20 : i32
      %mul3A_1515 = vector.broadcast %mul3A_1514 : i32 to vector<16xi32>
      %mul3A_1516 = arith.muli %add3A_395, %mul3A_1515 : vector<16xi32>
      %add3A_1517 = arith.constant 19 : i32
      %add3A_1518 = vector.broadcast %add3A_1517 : i32 to vector<16xi32>
      %add3A_1519 = arith.addi %mul3A_1516, %add3A_1518 : vector<16xi32>
      %broadcast_in_dim3A_1520 = arith.constant 0.000000e+00 : f32
      %broadcast_in_dim3A_1521 = vector.broadcast %broadcast_in_dim3A_1520 : f32 to vector<16xf32>
      %gather3A_1522 = tpu.vector_load_idx %arg14[%add3A_1519, %broadcast_in_dim3A_354] : memref<2560x16xf32, #tpu.memory_space<vmem>>[vector<16xi32>, vector<16xi32>], vector<16xf32>,
      %mul3A_1523 = arith.mulf %gather3A_1522, %gather3A : vector<16xf32>
      %add3A_1524 = arith.addf %broadcast_in_dim3A_1521, %mul3A_1523 : vector<16xf32>
      %gather3A_1525 = tpu.vector_load_idx %arg14[%add3A_1519, %broadcast_in_dim3A_356] : memref<2560x16xf32, #tpu.memory_space<vmem>>[vector<16xi32>, vector<16xi32>], vector<16xf32>,
      %mul3A_1526 = arith.mulf %gather3A_1525, %gather3A_396 : vector<16xf32>
      %add3A_1527 = arith.addf %add3A_1524, %mul3A_1526 : vector<16xf32>
      %gather3A_1528 = tpu.vector_load_idx %arg14[%add3A_1519, %broadcast_in_dim3A_358] : memref<2560x16xf32, #tpu.memory_space<vmem>>[vector<16xi32>, vector<16xi32>], vector<16xf32>,
      %mul3A_1529 = arith.mulf %gather3A_1528, %gather3A_397 : vector<16xf32>
      %add3A_1530 = arith.addf %add3A_1527, %mul3A_1529 : vector<16xf32>
      %gather3A_1531 = tpu.vector_load_idx %arg14[%add3A_1519, %broadcast_in_dim3A_360] : memref<2560x16xf32, #tpu.memory_space<vmem>>[vector<16xi32>, vector<16xi32>], vector<16xf32>,
      %mul3A_1532 = arith.mulf %gather3A_1531, %gather3A_398 : vector<16xf32>
      %add3A_1533 = arith.addf %add3A_1530, %mul3A_1532 : vector<16xf32>
      %gather3A_1534 = tpu.vector_load_idx %arg14[%add3A_1519, %broadcast_in_dim3A_362] : memref<2560x16xf32, #tpu.memory_space<vmem>>[vector<16xi32>, vector<16xi32>], vector<16xf32>,
      %mul3A_1535 = arith.mulf %gather3A_1534, %gather3A_399 : vector<16xf32>
      %add3A_1536 = arith.addf %add3A_1533, %mul3A_1535 : vector<16xf32>
      %gather3A_1537 = tpu.vector_load_idx %arg14[%add3A_1519, %broadcast_in_dim3A_364] : memref<2560x16xf32, #tpu.memory_space<vmem>>[vector<16xi32>, vector<16xi32>], vector<16xf32>,
      %mul3A_1538 = arith.mulf %gather3A_1537, %gather3A_400 : vector<16xf32>
      %add3A_1539 = arith.addf %add3A_1536, %mul3A_1538 : vector<16xf32>
      %gather3A_1540 = tpu.vector_load_idx %arg14[%add3A_1519, %broadcast_in_dim3A_366] : memref<2560x16xf32, #tpu.memory_space<vmem>>[vector<16xi32>, vector<16xi32>], vector<16xf32>,
      %mul3A_1541 = arith.mulf %gather3A_1540, %gather3A_401 : vector<16xf32>
      %add3A_1542 = arith.addf %add3A_1539, %mul3A_1541 : vector<16xf32>
      %gather3A_1543 = tpu.vector_load_idx %arg14[%add3A_1519, %broadcast_in_dim3A_368] : memref<2560x16xf32, #tpu.memory_space<vmem>>[vector<16xi32>, vector<16xi32>], vector<16xf32>,
      %mul3A_1544 = arith.mulf %gather3A_1543, %gather3A_402 : vector<16xf32>
      %add3A_1545 = arith.addf %add3A_1542, %mul3A_1544 : vector<16xf32>
      %gather3A_1546 = tpu.vector_load_idx %arg14[%add3A_1519, %broadcast_in_dim3A_370] : memref<2560x16xf32, #tpu.memory_space<vmem>>[vector<16xi32>, vector<16xi32>], vector<16xf32>,
      %mul3A_1547 = arith.mulf %gather3A_1546, %gather3A_403 : vector<16xf32>
      %add3A_1548 = arith.addf %add3A_1545, %mul3A_1547 : vector<16xf32>
      %gather3A_1549 = tpu.vector_load_idx %arg14[%add3A_1519, %broadcast_in_dim3A_372] : memref<2560x16xf32, #tpu.memory_space<vmem>>[vector<16xi32>, vector<16xi32>], vector<16xf32>,
      %mul3A_1550 = arith.mulf %gather3A_1549, %gather3A_404 : vector<16xf32>
      %add3A_1551 = arith.addf %add3A_1548, %mul3A_1550 : vector<16xf32>
      %gather3A_1552 = tpu.vector_load_idx %arg14[%add3A_1519, %broadcast_in_dim3A_374] : memref<2560x16xf32, #tpu.memory_space<vmem>>[vector<16xi32>, vector<16xi32>], vector<16xf32>,
      %mul3A_1553 = arith.mulf %gather3A_1552, %gather3A_405 : vector<16xf32>
      %add3A_1554 = arith.addf %add3A_1551, %mul3A_1553 : vector<16xf32>
      %gather3A_1555 = tpu.vector_load_idx %arg14[%add3A_1519, %broadcast_in_dim3A_376] : memref<2560x16xf32, #tpu.memory_space<vmem>>[vector<16xi32>, vector<16xi32>], vector<16xf32>,
      %mul3A_1556 = arith.mulf %gather3A_1555, %gather3A_406 : vector<16xf32>
      %add3A_1557 = arith.addf %add3A_1554, %mul3A_1556 : vector<16xf32>
      %gather3A_1558 = tpu.vector_load_idx %arg14[%add3A_1519, %broadcast_in_dim3A_378] : memref<2560x16xf32, #tpu.memory_space<vmem>>[vector<16xi32>, vector<16xi32>], vector<16xf32>,
      %mul3A_1559 = arith.mulf %gather3A_1558, %gather3A_407 : vector<16xf32>
      %add3A_1560 = arith.addf %add3A_1557, %mul3A_1559 : vector<16xf32>
      %gather3A_1561 = tpu.vector_load_idx %arg14[%add3A_1519, %broadcast_in_dim3A_380] : memref<2560x16xf32, #tpu.memory_space<vmem>>[vector<16xi32>, vector<16xi32>], vector<16xf32>,
      %mul3A_1562 = arith.mulf %gather3A_1561, %gather3A_408 : vector<16xf32>
      %add3A_1563 = arith.addf %add3A_1560, %mul3A_1562 : vector<16xf32>
      %gather3A_1564 = tpu.vector_load_idx %arg14[%add3A_1519, %broadcast_in_dim3A_382] : memref<2560x16xf32, #tpu.memory_space<vmem>>[vector<16xi32>, vector<16xi32>], vector<16xf32>,
      %mul3A_1565 = arith.mulf %gather3A_1564, %gather3A_409 : vector<16xf32>
      %add3A_1566 = arith.addf %add3A_1563, %mul3A_1565 : vector<16xf32>
      %gather3A_1567 = tpu.vector_load_idx %arg14[%add3A_1519, %broadcast_in_dim3A_384] : memref<2560x16xf32, #tpu.memory_space<vmem>>[vector<16xi32>, vector<16xi32>], vector<16xf32>,
      %mul3A_1568 = arith.mulf %gather3A_1567, %gather3A_410 : vector<16xf32>
      %add3A_1569 = arith.addf %add3A_1566, %mul3A_1568 : vector<16xf32>
      %exp3A_1570 = math.exp %add3A_1569 : vector<16xf32>
      %add3A_1571 = arith.addf %add3A_1513, %exp3A_1570 : vector<16xf32>
      %broadcast_in_dim3A_1572 = arith.constant 0.000000e+00 : f32
      %broadcast_in_dim3A_1573 = vector.broadcast %broadcast_in_dim3A_1572 : f32 to vector<16xf32>
      %gather3A_1574 = tpu.vector_load_idx %arg13[%add3A_395, %broadcast_in_dim3A_354] : memref<128x16xf32, #tpu.memory_space<vmem>>[vector<16xi32>, vector<16xi32>], vector<16xf32>,
      %mul3A_1575 = arith.mulf %gather3A_1574, %gather3A : vector<16xf32>
      %add3A_1576 = arith.addf %broadcast_in_dim3A_1573, %mul3A_1575 : vector<16xf32>
      %gather3A_1577 = tpu.vector_load_idx %arg13[%add3A_395, %broadcast_in_dim3A_356] : memref<128x16xf32, #tpu.memory_space<vmem>>[vector<16xi32>, vector<16xi32>], vector<16xf32>,
      %mul3A_1578 = arith.mulf %gather3A_1577, %gather3A_396 : vector<16xf32>
      %add3A_1579 = arith.addf %add3A_1576, %mul3A_1578 : vector<16xf32>
      %gather3A_1580 = tpu.vector_load_idx %arg13[%add3A_395, %broadcast_in_dim3A_358] : memref<128x16xf32, #tpu.memory_space<vmem>>[vector<16xi32>, vector<16xi32>], vector<16xf32>,
      %mul3A_1581 = arith.mulf %gather3A_1580, %gather3A_397 : vector<16xf32>
      %add3A_1582 = arith.addf %add3A_1579, %mul3A_1581 : vector<16xf32>
      %gather3A_1583 = tpu.vector_load_idx %arg13[%add3A_395, %broadcast_in_dim3A_360] : memref<128x16xf32, #tpu.memory_space<vmem>>[vector<16xi32>, vector<16xi32>], vector<16xf32>,
      %mul3A_1584 = arith.mulf %gather3A_1583, %gather3A_398 : vector<16xf32>
      %add3A_1585 = arith.addf %add3A_1582, %mul3A_1584 : vector<16xf32>
      %gather3A_1586 = tpu.vector_load_idx %arg13[%add3A_395, %broadcast_in_dim3A_362] : memref<128x16xf32, #tpu.memory_space<vmem>>[vector<16xi32>, vector<16xi32>], vector<16xf32>,
      %mul3A_1587 = arith.mulf %gather3A_1586, %gather3A_399 : vector<16xf32>
      %add3A_1588 = arith.addf %add3A_1585, %mul3A_1587 : vector<16xf32>
      %gather3A_1589 = tpu.vector_load_idx %arg13[%add3A_395, %broadcast_in_dim3A_364] : memref<128x16xf32, #tpu.memory_space<vmem>>[vector<16xi32>, vector<16xi32>], vector<16xf32>,
      %mul3A_1590 = arith.mulf %gather3A_1589, %gather3A_400 : vector<16xf32>
      %add3A_1591 = arith.addf %add3A_1588, %mul3A_1590 : vector<16xf32>
      %gather3A_1592 = tpu.vector_load_idx %arg13[%add3A_395, %broadcast_in_dim3A_366] : memref<128x16xf32, #tpu.memory_space<vmem>>[vector<16xi32>, vector<16xi32>], vector<16xf32>,
      %mul3A_1593 = arith.mulf %gather3A_1592, %gather3A_401 : vector<16xf32>
      %add3A_1594 = arith.addf %add3A_1591, %mul3A_1593 : vector<16xf32>
      %gather3A_1595 = tpu.vector_load_idx %arg13[%add3A_395, %broadcast_in_dim3A_368] : memref<128x16xf32, #tpu.memory_space<vmem>>[vector<16xi32>, vector<16xi32>], vector<16xf32>,
      %mul3A_1596 = arith.mulf %gather3A_1595, %gather3A_402 : vector<16xf32>
      %add3A_1597 = arith.addf %add3A_1594, %mul3A_1596 : vector<16xf32>
      %gather3A_1598 = tpu.vector_load_idx %arg13[%add3A_395, %broadcast_in_dim3A_370] : memref<128x16xf32, #tpu.memory_space<vmem>>[vector<16xi32>, vector<16xi32>], vector<16xf32>,
      %mul3A_1599 = arith.mulf %gather3A_1598, %gather3A_403 : vector<16xf32>
      %add3A_1600 = arith.addf %add3A_1597, %mul3A_1599 : vector<16xf32>
      %gather3A_1601 = tpu.vector_load_idx %arg13[%add3A_395, %broadcast_in_dim3A_372] : memref<128x16xf32, #tpu.memory_space<vmem>>[vector<16xi32>, vector<16xi32>], vector<16xf32>,
      %mul3A_1602 = arith.mulf %gather3A_1601, %gather3A_404 : vector<16xf32>
      %add3A_1603 = arith.addf %add3A_1600, %mul3A_1602 : vector<16xf32>
      %gather3A_1604 = tpu.vector_load_idx %arg13[%add3A_395, %broadcast_in_dim3A_374] : memref<128x16xf32, #tpu.memory_space<vmem>>[vector<16xi32>, vector<16xi32>], vector<16xf32>,
      %mul3A_1605 = arith.mulf %gather3A_1604, %gather3A_405 : vector<16xf32>
      %add3A_1606 = arith.addf %add3A_1603, %mul3A_1605 : vector<16xf32>
      %gather3A_1607 = tpu.vector_load_idx %arg13[%add3A_395, %broadcast_in_dim3A_376] : memref<128x16xf32, #tpu.memory_space<vmem>>[vector<16xi32>, vector<16xi32>], vector<16xf32>,
      %mul3A_1608 = arith.mulf %gather3A_1607, %gather3A_406 : vector<16xf32>
      %add3A_1609 = arith.addf %add3A_1606, %mul3A_1608 : vector<16xf32>
      %gather3A_1610 = tpu.vector_load_idx %arg13[%add3A_395, %broadcast_in_dim3A_378] : memref<128x16xf32, #tpu.memory_space<vmem>>[vector<16xi32>, vector<16xi32>], vector<16xf32>,
      %mul3A_1611 = arith.mulf %gather3A_1610, %gather3A_407 : vector<16xf32>
      %add3A_1612 = arith.addf %add3A_1609, %mul3A_1611 : vector<16xf32>
      %gather3A_1613 = tpu.vector_load_idx %arg13[%add3A_395, %broadcast_in_dim3A_380] : memref<128x16xf32, #tpu.memory_space<vmem>>[vector<16xi32>, vector<16xi32>], vector<16xf32>,
      %mul3A_1614 = arith.mulf %gather3A_1613, %gather3A_408 : vector<16xf32>
      %add3A_1615 = arith.addf %add3A_1612, %mul3A_1614 : vector<16xf32>
      %gather3A_1616 = tpu.vector_load_idx %arg13[%add3A_395, %broadcast_in_dim3A_382] : memref<128x16xf32, #tpu.memory_space<vmem>>[vector<16xi32>, vector<16xi32>], vector<16xf32>,
      %mul3A_1617 = arith.mulf %gather3A_1616, %gather3A_409 : vector<16xf32>
      %add3A_1618 = arith.addf %add3A_1615, %mul3A_1617 : vector<16xf32>
      %gather3A_1619 = tpu.vector_load_idx %arg13[%add3A_395, %broadcast_in_dim3A_384] : memref<128x16xf32, #tpu.memory_space<vmem>>[vector<16xi32>, vector<16xi32>], vector<16xf32>,
      %mul3A_1620 = arith.mulf %gather3A_1619, %gather3A_410 : vector<16xf32>
      %add3A_1621 = arith.addf %add3A_1618, %mul3A_1620 : vector<16xf32>
      %swap3A = arith.index_cast %mul3A_393 : i32 to index
      %swap3A_1622 = tpu.vector_load %arg15[%swap3A] {strides = array<i32>} : memref<128xf32, #tpu.memory_space<vmem>>, vector<16xf32>,
      tpu.vector_store %arg15[%swap3A], %add3A_1571 {strides = array<i32>} : memref<128xf32, #tpu.memory_space<vmem>>, vector<16xf32>,
      %swap3A_1623 = arith.index_cast %mul3A_393 : i32 to index
      %swap3A_1624 = tpu.vector_load %arg16[%swap3A_1623] {strides = array<i32>} : memref<128xf32, #tpu.memory_space<vmem>>, vector<16xf32>,
      tpu.vector_store %arg16[%swap3A_1623], %add3A_1621 {strides = array<i32>} : memref<128xf32, #tpu.memory_space<vmem>>, vector<16xf32>,
    }
    %scan3A_390 = arith.constant 8 : i32
    "tpu.region"() ({
      %run_scoped3A = tpu.sem_alloc : memref<!tpu.dma_semaphore, #tpu.memory_space<semaphore_mem>>
      %dma_start3A_391 = tpu.memref_slice %arg7[%mul3A_2] : memref<4096xf32, #tpu.memory_space<hbm>> -> memref<128xf32, #tpu.memory_space<hbm>>
      %dma_start3A_392 = tpu.memref_slice %arg7[%mul3A_2] : memref<4096xf32, #tpu.memory_space<hbm>> -> memref<128xf32, #tpu.memory_space<hbm>>
      tpu.enqueue_dma source(%arg15 : memref<128xf32, #tpu.memory_space<vmem>>) target(%dma_start3A_392 : memref<128xf32, #tpu.memory_space<hbm>>) target_semaphore(%run_scoped3A : memref<!tpu.dma_semaphore, #tpu.memory_space<semaphore_mem>>)
      %dma_wait3A_393 = tpu.memref_slice %arg7[%mul3A_2] : memref<4096xf32, #tpu.memory_space<hbm>> -> memref<128xf32, #tpu.memory_space<hbm>>
      %dma_wait3A_394 = tpu.memref_slice %arg7[%mul3A_2] : memref<4096xf32, #tpu.memory_space<hbm>> -> memref<128xf32, #tpu.memory_space<hbm>>
      tpu.wait_dma2 semaphore(%run_scoped3A : memref<!tpu.dma_semaphore, #tpu.memory_space<semaphore_mem>>) src(%arg15 : memref<128xf32, #tpu.memory_space<vmem>>) dst(%dma_wait3A_394 : memref<128xf32, #tpu.memory_space<hbm>>)
      tpu.yield
    }) : () -> ()
    "tpu.region"() ({
      %run_scoped3A = tpu.sem_alloc : memref<!tpu.dma_semaphore, #tpu.memory_space<semaphore_mem>>
      %dma_start3A_391 = tpu.memref_slice %arg8[%mul3A_2] : memref<4096xf32, #tpu.memory_space<hbm>> -> memref<128xf32, #tpu.memory_space<hbm>>
      %dma_start3A_392 = tpu.memref_slice %arg8[%mul3A_2] : memref<4096xf32, #tpu.memory_space<hbm>> -> memref<128xf32, #tpu.memory_space<hbm>>
      tpu.enqueue_dma source(%arg16 : memref<128xf32, #tpu.memory_space<vmem>>) target(%dma_start3A_392 : memref<128xf32, #tpu.memory_space<hbm>>) target_semaphore(%run_scoped3A : memref<!tpu.dma_semaphore, #tpu.memory_space<semaphore_mem>>)
      %dma_wait3A_393 = tpu.memref_slice %arg8[%mul3A_2] : memref<4096xf32, #tpu.memory_space<hbm>> -> memref<128xf32, #tpu.memory_space<hbm>>
      %dma_wait3A_394 = tpu.memref_slice %arg8[%mul3A_2] : memref<4096xf32, #tpu.memory_space<hbm>> -> memref<128xf32, #tpu.memory_space<hbm>>
      tpu.wait_dma2 semaphore(%run_scoped3A : memref<!tpu.dma_semaphore, #tpu.memory_space<semaphore_mem>>) src(%arg16 : memref<128xf32, #tpu.memory_space<vmem>>) dst(%dma_wait3A_394 : memref<128xf32, #tpu.memory_space<hbm>>)
      tpu.yield
    }) : () -> ()
    return
  }
}

module attributes {stable_mosaic.version = 14 : i64} {
  func.func @body(%arg0: i32, %arg1: memref<16x1024xf32, #tpu.memory_space<vmem>>, %arg2: memref<128x128xf32, #tpu.memory_space<vmem>>) attributes {dimension_semantics = [#tpu.dimension_semantics<arbitrary>], iteration_bounds = array<i64: 977>, scalar_prefetch = 0 : i64, scratch_operands = 0 : i64, tpu.core_type = #tpu.core_type<tc>, window_params = [{transform_indices = @transform_0, window_bounds = array<i64: 16, 1024>}, {transform_indices = @transform_1, window_bounds = array<i64: 128, 128>}]} {
    %get3A = arith.constant 0 : index
    %get3A_0 = arith.constant 0 : index
    %get3A_1 = vector.load %arg1[%get3A, %get3A_0] : memref<16x1024xf32, #tpu.memory_space<vmem>>, vector<16x1024xf32>
    %slice3A = vector.extract_strided_slice %get3A_1 {offsets = [0, 0], sizes = [16, 128], strides = [1, 1]} : vector<16x1024xf32> to vector<16x128xf32>
    %transpose3A = tpu.transpose %slice3A, [1, 0] : vector<16x128xf32> -> vector<128x16xf32>
    %slice3A_2 = vector.extract_strided_slice %get3A_1 {offsets = [0, 128], sizes = [16, 128], strides = [1, 1]} : vector<16x1024xf32> to vector<16x128xf32>
    %transpose3A_3 = tpu.transpose %slice3A_2, [1, 0] : vector<16x128xf32> -> vector<128x16xf32>
    %slice3A_4 = vector.extract_strided_slice %get3A_1 {offsets = [0, 256], sizes = [16, 128], strides = [1, 1]} : vector<16x1024xf32> to vector<16x128xf32>
    %transpose3A_5 = tpu.transpose %slice3A_4, [1, 0] : vector<16x128xf32> -> vector<128x16xf32>
    %slice3A_6 = vector.extract_strided_slice %get3A_1 {offsets = [0, 384], sizes = [16, 128], strides = [1, 1]} : vector<16x1024xf32> to vector<16x128xf32>
    %transpose3A_7 = tpu.transpose %slice3A_6, [1, 0] : vector<16x128xf32> -> vector<128x16xf32>
    %slice3A_8 = vector.extract_strided_slice %get3A_1 {offsets = [0, 512], sizes = [16, 128], strides = [1, 1]} : vector<16x1024xf32> to vector<16x128xf32>
    %transpose3A_9 = tpu.transpose %slice3A_8, [1, 0] : vector<16x128xf32> -> vector<128x16xf32>
    %slice3A_10 = vector.extract_strided_slice %get3A_1 {offsets = [0, 640], sizes = [16, 128], strides = [1, 1]} : vector<16x1024xf32> to vector<16x128xf32>
    %transpose3A_11 = tpu.transpose %slice3A_10, [1, 0] : vector<16x128xf32> -> vector<128x16xf32>
    %slice3A_12 = vector.extract_strided_slice %get3A_1 {offsets = [0, 768], sizes = [16, 128], strides = [1, 1]} : vector<16x1024xf32> to vector<16x128xf32>
    %transpose3A_13 = tpu.transpose %slice3A_12, [1, 0] : vector<16x128xf32> -> vector<128x16xf32>
    %slice3A_14 = vector.extract_strided_slice %get3A_1 {offsets = [0, 896], sizes = [16, 128], strides = [1, 1]} : vector<16x1024xf32> to vector<16x128xf32>
    %transpose3A_15 = tpu.transpose %slice3A_14, [1, 0] : vector<16x128xf32> -> vector<128x16xf32>
    %concatenate3A = tpu.concatenate %transpose3A, %transpose3A_3, %transpose3A_5, %transpose3A_7, %transpose3A_9, %transpose3A_11, %transpose3A_13, %transpose3A_15 in 1 : vector<128x16xf32>, vector<128x16xf32>, vector<128x16xf32>, vector<128x16xf32>, vector<128x16xf32>, vector<128x16xf32>, vector<128x16xf32>, vector<128x16xf32> -> vector<128x128xf32>
    %swap3A = arith.constant 0 : index
    %swap3A_16 = arith.constant 0 : index
    %swap3A_17 = vector.load %arg2[%swap3A, %swap3A_16] : memref<128x128xf32, #tpu.memory_space<vmem>>, vector<128x128xf32>
    tpu.vector_store %arg2[%swap3A, %swap3A_16], %concatenate3A {strides = array<i32>} : memref<128x128xf32, #tpu.memory_space<vmem>>, vector<128x128xf32>,
    return
  }
  func.func @transform_0(%arg0: i32) -> (i32, i32) {
    %c0_i32 = arith.constant 0 : i32
    %c0_i32_0 = arith.constant 0 : i32
    return %c0_i32, %arg0 : i32, i32
  }
  func.func @transform_1(%arg0: i32) -> (i32, i32) {
    %c0_i32 = arith.constant 0 : i32
    %c0_i32_0 = arith.constant 0 : i32
    return %arg0, %c0_i32 : i32, i32
  }
}

module attributes {stable_mosaic.version = 14 : i64} {
  func.func @body(%arg0: memref<32x128xf32, #tpu.memory_space<vmem>>, %arg1: memref<32x128xf32, #tpu.memory_space<vmem>>, %arg2: memref<1x1xf32, #tpu.memory_space<vmem>>) attributes {dimension_semantics = [], scalar_prefetch = 0 : i64, scratch_operands = 0 : i64, tpu.core_type = #tpu.core_type<tc>} {
    %get3A = arith.constant 0 : index
    %get3A_0 = arith.constant 0 : index
    %get3A_1 = vector.load %arg0[%get3A, %get3A_0] : memref<32x128xf32, #tpu.memory_space<vmem>>, vector<32x128xf32>
    %log3A = math.log %get3A_1 : vector<32x128xf32>
    %reduce_sum3A = vector.shape_cast %log3A : vector<32x128xf32> to vector<1x32x128xf32>
    %reduce_sum3A_2 = arith.constant dense<0.000000e+00> : vector<1xf32>
    %reduce_sum3A_3 = vector.multi_reduction <add>, %reduce_sum3A, %reduce_sum3A_2 [1, 2] : vector<1x32x128xf32> to vector<1xf32>
    %reduce_sum3A_4 = vector.shape_cast %reduce_sum3A_3 : vector<1xf32> to vector<1x1x1xf32>
    %reduce_sum3A_5 = vector.extract %reduce_sum3A_4[0, 0, 0] : f32 from vector<1x1x1xf32>
    %get3A_6 = arith.constant 0 : index
    %get3A_7 = arith.constant 0 : index
    %get3A_8 = vector.load %arg1[%get3A_6, %get3A_7] : memref<32x128xf32, #tpu.memory_space<vmem>>, vector<32x128xf32>
    %reduce_sum3A_9 = vector.shape_cast %get3A_8 : vector<32x128xf32> to vector<1x32x128xf32>
    %reduce_sum3A_10 = arith.constant dense<0.000000e+00> : vector<1xf32>
    %reduce_sum3A_11 = vector.multi_reduction <add>, %reduce_sum3A_9, %reduce_sum3A_10 [1, 2] : vector<1x32x128xf32> to vector<1xf32>
    %reduce_sum3A_12 = vector.shape_cast %reduce_sum3A_11 : vector<1xf32> to vector<1x1x1xf32>
    %reduce_sum3A_13 = vector.extract %reduce_sum3A_12[0, 0, 0] : f32 from vector<1x1x1xf32>
    %sub3A = arith.subf %reduce_sum3A_5, %reduce_sum3A_13 : f32
    %div3A = arith.constant 4.096000e+03 : f32
    %div3A_14 = arith.divf %sub3A, %div3A : f32
    %broadcast_in_dim3A = vector.broadcast %div3A_14 : f32 to vector<1x1xf32>
    %swap3A = arith.constant 0 : index
    %swap3A_15 = arith.constant 0 : index
    %swap3A_16 = vector.load %arg2[%swap3A, %swap3A_15] : memref<1x1xf32, #tpu.memory_space<vmem>>, vector<1x1xf32>
    tpu.vector_store %arg2[%swap3A, %swap3A_15], %broadcast_in_dim3A {strides = array<i32>} : memref<1x1xf32, #tpu.memory_space<vmem>>, vector<1x1xf32>,
    return
  }
}

</mosaic_0001>

<sc_bundles>
// kernel: kernel.6.cloned.1.call-start
scs
__scs_entry_jumppad:
0x0: {  	(pc) =	sbr.rel $0x88, $3  }
0x1: {  	(tag) =	ssettag $0x0;
	lr =	simm.s32 $0x1  }
0x2: {  	[smem:$0x3F9C] =	sst lr;
	_ =	strace $0xD0000000  }
0x3: {  	_ = 	snop  }
0x4: {  	_ = 	snop  }
0x5: {  	_ = 	snop  }
0x6: {  	_ = 	snop  }
0x7: {  	_ = 	snop  }
__scs_overlays_trampoline_lowered:
0x8: {  	[smem:$0x3FAB] =	sst s0  }
0x9: {  	[smem:$0x3FAC] =	sst s1  }
0xa: {  	[smem:$0x3FAD] =	sst s2  }
0xb: {  	[smem:$0x3FAE] =	sst s3  }
0xc: {  	[smem:$0x3FAF] =	sst s4  }
0xd: {  	[smem:$0x3FB0] =	sst s5  }
0xe: {  	[smem:$0x3FB1] =	sst s6  }
0xf: {  	[smem:$0x3FB2] =	sst s7  }
0x10: {  	[smem:$0x3FB3] =	sst s8  }
0x11: {  	[smem:$0x3FB4] =	sst s9;
	s0 =	simm.s32 @!p0 $0x0  }
0x12: {  	s1 =	sld [smem:$0x3F9A];
	s0 =	simm.s32 @p0 $0x1  }
0x13: {  	[smem:$0x3FB5] =	sst s0;
	s0 =	simm.s32 @!p1 $0x0  }
0x14: {  	s2 =	sld [smem:$0x3F99];
	s0 =	simm.s32 @p1 $0x1  }
0x15: {  	[smem:$0x3FB6] =	sst s0;
	s0 =	simm.s32 @!p2 $0x0  }
0x16: {  	s3 =	sld [smem:$0x3FDB];
	s0 =	simm.s32 @p2 $0x1  }
0x17: {  	s4 =	simm.s32 $0x1BF5;
	[smem:$0x3FB8] =	sst s0  }
0x18: {  	s0 =	sld [smem:$0x3F9B];
	_ =	swait.ge [sflag:s4], $0x0  }
0x19: {  	s7 =	sld [smem:$0x3F9C]  }
0x1a: {  	s8 =	sadd.s32 $0xFFFFE003, lr  }
0x1b: {  	s9 =	sadd.s32 $0xFFFFFEF7, lr;
	s5 =	simm.s32 $0xFFFFFFFF;
	p2 =	slt.u32 s8, $0xFFFFF086  }
0x1c: {  	p1 =	slt.u32 s9, $0xF7A;
	s5 =	simm.s32 @!p2 $0x0  }
0x1d: {  	s5 =	simm.s32 @p1 $0x1;
	p0 =	seq.s32 s7, s2  }
0x1e: {  	s7 =	smul.u32 @!p0 $0xF7A, s2;
	p2 =	seq.s32 @!p0 s5, $0x0  }
0x1f: {  	s9 =	smul.u32 $0xF7A, s1;
	s8 =	simm.s32 @!p0 $0x1BF5;
	p2 =	por !p2, p0  }
0x20: {  	[sflag:s8] =	ssyncset.s32 @!p0 $0xFFFFF086;
	s6 =	sadd.s32 @!p0 s3, s7;
	s7 =	simm.s32 @!p0 $0x108  }
0x21: {  	s3 =	sadd.s32 s3, s9;
	s6 =	sadd.s32 @!p0 $0x88, s6;
	s7 =	simm.s32 @p2 $0x1082  }
0x22: {  	[simem:s7], [sflag:s8] =	dma.local @!p0 [hbm:s6], $0xF7A  }
0x23: {  	s9 =	sor.u32 $0xD0000000, s2;
	s6 =	simm.s32 $0x108;
	_ =	swait.ge @!p0 [sflag:s8], $0x0  }
0x24: {  	s3 =	sadd.s32 $0x88, s3;
	s6 =	simm.s32 @!p1 $0x1082;
	[sflag:s4] =	ssyncset.s32 $0xFFFFF086  }
0x25: {  	[simem:s6], [sflag:s4] =	dma.local [hbm:s3], $0xF7A  }
0x26: {  	[smem:$0x3F9C] =	sst s1;
	(tag) =	ssettag s2;
	_ =	strace s9  }
0x27: {  	s1 =	sld [smem:$0x3FAC]  }
0x28: {  	s2 =	sld [smem:$0x3FAD]  }
0x29: {  	s4 =	sld [smem:$0x3FAF]  }
0x2a: {  	p0 =	seq.s32 s5, $0x0;
	s5 =	sld [smem:$0x3FB0]  }
0x2b: {  	s6 =	sld [smem:$0x3FB1]  }
0x2c: {  	s7 =	sld [smem:$0x3FB2]  }
0x2d: {  	s3 =	simm.s32 $0x108;
	s8 =	sld [smem:$0x3FB3]  }
0x2e: {  	s3 =	simm.s32 @!p0 $0x1082;
	s9 =	sld [smem:$0x3FB4]  }
0x2f: {  	lr =	sadd.s32 s0, s3;
	s0 =	sld [smem:$0x3FAB]  }
0x30: {  	s3 =	sld [smem:$0x3FAE]  }
0x31: {  	[smem:$0x3FB7] =	sst s10  }
0x32: {  	s10 =	sld [smem:$0x3FB5];
	_ =	sdelay $0x3  }
0x33: {  	p0 =	seq.s32 s10, $0x1;
	s10 =	sld [smem:$0x3FB7];
	_ =	sdelay $0x3  }
0x34: {  	[smem:$0x3FB7] =	sst s10  }
0x35: {  	s10 =	sld [smem:$0x3FB6];
	_ =	sdelay $0x3  }
0x36: {  	p1 =	seq.s32 s10, $0x1;
	s10 =	sld [smem:$0x3FB7];
	_ =	sdelay $0x3  }
0x37: {  	[smem:$0x3FB7] =	sst s10  }
0x38: {  	s10 =	sld [smem:$0x3FB8]  }
0x39: {  	_ = 	snop;
	(pc) =	sbr.ind lr, $3  }
0x3a: {  	_ = 	snop  }
0x3b: {  	_ = 	snop  }
0x3c: {  	p2 =	seq.s32 s10, $0x1;
	s10 =	sld [smem:$0x3FB7]  }
0x3d: {  	_ =	shalt  }
0x3e: {  	_ =	shalt  }
0x3f: {  	_ =	shalt  }
0x40: {  	_ =	shalt  }
0x41: {  	_ =	shalt  }
0x42: {  	_ =	shalt  }
0x43: {  	_ =	shalt  }
0x44: {  	_ =	shalt  }
0x45: {  	_ =	shalt  }
0x46: {  	_ =	shalt  }
0x47: {  	_ =	shalt  }
0x48: {  	_ =	shalt  }
0x49: {  	_ =	shalt  }
0x4a: {  	_ =	shalt  }
0x4b: {  	_ =	shalt  }
0x4c: {  	_ =	shalt  }
0x4d: {  	_ =	shalt  }
0x4e: {  	_ =	shalt  }
0x4f: {  	_ =	shalt  }
0x50: {  	_ =	shalt  }
0x51: {  	_ =	shalt  }
0x52: {  	_ =	shalt  }
0x53: {  	_ =	shalt  }
0x54: {  	_ =	shalt  }
0x55: {  	_ =	shalt  }
0x56: {  	_ =	shalt  }
0x57: {  	_ =	shalt  }
0x58: {  	_ =	shalt  }
0x59: {  	_ =	shalt  }
0x5a: {  	_ =	shalt  }
0x5b: {  	_ =	shalt  }
0x5c: {  	_ =	shalt  }
0x5d: {  	_ =	shalt  }
0x5e: {  	_ =	shalt  }
0x5f: {  	_ =	shalt  }
0x60: {  	_ =	shalt  }
0x61: {  	_ =	shalt  }
0x62: {  	_ =	shalt  }
0x63: {  	_ =	shalt  }
0x64: {  	_ =	shalt  }
0x65: {  	_ =	shalt  }
0x66: {  	_ =	shalt  }
0x67: {  	_ =	shalt  }
0x68: {  	_ =	shalt  }
0x69: {  	_ =	shalt  }
0x6a: {  	_ =	shalt  }
0x6b: {  	_ =	shalt  }
0x6c: {  	_ =	shalt  }
0x6d: {  	_ =	shalt  }
0x6e: {  	_ =	shalt  }
0x6f: {  	_ =	shalt  }
0x70: {  	_ =	shalt  }
0x71: {  	_ =	shalt  }
0x72: {  	_ =	shalt  }
0x73: {  	_ =	shalt  }
0x74: {  	_ =	shalt  }
0x75: {  	_ =	shalt  }
0x76: {  	_ =	shalt  }
0x77: {  	_ =	shalt  }
0x78: {  	_ =	shalt  }
0x79: {  	_ =	shalt  }
0x7a: {  	_ =	shalt  }
0x7b: {  	_ =	shalt  }
0x7c: {  	_ =	shalt  }
0x7d: {  	_ =	shalt  }
0x7e: {  	_ =	shalt  }
0x7f: {  	_ =	shalt  }
0x80: {  	_ =	shalt  }
0x81: {  	_ =	shalt  }
0x82: {  	_ =	shalt  }
0x83: {  	_ =	shalt  }
0x84: {  	_ =	shalt  }
0x85: {  	_ =	shalt  }
0x86: {  	_ =	shalt  }
0x87: {  	_ =	shalt  }
.Lfunc_end0:
.L_simem_size_0:
called_computation_lowered:
.L_overlay_start_0:
0x88: {  	s2 =	sld [smem:$0x3FD9]  }
0x89: {  	s3 =	sld [smem:$0x3FFE];
	_ =	sdelay $0x1  }
0x8a: {  	s1 =	srdreg.scid  }
0x8b: {  	s0 =	sand.u32 $0x1, s1  }
0x8c: {  	s17 =	sshll.u32 s0, $0xA;
	s2 =	sadd.s32 s3, s2  }
0x8d: {  	s2 =	sadd.s32 s2, s17  }
0x8e: {  	[smem:$0x3FC3] =	sst s2  }
0x8f: {  	_ = 	snop  }
0x90: {  	s2 =	sld [smem:$0x3FC9]  }
0x91: {  	s18 =	sld [smem:$0x3FC8];
	(tm) =	ssettm $0x1  }
0x92: {  	s4 =	sld [smem:$0x3FFB];
	_ =	sdelay $0x3  }
0x93: {  	_ =	strace s4  }
0x94: {  	s4 =	sld [smem:$0x3FFC];
	_ =	sdelay $0x3  }
0x95: {  	_ =	strace s4  }
0x96: {  	s4 =	sld [smem:$0x3FFD];
	_ =	sdelay $0x3  }
0x97: {  	_ =	strace s4  }
0x98: {  	_ =	strace $0x8FFFFFFF  }
0x99: {  	s19 =	sld [smem:$0x3FDB];
	_ =	sdelay $0x1  }
0x9a: {  	s5 =	simm.s32 $_scs_section_size  }
0x9b: {  	s6 =	simm.s32 $_size__tile_overlayer_lowered;
	s7 =	simm.s32 $_tile_overlayer_lowered  }
0x9c: {  	s22 =	simm.s32 $0x1BFF;
	s21 =	sshll.u32 s7, $0x1;
	s4 =	sadd.s32 s5, s19  }
0x9d: {  	s8 =	simm.s32 $0x0;
	s20 =	sshll.u32 s6, $0x1;
	s6 =	sadd.s32 s21, s4  }
0x9e: {  	[timem:s8], [sflag:s22] =	dma.local [hbm:s6], s20  }
0x9f: {  	_ =	swait.ge [sflag:s22], s20  }
0xa0: {  	s5 =	ssub.s32 $0x0, s20;
	[sflag:s22] =	ssyncset.done $0x0  }
0xa1: {  	[sflag:s22] =	ssyncadd.s32 s5;
	_ =	sdelay $0x1  }
0xa2: {  	s23 =	simm.s32 $0x1B8B  }
0xa3: {  	_ =	swait.ge [sflag:s23], $0x1  }
0xa4: {  	[sflag:s23] =	ssyncset.done $0x0  }
0xa5: {  	s25 =	simm.s32 $0x1B8E;
	s24 =	sld [smem:$0x3FFE];
	[sflag:s23] =	ssyncadd.s32 $0xFFFFFFFF  }
0xa6: {  	s26 =	simm.s32 $execute0_lowered;
	[smem:$0x3FD2] =	sst s25  }
0xa7: {  	s6 =	sshll.u32 s26, $0x1;
	_ =	strace $0x80000046;
	[dreg:$0x1] =	wrdreg $0xFFFFFFFF  }
0xa8: {  	s28 =	simm.s32 $_size_execute0_lowered;
	s4 =	sadd.s32 s4, s6;
	[dreg:$0x0] =	wrdreg $0x0  }
0xa9: {  	s6 =	sshll.u32 s28, $0x1;
	[dreg:$0x2] =	wrdreg s4  }
0xaa: {  	[dreg:$0x3] =	wrdreg s6  }
0xab: {  	[dreg:$0x4] =	wrdreg $0xC0  }
0xac: {  	_ =	task [dreg:s8], $0x5FFFF  }
0xad: {  	[dreg:$0x1] =	wrdreg $0xFFFFFFFF  }
0xae: {  	[dreg:$0x0] =	wrdreg $0x60  }
0xaf: {  	[dreg:$0x2] =	wrdreg s2  }
0xb0: {  	[dreg:$0x3] =	wrdreg s18  }
0xb1: {  	[dreg:$0x4] =	wrdreg s24  }
0xb2: {  	[dreg:$0x5] =	wrdreg $0x9  }
0xb3: {  	_ =	task.clear_ibuf [dreg:s8], $0x6FFFF;
	_ =	strace $0x90000046  }
0xb4: {  	s29 =	simm.s32 $0x9;
	_ =	strace $0x80000048  }
0xb5: {  	_ =	swait.ge [sflag:s29], $0x1  }
0xb6: {  	[sflag:s29] =	ssyncadd.s32 $0xFFFFFFFF  }
0xb7: {  	_ =	strace $0x90000048  }
0xb8: {  	_ =	sfence  }
0xb9: {  	s30 =	sld [smem:$0x0];
	_ =	sdelay $0x2  }
0xba: {  	s31 =	sshll.u32 s1, $0xD;
	s1 =	sshrl.u32 s1, $0x2  }
0xbb: {  	s3 =	sand.u32 $0x4000, s31;
	s1 =	sadd.s32 s1, s30  }
0xbc: {  	s0 =	sor.u32 s3, s0;
	s1 =	sshll.u32 s1, $0x11  }
0xbd: {  	s0 =	sor.u32 s1, s0  }
0xbe: {  	s0 =	sadd.s32 $0x8F2B, s0  }
0xbf: {  	[sflag:s0] =	ssyncadd.remote.s32 $0x1  }
0xc0: {  	_ =	sfence.sel $0xFFFF  }
0xc1: {  	[dreg:$0x0] =	wrdreg $0xFFFFFFFF;
	(pc) =	sbr.abs _section_cstart, $3  }
0xc2: {  	[dreg:$0x1] =	wrdreg $0xFFFFFFFF  }
0xc3: {  	_ =	task.clear_ibuf [dreg:s8], $0x2FFFF;
	_ =	strace $0x9FFFFFFF  }
0xc4: {  	(tm) =	ssettm $0x7FFFFFFF  }
0xc5: {  	_ =	shalt  }
tec
execute0_lowered:
.L_overlay_start_1:
0x0: {  	(tag) =	ssettag $0x1  }
0x1: {  	s0 =	rddreg [dreg:$0x0]  }
0x2: {  	s1 =	srdreg.scid;
	s6 =	rddreg [dreg:$0x1]  }
0x3: {  	s2 =	stileid.u32;
	s5 =	rddreg [dreg:$0x2];
	s11 =	simm.s32 $0x2  }
0x4: {  	s12 =	simm.s32 $0x80;
	s13 =	simm.s32 $0x100;
	s14 =	simm.s32 $0xB00  }
0x5: {  	s15 =	simm.s32 $0x1300;
	s16 =	simm.s32 $0x1B00;
	s31 =	simm.s32 $0x9300  }
0x6: {  	s17 =	simm.s32 $0x980;
	s18 =	simm.s32 $0xA300;
	s19 =	simm.s32 $0xA00  }
0x7: {  	s20 =	simm.s32 $0xAB00;
	s21 =	simm.s32 $0xA80;
	s22 =	simm.s32 $0xB300  }
0x8: {  	s23 =	simm.s32 $0x1;
	s24 =	simm.s32 $0xBB00;
	s25 =	simm.s32 $0xBB80  }
0x9: {  	s26 =	simm.s32 $0x0;
	s1 =	sand.u32 $0x1, s1;
	s2 =	sshll.u32 s2, $0x1  }
0xa: {  	s4 =	sor.u32 s1, s2;
	s2 =	simm.s32 $0x0;
	s1 =	ssub.s32 $0x2, s1  }
0xb: {  	s3 =	smul.u32 $0x140, s4;
	[smem:$0x7FF] =	sst s2;
	s8 =	sshll.u32 s4, $0x4  }
0xc: {  	s9 =	sshrl.u32 s1, $0x1;
	s4 =	sadd.s32 $0x1EBC00, s5;
	_ =	strace $0x80000047  }
0xd: {  	s10 =	sadd.s32 s8, s5;
	s1 =	ssub.s32 s1, s9;
	s6 =	sadd.s32 s6, s8  }
0xe: {  	s7 =	sadd.s32 s3, s5;
	s3 =	sadd.s32 $0x3400, s5;
	s5 =	sadd.s32 s0, s8  }
0xf: {  	s8 =	sadd.s32 $0x3D4400, s10;
	s9 =	sadd.s32 $0x3D4600, s10;
	s10 =	smax.u32 s1, $0x1  }
0x10: {  	v0 =	vlaneseq.u32;
	s1 =	simm.s32 $0x900;
	s0 =	simm.s32 $0x9B00;
	s7 =	sadd.s32 $0xC00, s7  }
.LBB2_1:
0x11: {  	[tilespmem:s2], [sflag:$0x2] =	stream.linear.gather [hbm4b:s5+s2], $0x80, $0x38;
	[tilespmem:$0xBC00] =	vst v63  }
0x12: {  	_ =	swait.ge [sflag:s11], $0x80  }
0x13: {  	[sflag:s11] =	ssyncset.done $0x0  }
0x14: {  	[sflag:s11] =	ssyncadd.s32 $0xFFFFFF80  }
0x15: {  	[tilespmem:s12], [sflag:$0x2] =	stream.linear.gather [hbm4b:s6+s2], $0x80, $0x38;
	[tilespmem:$0xBC00] =	vst v63  }
0x16: {  	_ =	swait.ge [sflag:s11], $0x80  }
0x17: {  	[sflag:s11] =	ssyncset.done $0x0  }
0x18: {  	[sflag:s11] =	ssyncadd.s32 $0xFFFFFF80  }
0x19: {  	[tilespmem:s13], [sflag:$0x2] =	stream.linear.gather [hbm4b:s7+s2], $0xA00, $0x38;
	[tilespmem:$0xBC00] =	vst v63  }
0x1a: {  	_ =	swait.ge [sflag:s11], $0xA00  }
0x1b: {  	[sflag:s11] =	ssyncset.done $0x0  }
0x1c: {  	[sflag:s11] =	ssyncadd.s32 $0xFFFFF600  }
0x1d: {  	v1 =	vld [tilespmem:$0x0]  }
0x1e: {  	v2 =	vld [tilespmem:$0x10]  }
0x1f: {  	v4 =	vld [tilespmem:$0x20]  }
0x20: {  	v6 =	vld [tilespmem:$0x30]  }
0x21: {  	v21 =	vld [tilespmem:$0x40]  }
0x22: {  	v8 =	vld [tilespmem:$0x50]  }
0x23: {  	v9 =	vld [tilespmem:$0x60]  }
0x24: {  	v27 =	vld [tilespmem:$0x70]  }
0x25: {  	v11 =	vld [tilespmem:$0x80];
	v3 =	vshll.u32 v1, $0x3;
	v5 =	vand.u32 $0xFFFFFC00, v1;
	v1 =	vshrl.u32 v1, $0x7  }
0x26: {  	v12 =	vld [tilespmem:$0x90];
	v20 =	vshll.u32 v2, $0x3;
	v7 =	vand.u32 $0xFFFFFC00, v2;
	v2 =	vshrl.u32 v2, $0x7  }
0x27: {  	v36 =	vld [tilespmem:$0xA0];
	v22 =	vand.u32 $0xFFFFFC00, v4;
	v23 =	vshll.u32 v6, $0x3;
	v24 =	vand.u32 $0xFFFFFC00, v6  }
0x28: {  	v14 =	vld [tilespmem:$0xB0];
	v25 =	vshrl.u32 v6, $0x7;
	v26 =	vshll.u32 v21, $0x3;
	v10 =	vand.u32 $0xFFFFFC00, v21  }
0x29: {  	v15 =	vld [tilespmem:$0xC0];
	v29 =	vshll.u32 v8, $0x3;
	v30 =	vand.u32 $0xFFFFFC00, v8;
	v8 =	vshrl.u32 v8, $0x7  }
0x2a: {  	v46 =	vld [tilespmem:$0xD0];
	v32 =	vshll.u32 v9, $0x3;
	v33 =	vand.u32 $0xFFFFFC00, v9;
	v34 =	vshrl.u32 v9, $0x7  }
0x2b: {  	v51 =	vld [tilespmem:$0xE0];
	v35 =	vshll.u32 v27, $0x3;
	v13 =	vand.u32 $0xFFFFFC00, v27;
	v38 =	vshll.u32 v11, $0x3  }
0x2c: {  	v55 =	vld [tilespmem:$0xF0];
	v39 =	vand.u32 $0xFFFFFC00, v11;
	v11 =	vshrl.u32 v11, $0x7;
	v41 =	vshll.u32 v12, $0x3  }
0x2d: {  	v42 =	vand.u32 $0xFFFFFC00, v12;
	v43 =	vshrl.u32 v12, $0x7;
	v44 =	vshll.u32 v36, $0x3  }
0x2e: {  	v47 =	vand.u32 $0xFFFFFC00, v14;
	v48 =	vshrl.u32 v14, $0x7;
	v50 =	vshll.u32 v15, $0x3  }
0x2f: {  	v52 =	vand.u32 $0xFFFFFC00, v15;
	v53 =	vshrl.u32 v15, $0x7;
	v54 =	vshll.u32 v46, $0x3  }
0x30: {  	v56 =	vand.u32 $0xFFFFFC00, v46;
	v57 =	vshrl.u32 v46, $0x7;
	v60 =	vshll.u32 v51, $0x3  }
0x31: {  	v61 =	vshrl.u32 v51, $0x7;
	v62 =	vshll.u32 v55, $0x3;
	v63 =	vshrl.u32 v55, $0x7  }
0x32: {  	v3 =	vand.u32 $0x3F8, v3;
	v1 =	vand.u32 $0x7, v1;
	v2 =	vand.u32 $0x7, v2  }
0x33: {  	v6 =	vand.u32 $0x3F8, v26;
	v31 =	vand.u32 $0x7, v8;
	v8 =	vand.u32 $0x3F8, v32  }
0x34: {  	v9 =	vand.u32 $0x3F8, v35;
	v40 =	vand.u32 $0x7, v11;
	v11 =	vand.u32 $0x3F8, v41  }
0x35: {  	v12 =	vand.u32 $0x3F8, v44;
	v49 =	vand.u32 $0x7, v48;
	v58 =	vand.u32 $0x7, v57  }
0x36: {  	v3 =	vor.u32 v5, v3;
	v5 =	vand.u32 $0x3F8, v20;
	v6 =	vor.u32 v10, v6  }
0x37: {  	v10 =	vshrl.u32 v27, $0x7;
	v9 =	vor.u32 v13, v9;
	v13 =	vshrl.u32 v36, $0x7  }
0x38: {  	v5 =	vor.u32 v7, v5;
	v1 =	vor.u32 v1, v3;
	v3 =	vshll.u32 v4, $0x3  }
0x39: {  	v4 =	vshrl.u32 v4, $0x7;
	v7 =	vshrl.u32 v21, $0x7;
	v10 =	vand.u32 $0x7, v10  }
0x3a: {  	v45 =	vand.u32 $0x7, v13;
	v2 =	vor.u32 v2, v5;
	v3 =	vand.u32 $0x3F8, v3  }
0x3b: {  	v4 =	vand.u32 $0x7, v4;
	v5 =	vand.u32 $0x3F8, v23;
	v7 =	vand.u32 $0x7, v7  }
0x3c: {  	v37 =	vor.u32 v10, v9;
	v9 =	vand.u32 $0x3F8, v38;
	v10 =	vor.u32 v42, v11;
	[tilespmem:$0x0] =	vst v1  }
0x3d: {  	v1 =	vand.u32 $0xFFFFFC00, v36;
	v3 =	vor.u32 v22, v3;
	v28 =	vor.u32 v7, v6;
	[tilespmem:$0x10] =	vst v2  }
0x3e: {  	v6 =	vand.u32 $0x3F8, v29;
	v7 =	vor.u32 v33, v8;
	v8 =	vand.u32 $0x7, v34;
	[tilespmem:$0x70] =	vst v37  }
0x3f: {  	v9 =	vor.u32 v39, v9;
	v2 =	vand.u32 $0x7, v43;
	v3 =	vor.u32 v4, v3;
	[tilespmem:$0x40] =	vst v28  }
0x40: {  	v1 =	vor.u32 v1, v12;
	v4 =	vor.u32 v24, v5;
	v7 =	vor.u32 v8, v7;
	[tilespmem:$0x20] =	vst v3  }
0x41: {  	v5 =	vand.u32 $0x7, v25;
	v6 =	vor.u32 v30, v6;
	v9 =	vor.u32 v40, v9;
	[tilespmem:$0x60] =	vst v7  }
0x42: {  	v2 =	vor.u32 v2, v10;
	v1 =	vor.u32 v45, v1;
	v4 =	vor.u32 v5, v4;
	[tilespmem:$0x80] =	vst v9  }
0x43: {  	v6 =	vor.u32 v31, v6;
	v3 =	vshll.u32 v14, $0x3;
	v5 =	vand.u32 $0x3F8, v50;
	[tilespmem:$0xA0] =	vst v1  }
0x44: {  	v1 =	vand.u32 $0xFFFFFC00, v51;
	[tilespmem:$0x30] =	vst v4;
	v3 =	vand.u32 $0x3F8, v3;
	v4 =	vor.u32 v52, v5  }
0x45: {  	[tilespmem:$0x50] =	vst v6;
	v6 =	vand.u32 $0x3F8, v54;
	v5 =	vand.u32 $0x7, v53;
	v3 =	vor.u32 v47, v3  }
0x46: {  	[tilespmem:$0x90] =	vst v2;
	v6 =	vor.u32 v56, v6;
	v2 =	vor.u32 v5, v4;
	v5 =	vand.u32 $0x3F8, v60  }
0x47: {  	v3 =	vor.u32 v49, v3;
	v59 =	vor.u32 v58, v6;
	v1 =	vor.u32 v1, v5;
	[tilespmem:$0xC0] =	vst v2  }
0x48: {  	v2 =	vand.u32 $0xFFFFFC00, v55;
	v5 =	vand.u32 $0x3F8, v62;
	[tilespmem:$0xB0] =	vst v3;
	v3 =	vand.u32 $0x7, v61  }
0x49: {  	[tilespmem:$0xD0] =	vst v59;
	v2 =	vor.u32 v2, v5;
	v1 =	vor.u32 v3, v1;
	v3 =	vand.u32 $0x7, v63  }
0x4a: {  	[tilespmem:$0xE0] =	vst v1;
	v1 =	vor.u32 v3, v2  }
0x4b: {  	s28 =	simm.s32 $0x0;
	s29 =	simm.s32 $0x40;
	[tilespmem:$0xF0] =	vst v1  }
.LBB2_2:
0x4c: {  	p0 =	sne.s32 s29, $0x27C0;
	v1 =	vld [tilespmem:s28+$0x100];
	_ =	sdelay $0x4  }
.Ltmp0:
0x4d: {  	v2 =	vshll.u32 v1, $0x3;
	(pc) =	sbr.rel @p0 .LBB2_2-.Ltmp0, $4  }
0x4e: {  	v3 =	vand.u32 $0xFFFFFC00, v1;
	v1 =	vshrl.u32 v1, $0x7;
	v2 =	vand.u32 $0x3F8, v2  }
0x4f: {  	v1 =	vand.u32 $0x7, v1;
	v2 =	vor.u32 v3, v2  }
0x50: {  	v1 =	vor.u32 v1, v2  }
0x51: {  	[tilespmem:s28+$0x100] =	vst v1;
	s28 =	sshra.s32 s29, $0x2;
	s29 =	sadd.s32 $0x40, s29  }
0x52: {  	v1 =	vld [tilespmem:s28+$0x100];
	_ =	sdelay $0x4  }
0x53: {  	v2 =	vshll.u32 v1, $0x3  }
0x54: {  	v3 =	vand.u32 $0xFFFFFC00, v1;
	v1 =	vshrl.u32 v1, $0x7;
	v2 =	vand.u32 $0x3F8, v2  }
0x55: {  	v1 =	vand.u32 $0x7, v1;
	v2 =	vor.u32 v3, v2  }
0x56: {  	v1 =	vor.u32 v1, v2  }
0x57: {  	[tilespmem:s28+$0x100] =	vst v1;
	s28 =	simm.s32 $0x0  }
0x58: {  	[tilespmem:s14], [sflag:$0x1] =	stream.indirect.gather [hbm4b:s3+s12], $0x10, s28, s12, $0xb8;
	[tilespmem:$0xBC00] =	vst v63  }
0x59: {  	_ = 	snop  }
0x5a: {  	[tilespmem:s15], [sflag:$0x1] =	stream.indirect.gather [hbm4b:s4+s12], $0x10, s12, s12, $0xb8;
	[tilespmem:$0xBC00] =	vst v63  }
0x5b: {  	_ = 	snop  }
0x5c: {  	[tilespmem:s16], [sflag:$0x1] =	stream.indirect.gather [hbm4b:s4+s12], $0x10, s13, s12, $0xb8;
	[tilespmem:$0xBC00] =	vst v63  }
0x5d: {  	s29 =	simm.s32 $0x180;
	s30 =	simm.s32 $0x2300  }
0x5e: {  	[tilespmem:s30], [sflag:$0x1] =	stream.indirect.gather [hbm4b:s4+s12], $0x10, s29, s12, $0xb8;
	[tilespmem:$0xBC00] =	vst v63  }
0x5f: {  	s29 =	simm.s32 $0x200;
	s30 =	simm.s32 $0x2B00  }
0x60: {  	[tilespmem:s30], [sflag:$0x1] =	stream.indirect.gather [hbm4b:s4+s12], $0x10, s29, s12, $0xb8;
	[tilespmem:$0xBC00] =	vst v63  }
0x61: {  	s29 =	simm.s32 $0x280;
	s30 =	simm.s32 $0x3300  }
0x62: {  	[tilespmem:s30], [sflag:$0x1] =	stream.indirect.gather [hbm4b:s4+s12], $0x10, s29, s12, $0xb8;
	[tilespmem:$0xBC00] =	vst v63  }
0x63: {  	s29 =	simm.s32 $0x300;
	s30 =	simm.s32 $0x3B00  }
0x64: {  	[tilespmem:s30], [sflag:$0x1] =	stream.indirect.gather [hbm4b:s4+s12], $0x10, s29, s12, $0xb8;
	[tilespmem:$0xBC00] =	vst v63  }
0x65: {  	s29 =	simm.s32 $0x380;
	s30 =	simm.s32 $0x4300  }
0x66: {  	[tilespmem:s30], [sflag:$0x1] =	stream.indirect.gather [hbm4b:s4+s12], $0x10, s29, s12, $0xb8;
	[tilespmem:$0xBC00] =	vst v63  }
0x67: {  	s29 =	simm.s32 $0x400;
	s30 =	simm.s32 $0x4B00  }
0x68: {  	[tilespmem:s30], [sflag:$0x1] =	stream.indirect.gather [hbm4b:s4+s12], $0x10, s29, s12, $0xb8;
	[tilespmem:$0xBC00] =	vst v63  }
0x69: {  	s29 =	simm.s32 $0x480;
	s30 =	simm.s32 $0x5300  }
0x6a: {  	[tilespmem:s30], [sflag:$0x1] =	stream.indirect.gather [hbm4b:s4+s12], $0x10, s29, s12, $0xb8;
	[tilespmem:$0xBC00] =	vst v63  }
0x6b: {  	s29 =	simm.s32 $0x500;
	s30 =	simm.s32 $0x5B00  }
0x6c: {  	[tilespmem:s30], [sflag:$0x1] =	stream.indirect.gather [hbm4b:s4+s12], $0x10, s29, s12, $0xb8;
	[tilespmem:$0xBC00] =	vst v63  }
0x6d: {  	s29 =	simm.s32 $0x580;
	s30 =	simm.s32 $0x6300  }
0x6e: {  	[tilespmem:s30], [sflag:$0x1] =	stream.indirect.gather [hbm4b:s4+s12], $0x10, s29, s12, $0xb8;
	[tilespmem:$0xBC00] =	vst v63  }
0x6f: {  	s29 =	simm.s32 $0x600;
	s30 =	simm.s32 $0x6B00  }
0x70: {  	[tilespmem:s30], [sflag:$0x1] =	stream.indirect.gather [hbm4b:s4+s12], $0x10, s29, s12, $0xb8;
	[tilespmem:$0xBC00] =	vst v63  }
0x71: {  	s29 =	simm.s32 $0x680;
	s30 =	simm.s32 $0x7300  }
0x72: {  	[tilespmem:s30], [sflag:$0x1] =	stream.indirect.gather [hbm4b:s4+s12], $0x10, s29, s12, $0xb8;
	[tilespmem:$0xBC00] =	vst v63  }
0x73: {  	s29 =	simm.s32 $0x700;
	s30 =	simm.s32 $0x7B00  }
0x74: {  	[tilespmem:s30], [sflag:$0x1] =	stream.indirect.gather [hbm4b:s4+s12], $0x10, s29, s12, $0xb8;
	[tilespmem:$0xBC00] =	vst v63  }
0x75: {  	s29 =	simm.s32 $0x780;
	s30 =	simm.s32 $0x8300  }
0x76: {  	[tilespmem:s30], [sflag:$0x1] =	stream.indirect.gather [hbm4b:s4+s12], $0x10, s29, s12, $0xb8;
	[tilespmem:$0xBC00] =	vst v63  }
0x77: {  	s29 =	simm.s32 $0x800;
	s30 =	simm.s32 $0x8B00  }
0x78: {  	[tilespmem:s30], [sflag:$0x1] =	stream.indirect.gather [hbm4b:s4+s12], $0x10, s29, s12, $0xb8;
	[tilespmem:$0xBC00] =	vst v63  }
0x79: {  	s29 =	simm.s32 $0x880  }
0x7a: {  	[tilespmem:s31], [sflag:$0x1] =	stream.indirect.gather [hbm4b:s4+s12], $0x10, s29, s12, $0xb8;
	[tilespmem:$0xBC00] =	vst v63  }
0x7b: {  	_ = 	snop  }
0x7c: {  	[tilespmem:s0], [sflag:$0x1] =	stream.indirect.gather [hbm4b:s4+s12], $0x10, s1, s12, $0xb8;
	[tilespmem:$0xBC00] =	vst v63  }
0x7d: {  	_ = 	snop  }
0x7e: {  	[tilespmem:s18], [sflag:$0x1] =	stream.indirect.gather [hbm4b:s4+s12], $0x10, s17, s12, $0xb8;
	[tilespmem:$0xBC00] =	vst v63  }
0x7f: {  	_ = 	snop  }
0x80: {  	[tilespmem:s20], [sflag:$0x1] =	stream.indirect.gather [hbm4b:s4+s12], $0x10, s19, s12, $0xb8;
	[tilespmem:$0xBC00] =	vst v63  }
0x81: {  	_ = 	snop  }
0x82: {  	[tilespmem:s22], [sflag:$0x1] =	stream.indirect.gather [hbm4b:s4+s12], $0x10, s21, s12, $0xb8;
	[tilespmem:$0xBC00] =	vst v63  }
0x83: {  	_ =	swait.ge [sflag:s23], $0x800  }
0x84: {  	[sflag:s23] =	ssyncset.done $0x0  }
0x85: {  	[sflag:s23] =	ssyncadd.s32 $0xFFFFF800  }
0x86: {  	_ =	swait.ge [sflag:s23], $0x800  }
0x87: {  	[sflag:s23] =	ssyncset.done $0x0  }
0x88: {  	[sflag:s23] =	ssyncadd.s32 $0xFFFFF800  }
0x89: {  	_ =	swait.ge [sflag:s23], $0x800  }
0x8a: {  	[sflag:s23] =	ssyncset.done $0x0  }
0x8b: {  	[sflag:s23] =	ssyncadd.s32 $0xFFFFF800  }
0x8c: {  	_ =	swait.ge [sflag:s23], $0x800  }
0x8d: {  	[sflag:s23] =	ssyncset.done $0x0  }
0x8e: {  	[sflag:s23] =	ssyncadd.s32 $0xFFFFF800  }
0x8f: {  	_ =	swait.ge [sflag:s23], $0x800  }
0x90: {  	[sflag:s23] =	ssyncset.done $0x0  }
0x91: {  	[sflag:s23] =	ssyncadd.s32 $0xFFFFF800  }
0x92: {  	_ =	swait.ge [sflag:s23], $0x800  }
0x93: {  	[sflag:s23] =	ssyncset.done $0x0  }
0x94: {  	[sflag:s23] =	ssyncadd.s32 $0xFFFFF800  }
0x95: {  	_ =	swait.ge [sflag:s23], $0x800  }
0x96: {  	[sflag:s23] =	ssyncset.done $0x0  }
0x97: {  	[sflag:s23] =	ssyncadd.s32 $0xFFFFF800  }
0x98: {  	_ =	swait.ge [sflag:s23], $0x800  }
0x99: {  	[sflag:s23] =	ssyncset.done $0x0  }
0x9a: {  	[sflag:s23] =	ssyncadd.s32 $0xFFFFF800  }
0x9b: {  	_ =	swait.ge [sflag:s23], $0x800  }
0x9c: {  	[sflag:s23] =	ssyncset.done $0x0  }
0x9d: {  	[sflag:s23] =	ssyncadd.s32 $0xFFFFF800  }
0x9e: {  	_ =	swait.ge [sflag:s23], $0x800  }
0x9f: {  	[sflag:s23] =	ssyncset.done $0x0  }
0xa0: {  	[sflag:s23] =	ssyncadd.s32 $0xFFFFF800  }
0xa1: {  	_ =	swait.ge [sflag:s23], $0x800  }
0xa2: {  	[sflag:s23] =	ssyncset.done $0x0  }
0xa3: {  	[sflag:s23] =	ssyncadd.s32 $0xFFFFF800  }
0xa4: {  	_ =	swait.ge [sflag:s23], $0x800  }
0xa5: {  	[sflag:s23] =	ssyncset.done $0x0  }
0xa6: {  	[sflag:s23] =	ssyncadd.s32 $0xFFFFF800  }
0xa7: {  	_ =	swait.ge [sflag:s23], $0x800  }
0xa8: {  	[sflag:s23] =	ssyncset.done $0x0  }
0xa9: {  	[sflag:s23] =	ssyncadd.s32 $0xFFFFF800  }
0xaa: {  	_ =	swait.ge [sflag:s23], $0x800  }
0xab: {  	[sflag:s23] =	ssyncset.done $0x0  }
0xac: {  	[sflag:s23] =	ssyncadd.s32 $0xFFFFF800  }
0xad: {  	_ =	swait.ge [sflag:s23], $0x800  }
0xae: {  	[sflag:s23] =	ssyncset.done $0x0  }
0xaf: {  	[sflag:s23] =	ssyncadd.s32 $0xFFFFF800  }
0xb0: {  	_ =	swait.ge [sflag:s23], $0x800  }
0xb1: {  	[sflag:s23] =	ssyncset.done $0x0  }
0xb2: {  	[sflag:s23] =	ssyncadd.s32 $0xFFFFF800  }
0xb3: {  	_ =	swait.ge [sflag:s23], $0x800  }
0xb4: {  	[sflag:s23] =	ssyncset.done $0x0  }
0xb5: {  	[sflag:s23] =	ssyncadd.s32 $0xFFFFF800  }
0xb6: {  	_ =	swait.ge [sflag:s23], $0x800  }
0xb7: {  	[sflag:s23] =	ssyncset.done $0x0  }
0xb8: {  	[sflag:s23] =	ssyncadd.s32 $0xFFFFF800  }
0xb9: {  	_ =	swait.ge [sflag:s23], $0x800  }
0xba: {  	[sflag:s23] =	ssyncset.done $0x0  }
0xbb: {  	[sflag:s23] =	ssyncadd.s32 $0xFFFFF800  }
0xbc: {  	_ =	swait.ge [sflag:s23], $0x800  }
0xbd: {  	[sflag:s23] =	ssyncset.done $0x0  }
0xbe: {  	[sflag:s23] =	ssyncadd.s32 $0xFFFFF800  }
0xbf: {  	_ =	swait.ge [sflag:s23], $0x800  }
0xc0: {  	[sflag:s23] =	ssyncset.done $0x0  }
0xc1: {  	[sflag:s23] =	ssyncadd.s32 $0xFFFFF800  }
0xc2: {  	_ =	swait.ge [sflag:s23], $0x800  }
0xc3: {  	[sflag:s23] =	ssyncset.done $0x0  }
0xc4: {  	s30 =	simm.s32 $0xBB80;
	s29 =	simm.s32 $0xBB00;
	[sflag:s23] =	ssyncadd.s32 $0xFFFFF800  }
.LBB2_4:
0xc5: {  	v1 =	vor.u32 s28, v0  }
0xc6: {  	v33 =	vshll.u32 v1, $0x4  }
0xc7: {  	v32 =	vor.u32 $0x1, v33  }
0xc8: {  	v30 =	vor.u32 $0x2, v33  }
0xc9: {  	v28 =	vor.u32 $0x3, v33  }
0xca: {  	v26 =	vor.u32 $0x4, v33  }
0xcb: {  	v23 =	vor.u32 $0x5, v33;
	v31 =	vld.idx.msk [tilespmem:v33+s14+$0x0], $0xffff  }
0xcc: {  	v25 =	vmul.u32 $0x140, v1;
	v21 =	vor.u32 $0x6, v33;
	v29 =	vld.idx.msk [tilespmem:v32+s14+$0x0], $0xffff  }
0xcd: {  	v27 =	vld.idx.msk [tilespmem:v30+s14+$0x0], $0xffff  }
0xce: {  	v20 =	vor.u32 $0x7, v33;
	v24 =	vld.idx.msk [tilespmem:v28+s14+$0x0], $0xffff  }
0xcf: {  	v18 =	vor.u32 $0x8, v33;
	v22 =	vld.idx.msk [tilespmem:v26+s14+$0x0], $0xffff  }
0xd0: {  	v16 =	vor.u32 $0x9, v33;
	v19 =	vld.idx.msk [tilespmem:v23+s14+$0x0], $0xffff  }
0xd1: {  	v1 =	vor.u32 $0x1, v25;
	v17 =	vld.idx.msk [tilespmem:v21+s14+$0x0], $0xffff  }
0xd2: {  	v2 =	vor.u32 $0x2, v25;
	v3 =	vld.idx.msk [tilespmem:v25+s16+$0x0], $0xffff  }
0xd3: {  	v4 =	vor.u32 $0x3, v25;
	v15 =	vld.idx.msk [tilespmem:v20+s14+$0x0], $0xffff  }
0xd4: {  	v13 =	vor.u32 $0xA, v33;
	v12 =	vld.idx.msk [tilespmem:v18+s14+$0x0], $0xffff  }
0xd5: {  	v7 =	vor.u32 $0x4, v25;
	v6 =	vld.idx.msk [tilespmem:v16+s14+$0x0], $0xffff  }
0xd6: {  	v10 =	vor.u32 $0x5, v25;
	v5 =	vld.idx.msk [tilespmem:v1+s16+$0x0], $0xffff  }
0xd7: {  	v34 =	vor.u32 $0x6, v25;
	v8 =	vld.idx.msk [tilespmem:v2+s16+$0x0], $0xffff  }
0xd8: {  	v36 =	vor.u32 $0x7, v25;
	v11 =	vld.idx.msk [tilespmem:v4+s16+$0x0], $0xffff  }
0xd9: {  	v38 =	vor.u32 $0x8, v25;
	v1 =	vld.idx.msk [tilespmem:v13+s14+$0x0], $0xffff  }
0xda: {  	v39 =	vor.u32 $0x9, v25;
	v35 =	vld.idx.msk [tilespmem:v7+s16+$0x0], $0xffff  }
0xdb: {  	v40 =	vor.u32 $0x10, v25;
	v37 =	vld.idx.msk [tilespmem:v10+s16+$0x0], $0xffff  }
0xdc: {  	v41 =	vor.u32 $0xA, v25;
	v34 =	vld.idx.msk [tilespmem:v34+s16+$0x0], $0xffff  }
0xdd: {  	v42 =	vor.u32 $0x11, v25;
	v36 =	vld.idx.msk [tilespmem:v36+s16+$0x0], $0xffff;
	v2 =	vmul.f32 v3, v31  }
0xde: {  	v43 =	vor.u32 $0x12, v25;
	v38 =	vld.idx.msk [tilespmem:v38+s16+$0x0], $0xffff  }
0xdf: {  	v44 =	vor.u32 $0x13, v25;
	v39 =	vld.idx.msk [tilespmem:v39+s16+$0x0], $0xffff;
	v14 =	vmul.f32 v5, v29;
	v60 =	vadd.f32 $0.0e+00, v2  }
0xe0: {  	v45 =	vor.u32 $0x14, v25;
	v40 =	vld.idx.msk [tilespmem:v40+s16+$0x0], $0xffff  }
0xe1: {  	v49 =	vor.u32 $0xC, v25;
	v41 =	vld.idx.msk [tilespmem:v41+s16+$0x0], $0xffff;
	v62 =	vmul.f32 v8, v27;
	v61 =	vadd.f32 v14, v60  }
0xe2: {  	v51 =	vor.u32 $0xD, v25;
	v42 =	vld.idx.msk [tilespmem:v42+s16+$0x0], $0xffff  }
0xe3: {  	v53 =	vor.u32 $0xE, v25;
	v43 =	vld.idx.msk [tilespmem:v43+s16+$0x0], $0xffff;
	v11 =	vmul.f32 v11, v24;
	v14 =	vadd.f32 v62, v61  }
0xe4: {  	v9 =	vor.u32 $0xB, v33;
	v55 =	vor.u32 $0xF, v25;
	v44 =	vld.idx.msk [tilespmem:v44+s16+$0x0], $0xffff  }
0xe5: {  	v63 =	vor.u32 $0xB, v25;
	v57 =	vld.idx.msk [tilespmem:v45+s16+$0x0], $0xffff;
	v35 =	vmul.f32 v35, v22;
	v14 =	vadd.f32 v11, v14  }
0xe6: {  	v46 =	vor.u32 $0x15, v25;
	v3 =	vor.u32 $0xC, v33;
	v48 =	vmul.f32 v36, v15;
	v36 =	vld.idx.msk [tilespmem:v49+s16+$0x0], $0xffff  }
0xe7: {  	v37 =	vmul.f32 v37, v19;
	v50 =	vmul.f32 v38, v12;
	v38 =	vld.idx.msk [tilespmem:v51+s16+$0x0], $0xffff;
	v35 =	vadd.f32 v35, v14  }
0xe8: {  	v5 =	vor.u32 $0xD, v33;
	v52 =	vmul.f32 v39, v6;
	v40 =	vmul.f32 v40, v31;
	v39 =	vld.idx.msk [tilespmem:v53+s16+$0x0], $0xffff  }
0xe9: {  	v34 =	vmul.f32 v34, v17;
	v54 =	vmul.f32 v41, v1;
	v41 =	vld.idx.msk [tilespmem:v55+s16+$0x0], $0xffff;
	v35 =	vadd.f32 v37, v35  }
0xea: {  	v47 =	vor.u32 $0x16, v25;
	v42 =	vmul.f32 v42, v29;
	v2 =	vld.idx.msk [tilespmem:v9+s14+$0x0], $0xffff;
	v40 =	vadd.f32 $0.0e+00, v40  }
0xeb: {  	v51 =	vor.u32 $0x20, v25;
	v37 =	vld.idx.msk [tilespmem:v63+s16+$0x0], $0xffff;
	v34 =	vadd.f32 v34, v35  }
0xec: {  	v8 =	vor.u32 $0xE, v33;
	v58 =	vmul.f32 v43, v27;
	v4 =	vld.idx.msk [tilespmem:v3+s14+$0x0], $0xffff;
	v40 =	vadd.f32 v42, v40  }
0xed: {  	v55 =	vor.u32 $0x21, v25;
	v61 =	vld.idx.msk [tilespmem:v46+s16+$0x0], $0xffff;
	v34 =	vadd.f32 v48, v34  }
0xee: {  	v10 =	vor.u32 $0xF, v33;
	v7 =	vld.idx.msk [tilespmem:v5+s14+$0x0], $0xffff;
	v40 =	vadd.f32 v58, v40;
	v63 =	vmul.f32 v44, v24  }
0xef: {  	v59 =	vor.u32 $0x17, v25;
	v62 =	vor.u32 $0x18, v25;
	v34 =	vadd.f32 v50, v34;
	v50 =	vld.idx.msk [tilespmem:v47+s16+$0x0], $0xffff  }
0xf0: {  	v46 =	vld.idx.msk [tilespmem:v51+s16+$0x0], $0xffff;
	v40 =	vadd.f32 v63, v40;
	v56 =	vmul.f32 v37, v2;
	v37 =	vmul.f32 v57, v22  }
0xf1: {  	v51 =	vor.u32 $0x1D, v25;
	v11 =	vld.idx.msk [tilespmem:v8+s14+$0x0], $0xffff;
	v60 =	vmul.f32 v36, v4;
	v34 =	vadd.f32 v52, v34  }
0xf2: {  	v43 =	vld.idx.msk [tilespmem:v55+s16+$0x0], $0xffff;
	v36 =	vmul.f32 v61, v19;
	v48 =	vor.u32 $0x19, v25;
	v37 =	vadd.f32 v37, v40  }
0xf3: {  	v14 =	vld.idx.msk [tilespmem:v10+s14+$0x0], $0xffff;
	v52 =	vor.u32 $0x1A, v25;
	v34 =	vadd.f32 v54, v34  }
0xf4: {  	v57 =	vor.u32 $0x1B, v25;
	v36 =	vadd.f32 v36, v37;
	v54 =	vld.idx.msk [tilespmem:v59+s16+$0x0], $0xffff;
	v61 =	vmul.f32 v50, v17  }
0xf5: {  	v34 =	vadd.f32 v56, v34;
	v56 =	vld.idx.msk [tilespmem:v62+s16+$0x0], $0xffff;
	v62 =	vor.u32 $0x1C, v25  }
0xf6: {  	v53 =	vmul.f32 v39, v11;
	v39 =	vld.idx.msk [tilespmem:v51+s16+$0x0], $0xffff;
	v36 =	vadd.f32 v61, v36;
	v61 =	vor.u32 $0x30, v25  }
0xf7: {  	v49 =	vmul.f32 v38, v7;
	v59 =	vld.idx.msk [tilespmem:v48+s16+$0x0], $0xffff;
	v34 =	vadd.f32 v60, v34;
	v60 =	vor.u32 $0x22, v25  }
0xf8: {  	v63 =	vld.idx.msk [tilespmem:v52+s16+$0x0], $0xffff;
	v52 =	vor.u32 $0x24, v25  }
0xf9: {  	v45 =	vld.idx.msk [tilespmem:v57+s16+$0x0], $0xffff;
	v57 =	vor.u32 $0x25, v25;
	v34 =	vadd.f32 v49, v34  }
0xfa: {  	v43 =	vmul.f32 v43, v29;
	v50 =	vmul.f32 v54, v15;
	v54 =	vor.u32 $0x1E, v25;
	v55 =	vld.idx.msk [tilespmem:v62+s16+$0x0], $0xffff  }
0xfb: {  	v58 =	vmul.f32 v41, v14;
	v49 =	vor.u32 $0x23, v25;
	v34 =	vadd.f32 v53, v34;
	v47 =	vld.idx.msk [tilespmem:v61+s16+$0x0], $0xffff  }
0xfc: {  	v48 =	vor.u32 $0x26, v25;
	v36 =	vadd.f32 v50, v36;
	v53 =	vmul.f32 v56, v12;
	v44 =	vld.idx.msk [tilespmem:v60+s16+$0x0], $0xffff  }
0xfd: {  	v60 =	vld.idx.msk [tilespmem:v52+s16+$0x0], $0xffff;
	v34 =	vadd.f32 v58, v34;
	v58 =	vmul.f32 v59, v6;
	v59 =	vor.u32 $0x1F, v25  }
0xfe: {  	v56 =	vmul.f32 v46, v31;
	v35 =	vmul.f32 v63, v1;
	v63 =	vor.u32 $0x27, v25;
	v52 =	vld.idx.msk [tilespmem:v57+s16+$0x0], $0xffff  }
0xff: {  	v36 =	vadd.f32 v53, v36;
	v40 =	vld.idx.msk [tilespmem:v54+s16+$0x0], $0xffff;
	v53 =	vor.u32 $0x31, v25;
	v34 =	vmul.f32 $1.442695020e+00, v34  }
0x100: {  	v51 =	vmul.f32 v45, v2;
	v38 =	vadd.f32 $0.0e+00, v56;
	v54 =	vor.u32 $0x28, v25;
	v42 =	vld.idx.msk [tilespmem:v49+s16+$0x0], $0xffff  }
0x101: {  	v56 =	vor.u32 $0x32, v25;
	(erf) = vpow2.f32 v34;
	v34 =	vmul.f32 v55, v4;
	v55 =	vld.idx.msk [tilespmem:v48+s16+$0x0], $0xffff  }
0x102: {  	v57 =	vor.u32 $0x29, v25;
	v49 =	vor.u32 $0x36, v25;
	v36 =	vadd.f32 v58, v36;
	v41 =	vld.idx.msk [tilespmem:v59+s16+$0x0], $0xffff  }
0x103: {  	v38 =	vadd.f32 v43, v38;
	v58 =	vmul.f32 v39, v7;
	v62 =	vmul.f32 v44, v27;
	v59 =	vld.idx.msk [tilespmem:v63+s16+$0x0], $0xffff  }
0x104: {  	v35 =	vadd.f32 v35, v36;
	v37 =	vmul.f32 v60, v22;
	v60 =	vor.u32 $0x33, v25;
	v46 =	vld.idx.msk [tilespmem:v53+s16+$0x0], $0xffff  }
0x105: {  	v61 =	vmul.f32 v52, v19;
	v52 =	vld.idx.msk [tilespmem:v54+s16+$0x0], $0xffff;
	v38 =	vadd.f32 v62, v38;
	v42 =	vmul.f32 v42, v24  }
0x106: {  	v53 =	vor.u32 $0x34, v25;
	v48 =	vld.idx.msk [tilespmem:v56+s16+$0x0], $0xffff;
	v56 =	vmul.f32 v47, v31;
	v35 =	vadd.f32 v51, v35  }
0x107: {  	v63 =	vmul.f32 v40, v11;
	v54 =	vor.u32 $0x2B, v25;
	v38 =	vadd.f32 v42, v38  }
0x108: {  	v62 =	vor.u32 $0x2A, v25;
	v49 =	vld.idx.msk [tilespmem:v49+s16+$0x0], $0xffff;
	v34 =	vadd.f32 v34, v35;
	v42 =	vadd.f32 $0.0e+00, v56  }
0x109: {  	v56 =	vor.u32 $0x39, v25;
	v36 =	vmul.f32 v55, v17;
	v55 =	vld.idx.msk [tilespmem:v57+s16+$0x0], $0xffff;
	v57 =	vor.u32 $0x35, v25  }
0x10a: {  	v44 =	vld.idx.msk [tilespmem:v60+s16+$0x0], $0xffff;
	v37 =	vadd.f32 v37, v38;
	v34 =	vadd.f32 v58, v34;
	v58 =	vmul.f32 v59, v15  }
0x10b: {  	v59 =	vor.u32 $0x2C, v25;
	v46 =	vmul.f32 v46, v29;
	v60 =	vmul.f32 v52, v12;
	v43 =	vld.idx.msk [tilespmem:v53+s16+$0x0], $0xffff  }
0x10c: {  	v38 =	vld.idx.msk [tilespmem:v54+s16+$0x0], $0xffff;
	v52 =	vor.u32 $0x2E, v25;
	v53 =	vor.u32 $0x38, v25;
	v41 =	vmul.f32 v41, v14  }
0x10d: {  	v45 =	vld.idx.msk [tilespmem:v62+s16+$0x0], $0xffff;
	v62 =	vmul.f32 v48, v27;
	v48 =	vmul.f32 v49, v17;
	v37 =	vadd.f32 v61, v37  }
0x10e: {  	v34 =	vadd.f32 v63, v34;
	v42 =	vadd.f32 v46, v42;
	v63 =	vor.u32 $0x37, v25  }
0x10f: {  	v49 =	vor.u32 $0x3B, v25;
	v61 =	vor.u32 $0x2D, v25;
	v36 =	vadd.f32 v36, v37;
	v47 =	vld.idx.msk [tilespmem:v57+s16+$0x0], $0xffff  }
0x110: {  	v35 =	vmul.f32 v55, v6;
	v42 =	vadd.f32 v62, v42;
	v55 =	vor.u32 $0x2F, v25;
	v39 =	vld.idx.msk [tilespmem:v59+s16+$0x0], $0xffff  }
0x111: {  	v44 =	vmul.f32 v44, v24;
	v34 =	vadd.f32 v41, v34;
	v37 =	vld.idx.msk [tilespmem:v52+s16+$0x0], $0xffff;
	v36 =	vadd.f32 v58, v36  }
0x112: {  	v43 =	vmul.f32 v43, v22;
	v57 =	vmul.f32 v38, v2;
	v62 =	vld.idx.msk [tilespmem:v53+s16+$0x0], $0xffff;
	v52 =	vadd.s32 $0x40, v25  }
0x113: {  	v53 =	vor.u32 $0x3C, v25;
	v42 =	vadd.f32 v44, v42;
	v58 =	vld.idx.msk [tilespmem:v63+s16+$0x0], $0xffff;
	v36 =	vadd.f32 v60, v36  }
0x114: {  	v51 =	vld.idx.msk [tilespmem:v56+s16+$0x0], $0xffff;
	v54 =	vmul.f32 v45, v1;
	v34 =	vmul.f32 $1.442695020e+00, v34;
	v60 =	vor.u32 $0x3A, v25  }
0x115: {  	v42 =	vadd.f32 v43, v42;
	v59 =	vmul.f32 v47, v19;
	v63 =	vld.idx.msk [tilespmem:v55+s16+$0x0], $0xffff;
	v35 =	vadd.f32 v35, v36  }
0x116: {  	v56 =	vadd.s32 $0x41, v25;
	v40 =	vld.idx.msk [tilespmem:v61+s16+$0x0], $0xffff;
	(erf) = vpow2.f32 v34;
	v61 =	vmul.f32 v39, v4  }
0x117: {  	v39 =	vmul.f32 v62, v12;
	v44 =	vld.idx.msk [tilespmem:v52+s16+$0x0], $0xffff;
	v42 =	vadd.f32 v59, v42;
	v35 =	vadd.f32 v54, v35  }
0x118: {  	v62 =	vor.u32 $0x3E, v25;
	v59 =	vld.idx.msk [tilespmem:v49+s16+$0x0], $0xffff;
	v49 =	vor.u32 $0x3F, v25;
	v38 =	vmul.f32 v58, v15  }
0x119: {  	v52 =	vpop (erf);
	v42 =	vadd.f32 v48, v42;
	v55 =	vld.idx.msk [tilespmem:v60+s16+$0x0], $0xffff;
	v35 =	vadd.f32 v57, v35;
	v57 =	vor.u32 $0x3D, v25  }
0x11a: {  	v45 =	vadd.f32 $0.0e+00, v52;
	v48 =	vadd.s32 $0x43, v25;
	v58 =	vmul.f32 v63, v14;
	v63 =	vld.idx.msk [tilespmem:v53+s16+$0x0], $0xffff  }
0x11b: {  	v50 =	vmul.f32 v40, v7;
	v60 =	vadd.s32 $0x42, v25;
	v38 =	vadd.f32 v38, v42  }
0x11c: {  	v46 =	vld.idx.msk [tilespmem:v56+s16+$0x0], $0xffff;
	v35 =	vadd.f32 v61, v35;
	v61 =	vmul.f32 v51, v6;
	v51 =	vadd.s32 $0x44, v25  }
0x11d: {  	v54 =	vmul.f32 v37, v11;
	v40 =	vld.idx.msk [tilespmem:v62+s16+$0x0], $0xffff;
	v44 =	vmul.f32 v44, v31;
	v38 =	vadd.f32 v39, v38  }
0x11e: {  	v35 =	vadd.f32 v50, v35;
	v37 =	vmul.f32 v55, v1;
	v55 =	vadd.s32 $0x45, v25;
	v50 =	vld.idx.msk [tilespmem:v57+s16+$0x0], $0xffff  }
0x11f: {  	v53 =	vmul.f32 v59, v2;
	v36 =	vmul.f32 v63, v4;
	v57 =	vld.idx.msk [tilespmem:v48+s16+$0x0], $0xffff;
	v63 =	vadd.s32 $0x50, v25  }
0x120: {  	v38 =	vadd.f32 v61, v38;
	v61 =	vadd.s32 $0x46, v25;
	v35 =	vadd.f32 v54, v35;
	v54 =	vld.idx.msk [tilespmem:v60+s16+$0x0], $0xffff  }
0x121: {  	v59 =	vadd.f32 $0.0e+00, v44;
	v60 =	vmul.f32 v46, v29;
	v62 =	vld.idx.msk [tilespmem:v51+s16+$0x0], $0xffff;
	v51 =	vadd.s32 $0x51, v25  }
0x122: {  	v52 =	vadd.s32 $0x48, v25;
	v48 =	vadd.s32 $0x47, v25;
	v35 =	vadd.f32 v58, v35;
	v58 =	vld.idx.msk [tilespmem:v49+s16+$0x0], $0xffff  }
0x123: {  	v37 =	vadd.f32 v37, v38;
	v39 =	vadd.f32 v60, v59;
	v34 =	vmul.f32 v50, v7;
	v50 =	vld.idx.msk [tilespmem:v55+s16+$0x0], $0xffff  }
0x124: {  	v49 =	vmul.f32 v40, v11;
	v59 =	vadd.s32 $0x53, v25;
	v35 =	vmul.f32 $1.442695020e+00, v35;
	v42 =	vld.idx.msk [tilespmem:v63+s16+$0x0], $0xffff  }
0x125: {  	v56 =	vadd.f32 v53, v37;
	v37 =	vmul.f32 v57, v24;
	v41 =	vmul.f32 v54, v27;
	v54 =	vld.idx.msk [tilespmem:v61+s16+$0x0], $0xffff  }
0x126: {  	v55 =	vadd.s32 $0x52, v25;
	v57 =	vadd.s32 $0x49, v25;
	v63 =	vadd.s32 $0x54, v25;
	v46 =	vld.idx.msk [tilespmem:v51+s16+$0x0], $0xffff  }
0x127: {  	(erf) = vpow2.f32 v35;
	v35 =	vadd.f32 v36, v56;
	v53 =	vmul.f32 v58, v14;
	v58 =	vld.idx.msk [tilespmem:v48+s16+$0x0], $0xffff  }
0x128: {  	v36 =	vmul.f32 v62, v22;
	v62 =	vadd.s32 $0x4A, v25;
	v39 =	vadd.f32 v41, v39;
	v41 =	vld.idx.msk [tilespmem:v52+s16+$0x0], $0xffff  }
0x129: {  	v56 =	vpop (erf);
	v52 =	vadd.s32 $0x4B, v25;
	v43 =	vld.idx.msk [tilespmem:v59+s16+$0x0], $0xffff;
	v59 =	vadd.s32 $0x4D, v25;
	v34 =	vadd.f32 v34, v35  }
0x12a: {  	v45 =	vadd.f32 v56, v45;
	v56 =	vadd.s32 $0x4C, v25;
	v37 =	vadd.f32 v37, v39  }
0x12b: {  	v61 =	vmul.f32 v50, v19;
	v44 =	vld.idx.msk [tilespmem:v55+s16+$0x0], $0xffff;
	v55 =	vadd.s32 $0x55, v25;
	v50 =	vadd.s32 $0x66, v25  }
0x12c: {  	v47 =	vld.idx.msk [tilespmem:v63+s16+$0x0], $0xffff;
	v34 =	vadd.f32 v49, v34;
	v51 =	vmul.f32 v54, v17;
	v54 =	vmul.f32 v42, v31  }
0x12d: {  	v36 =	vadd.f32 v36, v37;
	v40 =	vld.idx.msk [tilespmem:v62+s16+$0x0], $0xffff;
	v46 =	vmul.f32 v46, v29;
	v62 =	vadd.s32 $0x58, v25  }
0x12e: {  	v34 =	vadd.f32 v53, v34;
	v53 =	vld.idx.msk [tilespmem:v57+s16+$0x0], $0xffff;
	v35 =	vmul.f32 v58, v15;
	v57 =	vadd.s32 $0x56, v25  }
0x12f: {  	v39 =	vadd.f32 $0.0e+00, v54;
	v58 =	vmul.f32 v41, v12;
	v38 =	vld.idx.msk [tilespmem:v52+s16+$0x0], $0xffff;
	v52 =	vadd.s32 $0x4F, v25  }
0x130: {  	v41 =	vld.idx.msk [tilespmem:v59+s16+$0x0], $0xffff;
	v54 =	vadd.s32 $0x59, v25;
	v36 =	vadd.f32 v61, v36;
	v61 =	vadd.s32 $0x4E, v25  }
0x131: {  	v37 =	vld.idx.msk [tilespmem:v56+s16+$0x0], $0xffff;
	v34 =	vmul.f32 $1.442695020e+00, v34;
	v39 =	vadd.f32 v46, v39;
	v44 =	vmul.f32 v44, v27;
	v60 =	vpop (erf)  }
0x132: {  	v42 =	vld.idx.msk [tilespmem:v55+s16+$0x0], $0xffff;
	v36 =	vadd.f32 v51, v36;
	v45 =	vadd.f32 v60, v45;
	v60 =	vadd.s32 $0x57, v25  }
0x133: {  	v43 =	vmul.f32 v43, v24;
	(erf) = vpow2.f32 v34;
	v39 =	vadd.f32 v44, v39;
	v48 =	vld.idx.msk [tilespmem:v57+s16+$0x0], $0xffff  }
0x134: {  	v63 =	vmul.f32 v40, v1;
	v35 =	vadd.f32 v35, v36;
	v34 =	vmul.f32 v53, v6;
	v40 =	vld.idx.msk [tilespmem:v52+s16+$0x0], $0xffff  }
0x135: {  	v53 =	vmul.f32 v47, v22;
	v57 =	vadd.s32 $0x60, v25;
	v52 =	vld.idx.msk [tilespmem:v54+s16+$0x0], $0xffff;
	v39 =	vadd.f32 v43, v39  }
0x136: {  	v55 =	vmul.f32 v38, v2;
	v36 =	vld.idx.msk [tilespmem:v61+s16+$0x0], $0xffff;
	v61 =	vadd.s32 $0x61, v25;
	v35 =	vadd.f32 v58, v35  }
0x137: {  	v42 =	vmul.f32 v42, v19;
	v58 =	vadd.s32 $0x5A, v25;
	v39 =	vadd.f32 v53, v39;
	v56 =	vld.idx.msk [tilespmem:v60+s16+$0x0], $0xffff  }
0x138: {  	v51 =	vmul.f32 v41, v7;
	v54 =	vadd.s32 $0x5C, v25;
	v34 =	vadd.f32 v34, v35;
	v60 =	vld.idx.msk [tilespmem:v62+s16+$0x0], $0xffff  }
0x139: {  	v59 =	vmul.f32 v37, v4;
	v53 =	vadd.s32 $0x62, v25;
	v39 =	vadd.f32 v42, v39  }
0x13a: {  	v62 =	vmul.f32 v48, v17;
	v46 =	vld.idx.msk [tilespmem:v57+s16+$0x0], $0xffff;
	v34 =	vadd.f32 v63, v34;
	v63 =	vadd.s32 $0x5B, v25  }
0x13b: {  	v57 =	vadd.s32 $0x5D, v25;
	v40 =	vmul.f32 v40, v14;
	v36 =	vmul.f32 v36, v11;
	v44 =	vld.idx.msk [tilespmem:v61+s16+$0x0], $0xffff  }
0x13c: {  	v39 =	vadd.f32 v62, v39;
	v43 =	vld.idx.msk [tilespmem:v58+s16+$0x0], $0xffff;
	v34 =	vadd.f32 v55, v34;
	v55 =	vadd.s32 $0x63, v25  }
0x13d: {  	v42 =	vld.idx.msk [tilespmem:v54+s16+$0x0], $0xffff;
	v37 =	vmul.f32 v60, v12;
	v60 =	vmul.f32 v52, v6;
	v52 =	vadd.s32 $0x5F, v25  }
0x13e: {  	v47 =	vld.idx.msk [tilespmem:v53+s16+$0x0], $0xffff;
	v38 =	vmul.f32 v56, v15;
	v34 =	vadd.f32 v59, v34;
	v59 =	vadd.s32 $0x64, v25  }
0x13f: {  	v61 =	vadd.s32 $0x5E, v25;
	v62 =	vadd.s32 $0x65, v25;
	v46 =	vmul.f32 v46, v31;
	v58 =	vld.idx.msk [tilespmem:v63+s16+$0x0], $0xffff  }
0x140: {  	v56 =	vpop (erf);
	v38 =	vadd.f32 v38, v39;
	v39 =	vld.idx.msk [tilespmem:v57+s16+$0x0], $0xffff;
	v44 =	vmul.f32 v44, v29;
	v35 =	vadd.f32 v51, v34  }
0x141: {  	v34 =	vadd.f32 v56, v45;
	v63 =	vmul.f32 v43, v1;
	v46 =	vadd.f32 $0.0e+00, v46;
	v49 =	vld.idx.msk [tilespmem:v55+s16+$0x0], $0xffff  }
0x142: {  	v56 =	vadd.s32 $0x67, v25;
	v37 =	vadd.f32 v37, v38;
	v35 =	vadd.f32 v36, v35;
	v43 =	vld.idx.msk [tilespmem:v52+s16+$0x0], $0xffff  }
0x143: {  	v54 =	vadd.f32 v44, v46;
	v52 =	vadd.s32 $0x70, v25;
	v53 =	vld.idx.msk [tilespmem:v59+s16+$0x0], $0xffff  }
0x144: {  	v55 =	vmul.f32 v47, v27;
	v37 =	vadd.f32 v60, v37;
	v35 =	vadd.f32 v40, v35;
	v40 =	vld.idx.msk [tilespmem:v61+s16+$0x0], $0xffff  }
0x145: {  	v57 =	vmul.f32 v42, v4;
	v59 =	vadd.s32 $0x68, v25;
	v36 =	vmul.f32 v58, v2;
	v58 =	vld.idx.msk [tilespmem:v62+s16+$0x0], $0xffff  }
0x146: {  	v41 =	vadd.f32 v55, v54;
	v61 =	vadd.s32 $0x69, v25;
	v37 =	vadd.f32 v63, v37;
	v63 =	vld.idx.msk [tilespmem:v50+s16+$0x0], $0xffff  }
0x147: {  	v62 =	vmul.f32 v39, v7;
	v55 =	vld.idx.msk [tilespmem:v56+s16+$0x0], $0xffff;
	v56 =	vadd.s32 $0x71, v25;
	v60 =	vmul.f32 v49, v24  }
0x148: {  	v35 =	vmul.f32 $1.442695020e+00, v35;
	v36 =	vadd.f32 v36, v37;
	v48 =	vld.idx.msk [tilespmem:v52+s16+$0x0], $0xffff;
	v52 =	vadd.s32 $0x73, v25  }
0x149: {  	v41 =	vadd.f32 v60, v41;
	v38 =	vmul.f32 v53, v22;
	v53 =	vadd.s32 $0x6A, v25  }
0x14a: {  	v60 =	vmul.f32 v43, v14;
	v36 =	vadd.f32 v57, v36;
	v57 =	vmul.f32 v58, v19;
	v58 =	vld.idx.msk [tilespmem:v59+s16+$0x0], $0xffff  }
0x14b: {  	v61 =	vld.idx.msk [tilespmem:v61+s16+$0x0], $0xffff;
	v38 =	vadd.f32 v38, v41;
	v39 =	vmul.f32 v63, v17;
	v63 =	vadd.s32 $0x6C, v25  }
0x14c: {  	v54 =	vmul.f32 v40, v11;
	v45 =	vld.idx.msk [tilespmem:v56+s16+$0x0], $0xffff;
	v56 =	vadd.s32 $0x74, v25;
	v36 =	vadd.f32 v62, v36  }
0x14d: {  	(erf) = vpow2.f32 v35;
	v62 =	vadd.s32 $0x72, v25;
	v38 =	vadd.f32 v57, v38;
	v44 =	vld.idx.msk [tilespmem:v52+s16+$0x0], $0xffff  }
0x14e: {  	v59 =	vadd.s32 $0x6B, v25;
	v36 =	vadd.f32 v54, v36;
	v37 =	vld.idx.msk [tilespmem:v53+s16+$0x0], $0xffff;
	v53 =	vmul.f32 v55, v15  }
0x14f: {  	v54 =	vadd.s32 $0x6D, v25;
	v38 =	vadd.f32 v39, v38;
	v57 =	vmul.f32 v58, v12  }
0x150: {  	v58 =	vadd.s32 $0x6E, v25;
	v61 =	vmul.f32 v61, v6;
	v36 =	vadd.f32 v60, v36;
	v35 =	vld.idx.msk [tilespmem:v63+s16+$0x0], $0xffff  }
0x151: {  	v60 =	vadd.s32 $0x75, v25;
	v45 =	vmul.f32 v45, v29;
	v63 =	vadd.s32 $0x76, v25;
	v52 =	vld.idx.msk [tilespmem:v56+s16+$0x0], $0xffff  }
0x152: {  	v38 =	vadd.f32 v53, v38;
	v47 =	vld.idx.msk [tilespmem:v62+s16+$0x0], $0xffff;
	v62 =	vadd.s32 $0x6F, v25;
	v55 =	vmul.f32 $1.442695020e+00, v36  }
0x153: {  	v53 =	vadd.s32 $0x80, v25;
	v36 =	vld.idx.msk [tilespmem:v59+s16+$0x0], $0xffff;
	v59 =	vmul.f32 v48, v31;
	v44 =	vmul.f32 v44, v24  }
0x154: {  	v38 =	vadd.f32 v57, v38;
	v40 =	vld.idx.msk [tilespmem:v54+s16+$0x0], $0xffff;
	v37 =	vmul.f32 v37, v1;
	v57 =	vadd.s32 $0x81, v25  }
0x155: {  	(erf) = vpow2.f32 v55;
	v41 =	vadd.f32 $0.0e+00, v59;
	v42 =	vld.idx.msk [tilespmem:v58+s16+$0x0], $0xffff;
	v55 =	vadd.s32 $0x77, v25  }
0x156: {  	v58 =	vadd.s32 $0x78, v25;
	v38 =	vadd.f32 v61, v38;
	v56 =	vld.idx.msk [tilespmem:v60+s16+$0x0], $0xffff;
	v35 =	vmul.f32 v35, v4  }
0x157: {  	v59 =	vld.idx.msk [tilespmem:v63+s16+$0x0], $0xffff;
	v60 =	vadd.s32 $0x82, v25;
	v41 =	vadd.f32 v45, v41;
	v54 =	vmul.f32 v47, v27  }
0x158: {  	v39 =	vmul.f32 v52, v22;
	v61 =	vadd.s32 $0x79, v25;
	v46 =	vld.idx.msk [tilespmem:v53+s16+$0x0], $0xffff;
	v53 =	vadd.s32 $0x7A, v25  }
0x159: {  	v43 =	vld.idx.msk [tilespmem:v62+s16+$0x0], $0xffff;
	v37 =	vadd.f32 v37, v38;
	v36 =	vmul.f32 v36, v2;
	v41 =	vadd.f32 v54, v41  }
0x15a: {  	v52 =	vadd.s32 $0x83, v25;
	v62 =	vmul.f32 v40, v7;
	v48 =	vld.idx.msk [tilespmem:v57+s16+$0x0], $0xffff;
	v57 =	vadd.s32 $0x7B, v25  }
0x15b: {  	v36 =	vadd.f32 v36, v37;
	v63 =	vld.idx.msk [tilespmem:v55+s16+$0x0], $0xffff;
	v54 =	vmul.f32 v42, v11;
	v41 =	vadd.f32 v44, v41  }
0x15c: {  	v55 =	vld.idx.msk [tilespmem:v58+s16+$0x0], $0xffff;
	v38 =	vmul.f32 v56, v19;
	v56 =	vadd.s32 $0x84, v25;
	v37 =	vmul.f32 v59, v17  }
0x15d: {  	v49 =	vld.idx.msk [tilespmem:v60+s16+$0x0], $0xffff;
	v60 =	vadd.s32 $0x85, v25;
	v35 =	vadd.f32 v35, v36;
	v59 =	vmul.f32 v46, v31  }
0x15e: {  	v43 =	vmul.f32 v43, v14;
	v39 =	vadd.f32 v39, v41;
	v41 =	vld.idx.msk [tilespmem:v53+s16+$0x0], $0xffff;
	v53 =	vadd.s32 $0x7D, v25  }
0x15f: {  	v58 =	vld.idx.msk [tilespmem:v61+s16+$0x0], $0xffff;
	v35 =	vadd.f32 v62, v35;
	v62 =	vadd.s32 $0x7C, v25;
	v44 =	vadd.f32 $0.0e+00, v59  }
0x160: {  	v47 =	vld.idx.msk [tilespmem:v52+s16+$0x0], $0xffff;
	v48 =	vmul.f32 v48, v29;
	v59 =	vadd.s32 $0x7F, v25;
	v38 =	vadd.f32 v38, v39  }
0x161: {  	v61 =	vmul.f32 v63, v15;
	v63 =	vadd.s32 $0x86, v25;
	v52 =	vmul.f32 v55, v12;
	v39 =	vld.idx.msk [tilespmem:v57+s16+$0x0], $0xffff  }
0x162: {  	v55 =	vadd.s32 $0x87, v25;
	v57 =	vadd.s32 $0x88, v25;
	v45 =	vld.idx.msk [tilespmem:v56+s16+$0x0], $0xffff;
	v37 =	vadd.f32 v37, v38  }
0x163: {  	v35 =	vadd.f32 v54, v35;
	v44 =	vadd.f32 v48, v44;
	v54 =	vmul.f32 v49, v27;
	v46 =	vld.idx.msk [tilespmem:v60+s16+$0x0], $0xffff  }
0x164: {  	v36 =	vmul.f32 v58, v6;
	v56 =	vadd.s32 $0x7E, v25;
	v42 =	vld.idx.msk [tilespmem:v53+s16+$0x0], $0xffff;
	v37 =	vadd.f32 v61, v37  }
0x165: {  	v47 =	vmul.f32 v47, v24;
	v60 =	vadd.s32 $0x89, v25;
	v44 =	vadd.f32 v54, v44;
	v40 =	vld.idx.msk [tilespmem:v62+s16+$0x0], $0xffff  }
0x166: {  	v49 =	vadd.s32 $0x8A, v25;
	v48 =	vadd.s32 $0xA1, v25;
	v50 =	vld.idx.msk [tilespmem:v63+s16+$0x0], $0xffff;
	v37 =	vadd.f32 v52, v37  }
0x167: {  	v58 =	vmul.f32 v41, v1;
	v44 =	vadd.f32 v47, v44;
	v62 =	vld.idx.msk [tilespmem:v55+s16+$0x0], $0xffff;
	v45 =	vmul.f32 v45, v22  }
0x168: {  	v35 =	vadd.f32 v43, v35;
	v41 =	vld.idx.msk [tilespmem:v59+s16+$0x0], $0xffff;
	v59 =	vadd.s32 $0x8C, v25;
	v36 =	vadd.f32 v36, v37  }
0x169: {  	v55 =	vadd.s32 $0x8B, v25;
	v63 =	vmul.f32 v46, v19;
	v52 =	vld.idx.msk [tilespmem:v57+s16+$0x0], $0xffff;
	v44 =	vadd.f32 v45, v44  }
0x16a: {  	v61 =	vmul.f32 v39, v2;
	v35 =	vmul.f32 $1.442695020e+00, v35;
	v57 =	vld.idx.msk [tilespmem:v60+s16+$0x0], $0xffff;
	v36 =	vadd.f32 v58, v36  }
0x16b: {  	v38 =	vld.idx.msk [tilespmem:v56+s16+$0x0], $0xffff;
	v53 =	vadd.f32 v63, v44;
	v54 =	vmul.f32 v50, v17;
	v58 =	vadd.s32 $0x90, v25  }
0x16c: {  	v56 =	vmul.f32 v42, v7;
	v39 =	vmul.f32 v62, v15;
	v62 =	vadd.s32 $0x91, v25  }
0x16d: {  	v51 =	vmul.f32 v40, v4;
	v36 =	vadd.f32 v61, v36;
	v43 =	vadd.f32 v54, v53;
	v61 =	vld.idx.msk [tilespmem:v49+s16+$0x0], $0xffff  }
0x16e: {  	v63 =	vadd.s32 $0x8D, v25;
	v40 =	vmul.f32 v52, v12;
	v53 =	vld.idx.msk [tilespmem:v55+s16+$0x0], $0xffff;
	v54 =	vadd.s32 $0x92, v25  }
0x16f: {  	v55 =	vmul.f32 v57, v6;
	v57 =	vld.idx.msk [tilespmem:v59+s16+$0x0], $0xffff;
	v36 =	vadd.f32 v51, v36;
	v39 =	vadd.f32 v39, v43  }
0x170: {  	(erf) = vpow2.f32 v35;
	v60 =	vmul.f32 v38, v11;
	v47 =	vld.idx.msk [tilespmem:v58+s16+$0x0], $0xffff;
	v58 =	vadd.s32 $0x93, v25  }
0x171: {  	v46 =	vld.idx.msk [tilespmem:v62+s16+$0x0], $0xffff;
	v62 =	vadd.s32 $0x94, v25;
	v36 =	vadd.f32 v56, v36;
	v39 =	vadd.f32 v40, v39  }
0x172: {  	v52 =	vmul.f32 v41, v14;
	v56 =	vadd.s32 $0x8E, v25;
	v38 =	vmul.f32 v61, v1  }
0x173: {  	v59 =	vpop (erf);
	v61 =	vld.idx.msk [tilespmem:v63+s16+$0x0], $0xffff;
	v36 =	vadd.f32 v60, v36;
	v39 =	vadd.f32 v55, v39;
	v60 =	vadd.s32 $0x8F, v25  }
0x174: {  	v34 =	vadd.f32 v59, v34;
	v49 =	vmul.f32 v53, v2;
	v50 =	vld.idx.msk [tilespmem:v54+s16+$0x0], $0xffff;
	v37 =	vmul.f32 v57, v4  }
0x175: {  	v63 =	vpop (erf);
	v36 =	vadd.f32 v52, v36;
	v38 =	vadd.f32 v38, v39;
	v52 =	vadd.s32 $0x95, v25;
	v54 =	vld.idx.msk [tilespmem:v58+s16+$0x0], $0xffff  }
0x176: {  	v34 =	vadd.f32 v63, v34;
	v51 =	vmul.f32 v47, v31;
	v58 =	vadd.s32 $0x96, v25;
	v59 =	vld.idx.msk [tilespmem:v62+s16+$0x0], $0xffff  }
0x177: {  	v57 =	vmul.f32 v46, v29;
	v42 =	vld.idx.msk [tilespmem:v56+s16+$0x0], $0xffff;
	v53 =	vadd.f32 v49, v38;
	v49 =	vadd.s32 $0x98, v25  }
0x178: {  	v36 =	vmul.f32 $1.442695020e+00, v36;
	v56 =	vadd.f32 $0.0e+00, v51;
	v55 =	vld.idx.msk [tilespmem:v60+s16+$0x0], $0xffff;
	v60 =	vadd.s32 $0xA0, v25  }
0x179: {  	v46 =	vld.idx.msk [tilespmem:v48+s16+$0x0], $0xffff;
	v35 =	vmul.f32 v61, v7;
	v41 =	vmul.f32 v50, v27;
	v61 =	vadd.s32 $0x97, v25  }
0x17a: {  	(erf) = vpow2.f32 v36;
	v40 =	vadd.f32 v57, v56;
	v56 =	vadd.s32 $0xA3, v25;
	v63 =	vld.idx.msk [tilespmem:v52+s16+$0x0], $0xffff  }
0x17b: {  	v36 =	vadd.f32 v37, v53;
	v38 =	vmul.f32 v54, v24;
	v51 =	vld.idx.msk [tilespmem:v58+s16+$0x0], $0xffff;
	v52 =	vadd.s32 $0xA2, v25  }
0x17c: {  	v37 =	vmul.f32 v59, v22;
	v54 =	vadd.s32 $0x99, v25;
	v40 =	vadd.f32 v41, v40;
	v41 =	vld.idx.msk [tilespmem:v49+s16+$0x0], $0xffff  }
0x17d: {  	v59 =	vadd.s32 $0x9A, v25;
	v35 =	vadd.f32 v35, v36;
	v62 =	vmul.f32 v42, v11;
	v53 =	vpop (erf);
	v43 =	vld.idx.msk [tilespmem:v60+s16+$0x0], $0xffff  }
0x17e: {  	v34 =	vadd.f32 v53, v34;
	v53 =	vadd.s32 $0x9C, v25;
	v50 =	vmul.f32 v55, v14;
	v55 =	vld.idx.msk [tilespmem:v61+s16+$0x0], $0xffff  }
0x17f: {  	v60 =	vadd.s32 $0xA4, v25;
	v44 =	vld.idx.msk [tilespmem:v56+s16+$0x0], $0xffff  }
0x180: {  	v35 =	vadd.f32 v62, v35;
	v62 =	vadd.s32 $0x9B, v25;
	v45 =	vld.idx.msk [tilespmem:v52+s16+$0x0], $0xffff  }
0x181: {  	v38 =	vadd.f32 v38, v40;
	v56 =	vadd.s32 $0x9D, v25;
	v58 =	vmul.f32 v63, v19;
	v63 =	vld.idx.msk [tilespmem:v54+s16+$0x0], $0xffff  }
0x182: {  	v35 =	vadd.f32 v50, v35;
	v52 =	vadd.s32 $0xA5, v25;
	v42 =	vld.idx.msk [tilespmem:v59+s16+$0x0], $0xffff  }
0x183: {  	v46 =	vmul.f32 v46, v29;
	v37 =	vadd.f32 v37, v38;
	v54 =	vadd.s32 $0xA6, v25;
	v38 =	vld.idx.msk [tilespmem:v53+s16+$0x0], $0xffff  }
0x184: {  	v61 =	vmul.f32 v51, v17;
	v59 =	vadd.s32 $0xA8, v25;
	v35 =	vmul.f32 $1.442695020e+00, v35;
	v47 =	vld.idx.msk [tilespmem:v60+s16+$0x0], $0xffff  }
0x185: {  	v37 =	vadd.f32 v58, v37;
	v58 =	vadd.s32 $0x9E, v25;
	v51 =	vmul.f32 v43, v31;
	v39 =	vld.idx.msk [tilespmem:v62+s16+$0x0], $0xffff  }
0x186: {  	v53 =	vadd.s32 $0xB0, v25;
	v57 =	vpop (erf);
	v36 =	vmul.f32 v55, v15;
	v55 =	vmul.f32 v41, v12;
	v41 =	vld.idx.msk [tilespmem:v56+s16+$0x0], $0xffff  }
0x187: {  	v34 =	vadd.f32 v57, v34;
	(erf) = vpow2.f32 v35;
	v57 =	vadd.s32 $0xA7, v25;
	v43 =	vld.idx.msk [tilespmem:v52+s16+$0x0], $0xffff  }
0x188: {  	v37 =	vadd.f32 v61, v37;
	v44 =	vmul.f32 v44, v24;
	v61 =	vadd.s32 $0x9F, v25;
	v48 =	vld.idx.msk [tilespmem:v54+s16+$0x0], $0xffff  }
0x189: {  	v40 =	vadd.f32 $0.0e+00, v51;
	v35 =	vmul.f32 v63, v6;
	v63 =	vadd.s32 $0xA9, v25;
	v56 =	vld.idx.msk [tilespmem:v59+s16+$0x0], $0xffff  }
0x18a: {  	v45 =	vmul.f32 v45, v27;
	v54 =	vadd.s32 $0xAA, v25;
	v36 =	vadd.f32 v36, v37;
	v37 =	vld.idx.msk [tilespmem:v58+s16+$0x0], $0xffff  }
0x18b: {  	v60 =	vmul.f32 v42, v1;
	v59 =	vadd.s32 $0xAB, v25;
	v40 =	vadd.f32 v46, v40;
	v46 =	vld.idx.msk [tilespmem:v53+s16+$0x0], $0xffff  }
0x18c: {  	v36 =	vadd.f32 v55, v36;
	v62 =	vmul.f32 v47, v22;
	v51 =	vmul.f32 v39, v2;
	v52 =	vld.idx.msk [tilespmem:v57+s16+$0x0], $0xffff  }
0x18d: {  	v55 =	vmul.f32 v38, v4;
	v40 =	vadd.f32 v45, v40;
	v57 =	vadd.s32 $0xB1, v25;
	v42 =	vld.idx.msk [tilespmem:v61+s16+$0x0], $0xffff  }
0x18e: {  	v35 =	vadd.f32 v35, v36;
	v43 =	vmul.f32 v43, v19;
	v58 =	vmul.f32 v48, v17;
	v61 =	vld.idx.msk [tilespmem:v63+s16+$0x0], $0xffff  }
0x18f: {  	v63 =	vadd.s32 $0xAC, v25;
	v53 =	vld.idx.msk [tilespmem:v54+s16+$0x0], $0xffff;
	v54 =	vadd.s32 $0xB3, v25;
	v40 =	vadd.f32 v44, v40  }
0x190: {  	v38 =	vmul.f32 v56, v12;
	v56 =	vadd.s32 $0xAD, v25;
	v35 =	vadd.f32 v60, v35  }
0x191: {  	v60 =	vmul.f32 v41, v7;
	v40 =	vadd.f32 v62, v40;
	v62 =	vadd.s32 $0xB2, v25  }
0x192: {  	v46 =	vmul.f32 v46, v31;
	v35 =	vadd.f32 v51, v35;
	v39 =	vmul.f32 v52, v15;
	v45 =	vld.idx.msk [tilespmem:v57+s16+$0x0], $0xffff  }
0x193: {  	v52 =	vmul.f32 v37, v11;
	v57 =	vld.idx.msk [tilespmem:v59+s16+$0x0], $0xffff;
	v42 =	vmul.f32 v42, v14;
	v40 =	vadd.f32 v43, v40  }
0x194: {  	v46 =	vadd.f32 $0.0e+00, v46;
	v59 =	vmul.f32 v61, v6;
	v43 =	vld.idx.msk [tilespmem:v63+s16+$0x0], $0xffff;
	v61 =	vadd.s32 $0xB5, v25  }
0x195: {  	v44 =	vld.idx.msk [tilespmem:v54+s16+$0x0], $0xffff;
	v63 =	vadd.s32 $0xB6, v25;
	v35 =	vadd.f32 v55, v35;
	v55 =	vpop (erf);
	v40 =	vadd.f32 v58, v40  }
0x196: {  	v37 =	vmul.f32 v53, v1;
	v34 =	vadd.f32 v55, v34;
	v47 =	vld.idx.msk [tilespmem:v62+s16+$0x0], $0xffff;
	v62 =	vadd.s32 $0xAF, v25  }
0x197: {  	v58 =	vadd.s32 $0xB4, v25;
	v35 =	vadd.f32 v60, v35;
	v39 =	vadd.f32 v39, v40  }
0x198: {  	v55 =	vadd.s32 $0xB7, v25;
	v60 =	vadd.s32 $0xAE, v25;
	v40 =	vld.idx.msk [tilespmem:v56+s16+$0x0], $0xffff;
	v45 =	vmul.f32 v45, v29  }
0x199: {  	v36 =	vmul.f32 v57, v2;
	v35 =	vadd.f32 v52, v35;
	v57 =	vld.idx.msk [tilespmem:v61+s16+$0x0], $0xffff;
	v38 =	vadd.f32 v38, v39  }
0x19a: {  	v56 =	vmul.f32 v43, v4;
	v44 =	vmul.f32 v44, v24;
	v61 =	vld.idx.msk [tilespmem:v63+s16+$0x0], $0xffff;
	v63 =	vadd.s32 $0xBA, v25  }
0x19b: {  	v53 =	vadd.f32 v45, v46;
	v38 =	vadd.f32 v59, v38;
	v39 =	vld.idx.msk [tilespmem:v62+s16+$0x0], $0xffff;
	v62 =	vadd.s32 $0xC0, v25  }
0x19c: {  	v35 =	vadd.f32 v42, v35;
	v52 =	vld.idx.msk [tilespmem:v58+s16+$0x0], $0xffff;
	v58 =	vadd.s32 $0xB8, v25;
	v54 =	vmul.f32 v47, v27  }
0x19d: {  	v41 =	vld.idx.msk [tilespmem:v60+s16+$0x0], $0xffff;
	v59 =	vadd.s32 $0xB9, v25;
	v60 =	vmul.f32 v40, v7;
	v37 =	vadd.f32 v37, v38  }
0x19e: {  	v35 =	vmul.f32 $1.442695020e+00, v35;
	v42 =	vadd.f32 v54, v53;
	v53 =	vld.idx.msk [tilespmem:v55+s16+$0x0], $0xffff;
	v54 =	vadd.s32 $0xC1, v25  }
0x19f: {  	v40 =	vmul.f32 v61, v17;
	v61 =	vadd.s32 $0xC3, v25;
	v36 =	vadd.f32 v36, v37;
	v37 =	vld.idx.msk [tilespmem:v63+s16+$0x0], $0xffff  }
0x1a0: {  	v55 =	vmul.f32 v57, v19;
	v57 =	vadd.s32 $0xBB, v25;
	v63 =	vadd.s32 $0xBD, v25;
	v48 =	vld.idx.msk [tilespmem:v62+s16+$0x0], $0xffff  }
0x1a1: {  	v42 =	vadd.f32 v44, v42;
	v38 =	vmul.f32 v52, v22;
	v36 =	vadd.f32 v56, v36;
	v56 =	vld.idx.msk [tilespmem:v58+s16+$0x0], $0xffff  }
0x1a2: {  	v58 =	vmul.f32 v39, v14;
	v39 =	vld.idx.msk [tilespmem:v59+s16+$0x0], $0xffff;
	v59 =	vadd.s32 $0xC2, v25  }
0x1a3: {  	(erf) = vpow2.f32 v35;
	v52 =	vmul.f32 v41, v11;
	v38 =	vadd.f32 v38, v42;
	v46 =	vld.idx.msk [tilespmem:v54+s16+$0x0], $0xffff  }
0x1a4: {  	v62 =	vmul.f32 v53, v15;
	v53 =	vadd.s32 $0xC4, v25;
	v44 =	vld.idx.msk [tilespmem:v61+s16+$0x0], $0xffff;
	v36 =	vadd.f32 v60, v36  }
0x1a5: {  	v38 =	vadd.f32 v55, v38;
	v60 =	vadd.s32 $0xBC, v25;
	v55 =	vadd.s32 $0xBE, v25;
	v41 =	vld.idx.msk [tilespmem:v63+s16+$0x0], $0xffff  }
0x1a6: {  	v37 =	vmul.f32 v37, v1;
	v63 =	vadd.s32 $0xC8, v25;
	v36 =	vadd.f32 v52, v36;
	v52 =	vld.idx.msk [tilespmem:v57+s16+$0x0], $0xffff  }
0x1a7: {  	v38 =	vadd.f32 v40, v38;
	v57 =	vmul.f32 v48, v31;
	v45 =	vld.idx.msk [tilespmem:v59+s16+$0x0], $0xffff;
	v59 =	vadd.s32 $0xBF, v25  }
0x1a8: {  	v54 =	vmul.f32 v56, v12;
	v39 =	vmul.f32 v39, v6;
	v36 =	vadd.f32 v58, v36  }
0x1a9: {  	v38 =	vadd.f32 v62, v38;
	v58 =	vadd.s32 $0xC5, v25;
	v42 =	vadd.f32 $0.0e+00, v57;
	v61 =	vld.idx.msk [tilespmem:v53+s16+$0x0], $0xffff  }
0x1aa: {  	v46 =	vmul.f32 v46, v29;
	v62 =	vadd.s32 $0xC7, v25;
	v44 =	vmul.f32 v44, v24;
	v56 =	vld.idx.msk [tilespmem:v60+s16+$0x0], $0xffff  }
0x1ab: {  	v60 =	vadd.s32 $0xC6, v25;
	v43 =	vld.idx.msk [tilespmem:v55+s16+$0x0], $0xffff;
	v51 =	vmul.f32 $1.442695020e+00, v36;
	v38 =	vadd.f32 v54, v38  }
0x1ac: {  	v42 =	vadd.f32 v46, v42;
	v54 =	vadd.s32 $0xCA, v25;
	v45 =	vmul.f32 v45, v27;
	v40 =	vld.idx.msk [tilespmem:v59+s16+$0x0], $0xffff  }
0x1ad: {  	v53 =	vadd.s32 $0xC9, v25;
	v36 =	vmul.f32 v52, v2;
	v59 =	vmul.f32 v41, v7;
	v41 =	vld.idx.msk [tilespmem:v63+s16+$0x0], $0xffff  }
0x1ae: {  	v38 =	vadd.f32 v39, v38;
	v52 =	vld.idx.msk [tilespmem:v58+s16+$0x0], $0xffff;
	v58 =	vadd.s32 $0xCC, v25;
	v42 =	vadd.f32 v45, v42  }
0x1af: {  	(erf) = vpow2.f32 v51;
	v39 =	vmul.f32 v61, v22;
	v57 =	vld.idx.msk [tilespmem:v62+s16+$0x0], $0xffff;
	v61 =	vadd.s32 $0xCD, v25  }
0x1b0: {  	v63 =	vadd.s32 $0xD1, v25;
	v37 =	vadd.f32 v37, v38;
	v55 =	vld.idx.msk [tilespmem:v60+s16+$0x0], $0xffff;
	v42 =	vadd.f32 v44, v42  }
0x1b1: {  	v35 =	vmul.f32 v56, v4;
	v60 =	vadd.s32 $0xD0, v25;
	v62 =	vmul.f32 v43, v11;
	v43 =	vld.idx.msk [tilespmem:v54+s16+$0x0], $0xffff  }
0x1b2: {  	v56 =	vadd.s32 $0xCB, v25;
	v36 =	vadd.f32 v36, v37;
	v39 =	vadd.f32 v39, v42;
	v42 =	vld.idx.msk [tilespmem:v53+s16+$0x0], $0xffff  }
0x1b3: {  	v54 =	vmul.f32 v40, v14;
	v40 =	vld.idx.msk [tilespmem:v58+s16+$0x0], $0xffff  }
0x1b4: {  	v51 =	vadd.s32 $0xD9, v25;
	v35 =	vadd.f32 v35, v36;
	v36 =	vld.idx.msk [tilespmem:v61+s16+$0x0], $0xffff  }
0x1b5: {  	v38 =	vmul.f32 v52, v19;
	v53 =	vadd.s32 $0xCE, v25;
	v57 =	vmul.f32 v57, v15;
	v61 =	vld.idx.msk [tilespmem:v63+s16+$0x0], $0xffff  }
0x1b6: {  	v58 =	vadd.s32 $0xCF, v25;
	v37 =	vmul.f32 v55, v17;
	v55 =	vadd.s32 $0xD2, v25;
	v46 =	vld.idx.msk [tilespmem:v60+s16+$0x0], $0xffff  }
0x1b7: {  	v52 =	vadd.s32 $0xD3, v25;
	v35 =	vadd.f32 v59, v35;
	v38 =	vadd.f32 v38, v39;
	v39 =	vld.idx.msk [tilespmem:v56+s16+$0x0], $0xffff;
	v56 =	vpop (erf)  }
0x1b8: {  	v63 =	vadd.s32 $0xD5, v25;
	v60 =	vmul.f32 v41, v12;
	v34 =	vadd.f32 v56, v34  }
0x1b9: {  	v59 =	vpop (erf);
	v35 =	vadd.f32 v62, v35;
	v37 =	vadd.f32 v37, v38;
	v62 =	vadd.s32 $0xD4, v25;
	v38 =	vld.idx.msk [tilespmem:v51+s16+$0x0], $0xffff  }
0x1ba: {  	v34 =	vadd.f32 v59, v34;
	v49 =	vld.idx.msk [tilespmem:v53+s16+$0x0], $0xffff;
	v53 =	vmul.f32 v42, v6;
	v41 =	vmul.f32 v61, v29  }
0x1bb: {  	v35 =	vadd.f32 v54, v35;
	v37 =	vadd.f32 v57, v37;
	v54 =	vld.idx.msk [tilespmem:v55+s16+$0x0], $0xffff;
	v55 =	vadd.s32 $0xD6, v25  }
0x1bc: {  	v59 =	vld.idx.msk [tilespmem:v52+s16+$0x0], $0xffff;
	v56 =	vmul.f32 v46, v31;
	v57 =	vadd.s32 $0xD7, v25;
	v61 =	vmul.f32 v39, v2  }
0x1bd: {  	v39 =	vld.idx.msk [tilespmem:v63+s16+$0x0], $0xffff;
	v63 =	vadd.s32 $0xDB, v25;
	v35 =	vmul.f32 $1.442695020e+00, v35;
	v37 =	vadd.f32 v60, v37  }
0x1be: {  	v60 =	vadd.s32 $0xD8, v25;
	v44 =	vadd.f32 $0.0e+00, v56;
	v45 =	vld.idx.msk [tilespmem:v62+s16+$0x0], $0xffff;
	v62 =	vadd.s32 $0xDA, v25  }
0x1bf: {  	(erf) = vpow2.f32 v35;
	v35 =	vld.idx.msk [tilespmem:v58+s16+$0x0], $0xffff;
	v37 =	vadd.f32 v53, v37;
	v58 =	vmul.f32 v43, v1  }
0x1c0: {  	v41 =	vadd.f32 v41, v44;
	v42 =	vmul.f32 v54, v27;
	v44 =	vld.idx.msk [tilespmem:v55+s16+$0x0], $0xffff;
	v54 =	vadd.s32 $0xE0, v25  }
0x1c1: {  	v53 =	vmul.f32 v40, v4;
	v40 =	vld.idx.msk [tilespmem:v57+s16+$0x0], $0xffff;
	v57 =	vadd.s32 $0xE1, v25;
	v37 =	vadd.f32 v58, v37  }
0x1c2: {  	v56 =	vadd.s32 $0xDC, v25;
	v47 =	vld.idx.msk [tilespmem:v63+s16+$0x0], $0xffff  }
0x1c3: {  	v55 =	vmul.f32 v59, v24;
	v43 =	vld.idx.msk [tilespmem:v60+s16+$0x0], $0xffff;
	v37 =	vadd.f32 v61, v37;
	v61 =	vadd.s32 $0xE2, v25  }
0x1c4: {  	v41 =	vadd.f32 v42, v41;
	v58 =	vmul.f32 v45, v22;
	v45 =	vld.idx.msk [tilespmem:v62+s16+$0x0], $0xffff;
	v62 =	vadd.s32 $0xDE, v25  }
0x1c5: {  	v36 =	vmul.f32 v36, v7;
	v63 =	vadd.s32 $0xE3, v25;
	v37 =	vadd.f32 v53, v37;
	v46 =	vld.idx.msk [tilespmem:v54+s16+$0x0], $0xffff  }
0x1c6: {  	v59 =	vadd.s32 $0xDD, v25;
	v41 =	vadd.f32 v55, v41;
	v51 =	vld.idx.msk [tilespmem:v57+s16+$0x0], $0xffff  }
0x1c7: {  	v60 =	vmul.f32 v49, v11;
	v36 =	vadd.f32 v36, v37;
	v37 =	vld.idx.msk [tilespmem:v56+s16+$0x0], $0xffff  }
0x1c8: {  	v39 =	vmul.f32 v39, v19;
	v41 =	vadd.f32 v58, v41;
	v56 =	vadd.s32 $0xDF, v25;
	v58 =	vld.idx.msk [tilespmem:v61+s16+$0x0], $0xffff  }
0x1c9: {  	v35 =	vmul.f32 v35, v14;
	v57 =	vadd.s32 $0xE4, v25;
	v42 =	vld.idx.msk [tilespmem:v62+s16+$0x0], $0xffff;
	v36 =	vadd.f32 v60, v36  }
0x1ca: {  	v38 =	vmul.f32 v38, v6;
	v55 =	vmul.f32 v44, v17;
	v62 =	vld.idx.msk [tilespmem:v63+s16+$0x0], $0xffff  }
0x1cb: {  	v39 =	vadd.f32 v39, v41;
	v35 =	vadd.f32 v35, v36;
	v36 =	vld.idx.msk [tilespmem:v59+s16+$0x0], $0xffff;
	v59 =	vadd.s32 $0xE5, v25  }
0x1cc: {  	v32 =	vld.idx.msk [tilespmem:v32+s15+$0x0], $0xffff;
	v40 =	vmul.f32 v40, v15;
	v60 =	vadd.s32 $0xE6, v25;
	v46 =	vmul.f32 v46, v31  }
0x1cd: {  	v53 =	vadd.s32 $0xE8, v25;
	v63 =	vadd.s32 $0xE7, v25;
	v39 =	vadd.f32 v55, v39;
	v44 =	vld.idx.msk [tilespmem:v56+s16+$0x0], $0xffff  }
0x1ce: {  	v61 =	vmul.f32 v43, v12;
	v51 =	vmul.f32 v51, v29;
	v46 =	vadd.f32 $0.0e+00, v46;
	v56 =	vld.idx.msk [tilespmem:v57+s16+$0x0], $0xffff  }
0x1cf: {  	v21 =	vld.idx.msk [tilespmem:v21+s15+$0x0], $0xffff;
	v39 =	vadd.f32 v40, v39;
	v57 =	vadd.s32 $0xE9, v25;
	v41 =	vmul.f32 v58, v27  }
0x1d0: {  	v58 =	vadd.s32 $0xEA, v25;
	v43 =	vmul.f32 v62, v24;
	v46 =	vadd.f32 v51, v46;
	v49 =	vld.idx.msk [tilespmem:v59+s16+$0x0], $0xffff  }
0x1d1: {  	v39 =	vadd.f32 v61, v39;
	v59 =	vmul.f32 v45, v1;
	v45 =	vld.idx.msk [tilespmem:v60+s16+$0x0], $0xffff;
	v60 =	vadd.s32 $0xEB, v25  }
0x1d2: {  	v62 =	vmul.f32 v47, v2;
	v41 =	vadd.f32 v41, v46;
	v46 =	vld.idx.msk [tilespmem:v63+s16+$0x0], $0xffff;
	v63 =	vadd.s32 $0xED, v25  }
0x1d3: {  	v47 =	vld.idx.msk [tilespmem:v53+s16+$0x0], $0xffff;
	v38 =	vadd.f32 v38, v39;
	v40 =	vmul.f32 v56, v22;
	v56 =	vadd.s32 $0xEE, v25  }
0x1d4: {  	v51 =	vadd.s32 $0xF0, v25;
	v41 =	vadd.f32 v43, v41;
	v43 =	vld.idx.msk [tilespmem:v57+s16+$0x0], $0xffff  }
0x1d5: {  	v37 =	vmul.f32 v37, v4;
	v61 =	vadd.s32 $0xEC, v25;
	v38 =	vadd.f32 v59, v38;
	v39 =	vld.idx.msk [tilespmem:v58+s16+$0x0], $0xffff  }
0x1d6: {  	v58 =	vadd.s32 $0xEF, v25;
	v59 =	vadd.s32 $0xF1, v25;
	v57 =	vmul.f32 v49, v19;
	v49 =	vld.idx.msk [tilespmem:v60+s16+$0x0], $0xffff  }
0x1d7: {  	v38 =	vadd.f32 v62, v38;
	v40 =	vadd.f32 v40, v41;
	v60 =	vmul.f32 v45, v17;
	v45 =	vld.idx.msk [tilespmem:v63+s16+$0x0], $0xffff  }
0x1d8: {  	v36 =	vmul.f32 v36, v7;
	v62 =	vmul.f32 v42, v11;
	v63 =	vadd.s32 $0xF3, v25;
	v42 =	vld.idx.msk [tilespmem:v56+s16+$0x0], $0xffff  }
0x1d9: {  	v37 =	vadd.f32 v37, v38;
	v56 =	vmul.f32 v46, v15;
	v46 =	vld.idx.msk [tilespmem:v51+s16+$0x0], $0xffff;
	v40 =	vadd.f32 v57, v40  }
0x1da: {  	v35 =	vmul.f32 $1.442695020e+00, v35;
	v38 =	vld.idx.msk [tilespmem:v61+s16+$0x0], $0xffff;
	v61 =	vadd.s32 $0xF2, v25;
	v57 =	vmul.f32 v44, v14  }
0x1db: {  	v44 =	vld.idx.msk [tilespmem:v58+s16+$0x0], $0xffff;
	v58 =	vadd.s32 $0xF5, v25;
	v36 =	vadd.f32 v36, v37;
	v40 =	vadd.f32 v60, v40  }
0x1dc: {  	(erf) = vpow2.f32 v35;
	v55 =	vmul.f32 v47, v12;
	v51 =	vadd.s32 $0xF4, v25;
	v47 =	vld.idx.msk [tilespmem:v59+s16+$0x0], $0xffff  }
0x1dd: {  	v33 =	vld.idx.msk [tilespmem:v33+s15+$0x0], $0xffff;
	v60 =	vadd.s32 $0xF7, v25;
	v36 =	vadd.f32 v62, v36;
	v40 =	vadd.f32 v56, v40  }
0x1de: {  	v62 =	vld.idx.msk [tilespmem:v63+s16+$0x0], $0xffff;
	v63 =	vadd.s32 $0xF8, v25;
	v56 =	vadd.s32 $0xF6, v25;
	v46 =	vmul.f32 v46, v31  }
0x1df: {  	v59 =	vadd.f32 v57, v36;
	v36 =	vld.idx.msk [tilespmem:v61+s16+$0x0], $0xffff;
	v61 =	vmul.f32 v43, v6;
	v40 =	vadd.f32 v55, v40  }
0x1e0: {  	v39 =	vmul.f32 v39, v1;
	v57 =	vadd.s32 $0xF9, v25;
	v41 =	vld.idx.msk [tilespmem:v58+s16+$0x0], $0xffff;
	v58 =	vadd.s32 $0xFA, v25  }
0x1e1: {  	v51 =	vld.idx.msk [tilespmem:v51+s16+$0x0], $0xffff;
	v47 =	vmul.f32 v47, v29;
	v46 =	vadd.f32 $0.0e+00, v46;
	v40 =	vadd.f32 v61, v40  }
0x1e2: {  	v54 =	vadd.s32 $0xFB, v25;
	v35 =	vmul.f32 $1.442695020e+00, v59;
	v59 =	vmul.f32 v49, v2;
	v37 =	vld.idx.msk [tilespmem:v60+s16+$0x0], $0xffff  }
0x1e3: {  	v52 =	vpop (erf);
	v60 =	vadd.s32 $0xFC, v25;
	v46 =	vadd.f32 v47, v46;
	v47 =	vld.idx.msk [tilespmem:v63+s16+$0x0], $0xffff;
	v39 =	vadd.f32 v39, v40  }
0x1e4: {  	v34 =	vadd.f32 v52, v34;
	v61 =	vadd.s32 $0xFD, v25;
	v48 =	vld.idx.msk [tilespmem:v56+s16+$0x0], $0xffff;
	v36 =	vmul.f32 v36, v27  }
0x1e5: {  	v38 =	vmul.f32 v38, v4;
	v40 =	vld.idx.msk [tilespmem:v57+s16+$0x0], $0xffff;
	v57 =	vadd.s32 $0x100, v25;
	v39 =	vadd.f32 v59, v39  }
0x1e6: {  	v52 =	vadd.s32 $0xFE, v25;
	v43 =	vmul.f32 v62, v24;
	v36 =	vadd.f32 v36, v46;
	v46 =	vld.idx.msk [tilespmem:v58+s16+$0x0], $0xffff  }
0x1e7: {  	v58 =	vmul.f32 v45, v7;
	v45 =	vld.idx.msk [tilespmem:v54+s16+$0x0], $0xffff;
	v59 =	vadd.s32 $0x101, v25;
	v38 =	vadd.f32 v38, v39  }
0x1e8: {  	v63 =	vadd.s32 $0xFF, v25;
	v62 =	vmul.f32 v51, v22;
	v49 =	vld.idx.msk [tilespmem:v60+s16+$0x0], $0xffff;
	v36 =	vadd.f32 v43, v36  }
0x1e9: {  	v60 =	vmul.f32 v42, v11;
	v42 =	vld.idx.msk [tilespmem:v61+s16+$0x0], $0xffff;
	v61 =	vadd.s32 $0x102, v25;
	v38 =	vadd.f32 v58, v38  }
0x1ea: {  	v41 =	vmul.f32 v41, v19;
	v43 =	vld.idx.msk [tilespmem:v57+s16+$0x0], $0xffff;
	v36 =	vadd.f32 v62, v36;
	v62 =	vadd.s32 $0x103, v25  }
0x1eb: {  	v54 =	vadd.s32 $0x105, v25;
	v57 =	vmul.f32 v44, v14;
	v44 =	vld.idx.msk [tilespmem:v52+s16+$0x0], $0xffff;
	v38 =	vadd.f32 v60, v38  }
0x1ec: {  	v52 =	vadd.s32 $0x104, v25;
	v58 =	vmul.f32 v48, v17;
	v48 =	vld.idx.msk [tilespmem:v59+s16+$0x0], $0xffff;
	v36 =	vadd.f32 v41, v36  }
0x1ed: {  	v55 =	vadd.s32 $0x10A, v25;
	v60 =	vadd.s32 $0x106, v25;
	v59 =	vadd.f32 v57, v38;
	v38 =	vld.idx.msk [tilespmem:v63+s16+$0x0], $0xffff  }
0x1ee: {  	v37 =	vmul.f32 v37, v15;
	v36 =	vadd.f32 v58, v36;
	v63 =	vld.idx.msk [tilespmem:v61+s16+$0x0], $0xffff;
	v61 =	vadd.s32 $0x107, v25  }
0x1ef: {  	(erf) = vpow2.f32 v35;
	v43 =	vmul.f32 v43, v31;
	v51 =	vld.idx.msk [tilespmem:v62+s16+$0x0], $0xffff;
	v62 =	vadd.s32 $0x108, v25  }
0x1f0: {  	v54 =	vld.idx.msk [tilespmem:v54+s16+$0x0], $0xffff;
	v57 =	vmul.f32 v47, v12;
	v58 =	vadd.s32 $0x109, v25;
	v36 =	vadd.f32 v37, v36  }
0x1f1: {  	v47 =	vld.idx.msk [tilespmem:v52+s16+$0x0], $0xffff;
	v35 =	vmul.f32 $1.442695020e+00, v59;
	v43 =	vadd.f32 $0.0e+00, v43;
	v48 =	vmul.f32 v48, v29  }
0x1f2: {  	v59 =	vmul.f32 v40, v6;
	v39 =	vld.idx.msk [tilespmem:v60+s16+$0x0], $0xffff;
	v60 =	vadd.s32 $0x10B, v25;
	v36 =	vadd.f32 v57, v36  }
0x1f3: {  	v43 =	vadd.f32 v48, v43;
	v41 =	vmul.f32 v63, v27;
	v48 =	vld.idx.msk [tilespmem:v61+s16+$0x0], $0xffff;
	v63 =	vadd.s32 $0x10C, v25  }
0x1f4: {  	v52 =	vadd.s32 $0x10E, v25;
	v61 =	vmul.f32 v46, v1;
	v36 =	vadd.f32 v59, v36;
	v46 =	vld.idx.msk [tilespmem:v62+s16+$0x0], $0xffff  }
0x1f5: {  	v62 =	vadd.s32 $0x10D, v25;
	v57 =	vmul.f32 v51, v24;
	v51 =	vld.idx.msk [tilespmem:v58+s16+$0x0], $0xffff;
	v58 =	vmul.f32 v45, v2  }
0x1f6: {  	v45 =	vld.idx.msk [tilespmem:v55+s16+$0x0], $0xffff;
	v59 =	vmul.f32 v47, v22;
	v47 =	vadd.s32 $0x110, v25;
	v41 =	vadd.f32 v41, v43  }
0x1f7: {  	v50 =	vadd.s32 $0x11B, v25;
	v55 =	vadd.s32 $0x10F, v25;
	v36 =	vadd.f32 v61, v36;
	v40 =	vld.idx.msk [tilespmem:v60+s16+$0x0], $0xffff  }
0x1f8: {  	v60 =	vmul.f32 v49, v4;
	v41 =	vadd.f32 v57, v41;
	v49 =	vld.idx.msk [tilespmem:v63+s16+$0x0], $0xffff;
	v63 =	vadd.s32 $0x111, v25  }
0x1f9: {  	v57 =	vmul.f32 v42, v7;
	v42 =	vld.idx.msk [tilespmem:v52+s16+$0x0], $0xffff;
	v36 =	vadd.f32 v58, v36;
	v58 =	vadd.s32 $0x113, v25  }
0x1fa: {  	v61 =	vmul.f32 v54, v19;
	v41 =	vadd.f32 v59, v41;
	v53 =	vld.idx.msk [tilespmem:v62+s16+$0x0], $0xffff;
	v62 =	vadd.s32 $0x112, v25  }
0x1fb: {  	v59 =	vmul.f32 v44, v11;
	v44 =	vld.idx.msk [tilespmem:v47+s16+$0x0], $0xffff;
	v47 =	vadd.s32 $0x115, v25;
	v36 =	vadd.f32 v60, v36  }
0x1fc: {  	v39 =	vmul.f32 v39, v17;
	v43 =	vld.idx.msk [tilespmem:v55+s16+$0x0], $0xffff;
	v55 =	vadd.s32 $0x114, v25;
	v41 =	vadd.f32 v61, v41  }
0x1fd: {  	v60 =	vmul.f32 v48, v15;
	v61 =	vadd.s32 $0x116, v25;
	v36 =	vadd.f32 v57, v36;
	v48 =	vld.idx.msk [tilespmem:v63+s16+$0x0], $0xffff  }
0x1fe: {  	(erf) = vpow2.f32 v35;
	v57 =	vmul.f32 v46, v12;
	v39 =	vadd.f32 v39, v41;
	v46 =	vld.idx.msk [tilespmem:v58+s16+$0x0], $0xffff  }
0x1ff: {  	v54 =	vadd.s32 $0x117, v25;
	v63 =	vmul.f32 v38, v14;
	v36 =	vadd.f32 v59, v36;
	v38 =	vld.idx.msk [tilespmem:v62+s16+$0x0], $0xffff  }
0x200: {  	v58 =	vadd.s32 $0x118, v25;
	v59 =	vmul.f32 v51, v6;
	v47 =	vld.idx.msk [tilespmem:v47+s16+$0x0], $0xffff;
	v39 =	vadd.f32 v60, v39  }
0x201: {  	v51 =	vadd.s32 $0x11A, v25;
	v60 =	vmul.f32 v44, v31;
	v62 =	vadd.f32 v63, v36;
	v36 =	vld.idx.msk [tilespmem:v55+s16+$0x0], $0xffff  }
0x202: {  	v63 =	vadd.s32 $0x119, v25;
	v44 =	vld.idx.msk [tilespmem:v61+s16+$0x0], $0xffff;
	v61 =	vmul.f32 v45, v1;
	v39 =	vadd.f32 v57, v39  }
0x203: {  	v35 =	vadd.f32 $0.0e+00, v60;
	v60 =	vmul.f32 v49, v4;
	v49 =	vld.idx.msk [tilespmem:v50+s16+$0x0], $0xffff;
	v50 =	vadd.s32 $0x120, v25  }
0x204: {  	v45 =	vld.idx.msk [tilespmem:v54+s16+$0x0], $0xffff;
	v55 =	vmul.f32 $1.442695020e+00, v62;
	v62 =	vadd.s32 $0x11C, v25;
	v48 =	vmul.f32 v48, v29  }
0x205: {  	v56 =	vadd.s32 $0x11D, v25;
	v52 =	vld.idx.msk [tilespmem:v58+s16+$0x0], $0xffff  }
0x206: {  	v58 =	vadd.s32 $0x136, v25;
	v39 =	vadd.f32 v59, v39;
	v35 =	vadd.f32 v48, v35;
	v48 =	vld.idx.msk [tilespmem:v51+s16+$0x0], $0xffff  }
0x207: {  	v38 =	vmul.f32 v38, v27;
	v51 =	vadd.s32 $0x11F, v25;
	v37 =	vld.idx.msk [tilespmem:v63+s16+$0x0], $0xffff  }
0x208: {  	v40 =	vmul.f32 v40, v2;
	v39 =	vadd.f32 v61, v39;
	v63 =	vadd.s32 $0x11E, v25;
	v50 =	vld.idx.msk [tilespmem:v50+s16+$0x0], $0xffff  }
0x209: {  	v54 =	vadd.s32 $0x121, v25;
	v61 =	vmul.f32 v46, v24;
	v35 =	vadd.f32 v38, v35;
	v46 =	vld.idx.msk [tilespmem:v62+s16+$0x0], $0xffff  }
0x20a: {  	v39 =	vadd.f32 v40, v39;
	v62 =	vmul.f32 v53, v7;
	v53 =	vld.idx.msk [tilespmem:v56+s16+$0x0], $0xffff;
	v56 =	vadd.s32 $0x122, v25  }
0x20b: {  	v57 =	vmul.f32 v36, v22;
	v59 =	vld.idx.msk [tilespmem:v58+s16+$0x0], $0xffff;
	v38 =	vadd.f32 v61, v35;
	v61 =	vadd.s32 $0x125, v25  }
0x20c: {  	v39 =	vadd.f32 v60, v39;
	v60 =	vmul.f32 v42, v11;
	v35 =	vld.idx.msk [tilespmem:v51+s16+$0x0], $0xffff;
	v42 =	vadd.s32 $0x124, v25  }
0x20d: {  	v47 =	vmul.f32 v47, v19;
	v36 =	vld.idx.msk [tilespmem:v63+s16+$0x0], $0xffff;
	v63 =	vadd.s32 $0x123, v25;
	v38 =	vadd.f32 v57, v38  }
0x20e: {  	v57 =	vadd.s32 $0x129, v25;
	v39 =	vadd.f32 v62, v39;
	v62 =	vmul.f32 v43, v14;
	v43 =	vld.idx.msk [tilespmem:v54+s16+$0x0], $0xffff  }
0x20f: {  	(erf) = vpow2.f32 v55;
	v54 =	vadd.s32 $0x126, v25;
	v38 =	vadd.f32 v47, v38;
	v47 =	vld.idx.msk [tilespmem:v56+s16+$0x0], $0xffff  }
0x210: {  	v44 =	vmul.f32 v44, v17;
	v48 =	vmul.f32 v48, v1;
	v56 =	vadd.s32 $0x130, v25;
	v51 =	vld.idx.msk [tilespmem:v61+s16+$0x0], $0xffff  }
0x211: {  	v39 =	vadd.f32 v60, v39;
	v60 =	vmul.f32 v45, v15;
	v45 =	vadd.s32 $0x131, v25;
	v42 =	vld.idx.msk [tilespmem:v42+s16+$0x0], $0xffff  }
0x212: {  	v37 =	vmul.f32 v37, v6;
	v38 =	vadd.f32 v44, v38;
	v40 =	vld.idx.msk [tilespmem:v63+s16+$0x0], $0xffff;
	v63 =	vadd.s32 $0x127, v25  }
0x213: {  	v50 =	vmul.f32 v50, v31;
	v61 =	vadd.s32 $0x128, v25;
	v39 =	vadd.f32 v62, v39;
	v55 =	vld.idx.msk [tilespmem:v57+s16+$0x0], $0xffff  }
0x214: {  	v62 =	vmul.f32 v52, v12;
	v38 =	vadd.f32 v60, v38;
	v52 =	vld.idx.msk [tilespmem:v54+s16+$0x0], $0xffff;
	v54 =	vadd.s32 $0x132, v25  }
0x215: {  	v50 =	vadd.f32 $0.0e+00, v50;
	v43 =	vmul.f32 v43, v29;
	v60 =	vadd.s32 $0x12A, v25;
	v56 =	vld.idx.msk [tilespmem:v56+s16+$0x0], $0xffff  }
0x216: {  	v58 =	vmul.f32 v46, v4;
	v38 =	vadd.f32 v62, v38;
	v45 =	vld.idx.msk [tilespmem:v45+s16+$0x0], $0xffff;
	v62 =	vadd.s32 $0x12B, v25  }
0x217: {  	v47 =	vmul.f32 v47, v27;
	v43 =	vadd.f32 v43, v50;
	v41 =	vld.idx.msk [tilespmem:v63+s16+$0x0], $0xffff;
	v63 =	vadd.s32 $0x133, v25  }
0x218: {  	v39 =	vmul.f32 $1.442695020e+00, v39;
	v37 =	vadd.f32 v37, v38;
	v38 =	vld.idx.msk [tilespmem:v61+s16+$0x0], $0xffff;
	v61 =	vadd.s32 $0x134, v25  }
0x219: {  	v57 =	vadd.s32 $0x135, v25;
	v43 =	vadd.f32 v47, v43;
	v40 =	vmul.f32 v40, v24;
	v54 =	vld.idx.msk [tilespmem:v54+s16+$0x0], $0xffff  }
0x21a: {  	(erf) = vpow2.f32 v39;
	v42 =	vmul.f32 v42, v22;
	v50 =	vld.idx.msk [tilespmem:v60+s16+$0x0], $0xffff;
	v60 =	vadd.s32 $0x12D, v25  }
0x21b: {  	v56 =	vmul.f32 v56, v31;
	v40 =	vadd.f32 v40, v43;
	v43 =	vadd.s32 $0x12C, v25;
	v47 =	vld.idx.msk [tilespmem:v62+s16+$0x0], $0xffff  }
0x21c: {  	v37 =	vadd.f32 v48, v37;
	v31 =	vmul.f32 v33, v31;
	v45 =	vmul.f32 v45, v29;
	v44 =	vld.idx.msk [tilespmem:v63+s16+$0x0], $0xffff  }
0x21d: {  	v62 =	vmul.f32 v52, v17;
	v56 =	vadd.f32 $0.0e+00, v56;
	v39 =	vld.idx.msk [tilespmem:v61+s16+$0x0], $0xffff;
	v61 =	vadd.s32 $0x137, v25  }
0x21e: {  	v29 =	vmul.f32 v32, v29;
	v40 =	vadd.f32 v42, v40;
	v63 =	vmul.f32 v51, v19  }
0x21f: {  	v42 =	vmul.f32 v59, v17;
	v45 =	vadd.f32 v45, v56;
	v54 =	vmul.f32 v54, v27  }
0x220: {  	v57 =	vld.idx.msk [tilespmem:v57+s16+$0x0], $0xffff;
	v31 =	vadd.f32 $0.0e+00, v31;
	v40 =	vadd.f32 v63, v40;
	v63 =	vadd.s32 $0x12E, v25  }
0x221: {  	v30 =	vld.idx.msk [tilespmem:v30+s15+$0x0], $0xffff;
	v45 =	vadd.f32 v54, v45;
	v54 =	vadd.s32 $0x138, v25;
	v44 =	vmul.f32 v44, v24  }
0x222: {  	v17 =	vmul.f32 v21, v17;
	v41 =	vmul.f32 v41, v15;
	v40 =	vadd.f32 v62, v40;
	v61 =	vld.idx.msk [tilespmem:v61+s16+$0x0], $0xffff  }
0x223: {  	v28 =	vld.idx.msk [tilespmem:v28+s15+$0x0], $0xffff;
	v39 =	vmul.f32 v39, v22;
	v44 =	vadd.f32 v44, v45;
	v45 =	vadd.s32 $0x139, v25  }
0x224: {  	v38 =	vmul.f32 v38, v12;
	v48 =	vld.idx.msk [tilespmem:v60+s16+$0x0], $0xffff;
	v60 =	vmul.f32 v49, v2;
	v40 =	vadd.f32 v41, v40  }
0x225: {  	v62 =	vmul.f32 v57, v19;
	v57 =	vadd.s32 $0x13A, v25;
	v51 =	vld.idx.msk [tilespmem:v63+s16+$0x0], $0xffff;
	v39 =	vadd.f32 v39, v44  }
0x226: {  	v37 =	vadd.f32 v60, v37;
	v63 =	vmul.f32 v55, v6;
	v38 =	vadd.f32 v38, v40;
	v56 =	vld.idx.msk [tilespmem:v54+s16+$0x0], $0xffff  }
0x227: {  	v26 =	vld.idx.msk [tilespmem:v26+s15+$0x0], $0xffff;
	v60 =	vmul.f32 v61, v15;
	v61 =	vadd.s32 $0x13B, v25;
	v39 =	vadd.f32 v62, v39  }
0x228: {  	v59 =	vmul.f32 v50, v1;
	v29 =	vadd.f32 v29, v31;
	v27 =	vmul.f32 v30, v27;
	v45 =	vld.idx.msk [tilespmem:v45+s16+$0x0], $0xffff  }
0x229: {  	v38 =	vadd.f32 v63, v38;
	v63 =	vadd.s32 $0x13C, v25;
	v39 =	vadd.f32 v42, v39  }
0x22a: {  	v50 =	vmul.f32 v53, v7;
	v27 =	vadd.f32 v27, v29;
	v37 =	vadd.f32 v58, v37;
	v53 =	vld.idx.msk [tilespmem:v57+s16+$0x0], $0xffff  }
0x22b: {  	v43 =	vld.idx.msk [tilespmem:v43+s16+$0x0], $0xffff;
	v54 =	vadd.s32 $0x13D, v25;
	v41 =	vmul.f32 v56, v12;
	v39 =	vadd.f32 v60, v39  }
0x22c: {  	v58 =	vadd.s32 $0x13E, v25;
	v24 =	vmul.f32 v28, v24;
	v22 =	vmul.f32 v26, v22;
	v56 =	vld.idx.msk [tilespmem:v61+s16+$0x0], $0xffff  }
0x22d: {  	v23 =	vld.idx.msk [tilespmem:v23+s15+$0x0], $0xffff;
	v44 =	vadd.s32 $0x12F, v25;
	v39 =	vadd.f32 v41, v39;
	v55 =	vmul.f32 v45, v6  }
0x22e: {  	v25 =	vadd.s32 $0x13F, v25;
	v62 =	vmul.f32 v47, v2;
	v38 =	vadd.f32 v59, v38;
	v59 =	vld.idx.msk [tilespmem:v63+s16+$0x0], $0xffff  }
0x22f: {  	v20 =	vld.idx.msk [tilespmem:v20+s15+$0x0], $0xffff;
	v33 =	vadd.f32 v50, v37;
	v61 =	vmul.f32 v53, v1;
	v32 =	vadd.f32 v55, v39  }
0x230: {  	v43 =	vmul.f32 v43, v4;
	v24 =	vadd.f32 v24, v27;
	v38 =	vadd.f32 v62, v38;
	v63 =	vld.idx.msk [tilespmem:v54+s16+$0x0], $0xffff  }
0x231: {  	v37 =	vld.idx.msk [tilespmem:v58+s16+$0x0], $0xffff;
	v60 =	vmul.f32 v36, v11;
	v36 =	vmul.f32 v56, v2;
	v32 =	vadd.f32 v61, v32  }
0x232: {  	v19 =	vmul.f32 v23, v19;
	v44 =	vld.idx.msk [tilespmem:v44+s16+$0x0], $0xffff;
	v62 =	vmul.f32 v48, v7;
	v57 =	vadd.f32 v43, v38  }
0x233: {  	v22 =	vadd.f32 v22, v24;
	v25 =	vld.idx.msk [tilespmem:v25+s16+$0x0], $0xffff;
	v30 =	vmul.f32 v59, v4;
	v32 =	vadd.f32 v36, v32  }
0x234: {  	v38 =	vmul.f32 v35, v14;
	v31 =	vadd.f32 v60, v33;
	v28 =	vadd.f32 v62, v57  }
0x235: {  	v18 =	vld.idx.msk [tilespmem:v18+s15+$0x0], $0xffff;
	v39 =	vmul.f32 v51, v11;
	v42 =	vmul.f32 v63, v7;
	v41 =	vadd.f32 v30, v32  }
0x236: {  	v19 =	vadd.f32 v19, v22;
	v45 =	vmul.f32 v37, v11;
	v40 =	vadd.f32 v38, v31  }
0x237: {  	v16 =	vld.idx.msk [tilespmem:v16+s15+$0x0], $0xffff;
	v43 =	vmul.f32 v44, v14;
	v28 =	vadd.f32 v39, v28;
	v44 =	vadd.f32 v42, v41  }
0x238: {  	v15 =	vmul.f32 v20, v15;
	v17 =	vadd.f32 v17, v19;
	v49 =	vmul.f32 v25, v14  }
0x239: {  	v13 =	vld.idx.msk [tilespmem:v13+s15+$0x0], $0xffff;
	v46 =	vpop (erf);
	v23 =	vmul.f32 $1.442695020e+00, v40;
	v47 =	vadd.f32 v43, v28;
	v48 =	vadd.f32 v45, v44  }
0x23a: {  	v19 =	vadd.f32 v46, v34;
	v12 =	vmul.f32 v18, v12;
	v15 =	vadd.f32 v15, v17  }
0x23b: {  	v9 =	vld.idx.msk [tilespmem:v9+s15+$0x0], $0xffff;
	(erf) = vpow2.f32 v23;
	v50 =	vmul.f32 $1.442695020e+00, v47;
	v51 =	vadd.f32 v49, v48  }
0x23c: {  	v52 =	vpop (erf);
	v12 =	vadd.f32 v12, v15;
	v6 =	vmul.f32 v16, v6  }
0x23d: {  	v3 =	vld.idx.msk [tilespmem:v3+s15+$0x0], $0xffff;
	v53 =	vadd.f32 v52, v19;
	(erf) = vpow2.f32 v50;
	v54 =	vmul.f32 $1.442695020e+00, v51  }
0x23e: {  	v1 =	vmul.f32 v13, v1;
	v6 =	vadd.f32 v6, v12;
	v55 =	vpop (erf)  }
0x23f: {  	v5 =	vld.idx.msk [tilespmem:v5+s15+$0x0], $0xffff;
	v56 =	vadd.f32 v55, v53;
	(erf) = vpow2.f32 v54  }
0x240: {  	v2 =	vmul.f32 v9, v2;
	v1 =	vadd.f32 v1, v6;
	v57 =	vpop (erf)  }
0x241: {  	v8 =	vld.idx.msk [tilespmem:v8+s15+$0x0], $0xffff;
	v58 =	vadd.f32 v57, v56  }
0x242: {  	v59 =	vpop (erf);
	v1 =	vadd.f32 v2, v1;
	v2 =	vmul.f32 v3, v4  }
0x243: {  	v60 =	vld.idx.msk [tilespmem:v10+s15+$0x0], $0xffff;
	v3 =	vadd.f32 v59, v58  }
0x244: {  	v1 =	vadd.f32 v2, v1;
	v2 =	vmul.f32 v5, v7;
	v61 =	vpop (erf)  }
0x245: {  	v3 =	vadd.f32 v61, v3  }
0x246: {  	v1 =	vadd.f32 v2, v1;
	v2 =	vmul.f32 v8, v11;
	v62 =	vpop (erf)  }
0x247: {  	p0 =	sne.s32 s28, $0x70;
	v3 =	vadd.f32 v62, v3  }
.Ltmp1:
0x248: {  	v1 =	vadd.f32 v2, v1;
	v2 =	vmul.f32 v60, v14;
	v63 =	vpop (erf);
	(pc) =	sbr.rel @p0 .LBB2_4-.Ltmp1, $4  }
0x249: {  	v3 =	vadd.f32 v63, v3  }
0x24a: {  	v1 =	vadd.f32 v2, v1  }
0x24b: {  	[tilespmem:s29+$0x0] =	vst v3  }
0x24c: {  	s28 =	sadd.s32 $0x10, s28;
	s29 =	sadd.s32 $0x10, s29;
	[tilespmem:s30+$0x0] =	vst v1;
	s30 =	sadd.s32 $0x10, s30  }
0x24d: {  	[hbm4b:s8+s2] =	stream.linear.scatter [tilespmem:s24], [sflag:$0x2], $0x80, $0x38;
	[tilespmem:$0xBC00] =	vst v63  }
0x24e: {  	s26 =	sadd.s32 $0x1, s26;
	_ =	swait.ge [sflag:s11], $0x80  }
0x24f: {  	p0 =	sne.s32 s26, s10;
	[sflag:s11] =	ssyncset.done $0x0  }
.Ltmp2:
0x250: {  	[sflag:s11] =	ssyncadd.s32 $0xFFFFFF80;
	(pc) =	sbr.rel @p0 .LBB2_1-.Ltmp2, $4  }
0x251: {  	[hbm4b:s9+s2] =	stream.linear.scatter [tilespmem:s25], [sflag:$0x2], $0x80, $0x38;
	[tilespmem:$0xBC00] =	vst v63  }
0x252: {  	_ =	swait.ge [sflag:s11], $0x80  }
0x253: {  	[sflag:s11] =	ssyncset.done $0x0  }
0x254: {  	[sflag:s11] =	ssyncadd.s32 $0xFFFFFF80  }
0x255: {  	_ =	sfence.sel $0x180000  }
0x256: {  	[bflag:$0x0] =	sbarrier.arrive $0xFFFF  }
0x257: {  	_ =	strace $0x90000047  }
0x258: {  	s0 =	stileid.u32;
	[bflag:$0x2] =	sbarrier.arrive $0xFFFF  }
0x259: {  	p0 =	sne.s32 s0, $0x0;
	s0 =	rddreg [dreg:$0x3]  }
0x25a: {  	s0 =	sadd.s32 @!p0 $0x100000, s0  }
0x25b: {  	[sflag:s0] =	ssyncadd.tile.s32 @!p0 $0x1;
	_ =	shalt  }
.Lfunc_end2:
_tile_overlayer_lowered:
.L_overlay_start_2:
0x25c: {  	(tag) =	ssettag $0x2  }
0x25d: {  	s0 =	rddreg [dreg:$0x0];
	s2 =	stileid.u32  }
0x25e: {  	s1 =	rddreg [dreg:$0x1];
	p0 =	sne.s32 s2, $0x0  }
0x25f: {  	s3 =	rddreg [dreg:$0x2];
	[bflag:$0x3] =	sbarrier.arrive $0xFFFF;
	s2 =	simm.s32 @!p0 $0x1C02  }
0x260: {  	[timem:s3], [sflag:s2] =	dma.local @!p0 [hbm:s0], s1  }
0x261: {  	s0 =	simm.s32 @!p0 $0x2  }
0x262: {  	_ =	swait.ge @!p0 [sflag:s0], s1  }
0x263: {  	s1 =	ssub.s32 @!p0 $0x0, s1;
	[sflag:s0] =	ssyncset.done @!p0 $0x0  }
0x264: {  	[sflag:s0] =	ssyncadd.s32 @!p0 s1  }
0x265: {  	[bflag:$0x3] =	sbarrier.arrive $0xFFFF  }
0x266: {  	_ =	shalt  }

</sc_bundles>
